<compile_context>
chip_gen: v7x
topology: tpu7x:2x2x1
jax: 0.10.2.dev20260603
libtpu: 0.0.44.dev20260713+nightly
codegen_flags: <defaults>
</compile_context>

<pallas_src>
import functools

import jax
import jax.numpy as jnp
from jax import lax
from jax.experimental import pallas as pl
from jax.experimental.pallas import tpu as pltpu
from jax.experimental.pallas import tpu_sc as plsc

_NC, _NS = 2, 16
_NW = _NC * _NS
_B = 500


def _sc_mesh():
    return plsc.VectorSubcoreMesh(core_axis_name="c", subcore_axis_name="s",
                                  num_cores=_NC, num_subcores=_NS)


@functools.cache
def _deg_kernel(n, e):
    epw = e // _NW

    @functools.partial(
        pl.kernel,
        out_type=jax.ShapeDtypeStruct((_NW, n), jnp.float32),
        mesh=_sc_mesh(),
        scratch_types=[pltpu.VMEM((epw,), jnp.int32),
                       pltpu.VMEM((n,), jnp.float32)],
        compiler_params=pltpu.CompilerParams(needs_layout_passes=False),
    )
    def deg(dst_hbm, out_hbm, dst_v, hist_v):
        c = lax.axis_index("c")
        s = lax.axis_index("s")
        wid = s * _NC + c
        pltpu.sync_copy(dst_hbm.at[pl.ds(wid * epw, epw)], dst_v)
        zeros16 = jnp.zeros((16,), jnp.float32)

        def zbody(i, carry):
            hist_v[pl.ds(i * 16, 16)] = zeros16
            return carry

        lax.fori_loop(0, n // 16, zbody, 0)
        ones16 = jnp.ones((16,), jnp.float32)

        def abody(i, carry):
            plsc.addupdate_scatter(hist_v, [dst_v[pl.ds(i * 16, 16)]], ones16)
            return carry

        lax.fori_loop(0, epw // 16, abody, 0)
        pltpu.sync_copy(hist_v, out_hbm.at[wid])

    return deg


@functools.cache
def _scatter_kernel(n, e, w):
    epw = e // _NW
    nbw = epw // _B
    rpt = n // _NS

    @functools.partial(
        pl.kernel,
        out_type=jax.ShapeDtypeStruct((_NC, n, w), jnp.float32),
        mesh=_sc_mesh(),
        scratch_types=[
            pltpu.VMEM((nbw, _B), jnp.int32),
            pltpu.VMEM((nbw, _B), jnp.int32),
            pltpu.VMEM((_B, w), jnp.float32),
            pltpu.VMEM((_B, w), jnp.float32),
            pltpu.SemaphoreType.DMA,
            pltpu.SemaphoreType.DMA,
            pltpu.VMEM_SHARED((n, w), jnp.float32),
        ],
        compiler_params=pltpu.CompilerParams(needs_layout_passes=False,
                                             use_tc_tiling_on_sc=False),
    )
    def scat(src2_hbm, dst2_hbm, y_hbm, zero_hbm, out_hbm,
             src_v, dst_v, rows_a, rows_b, sem_a, sem_b, acc):
        c = lax.axis_index("c")
        s = lax.axis_index("s")
        wid = s * _NC + c
        pltpu.sync_copy(zero_hbm, acc.at[pl.ds(s * rpt, rpt)])
        pltpu.sync_copy(src2_hbm.at[pl.ds(wid * nbw, nbw)], src_v)
        pltpu.sync_copy(dst2_hbm.at[pl.ds(wid * nbw, nbw)], dst_v)
        plsc.subcore_barrier()

        npairs = nbw // 2
        pltpu.async_copy(y_hbm.at[src_v.at[0]], rows_a, sem_a)

        def body(p, carry):
            j0 = 2 * p
            pltpu.make_async_copy(y_hbm.at[src_v.at[j0]], rows_a, sem_a).wait()
            pltpu.async_copy(y_hbm.at[src_v.at[j0 + 1]], rows_b, sem_b)
            pltpu.sync_copy(rows_a, acc.at[dst_v.at[j0]], add=True)
            pltpu.make_async_copy(y_hbm.at[src_v.at[j0 + 1]], rows_b,
                                  sem_b).wait()

            @pl.when(p + 1 < npairs)
            def _():
                pltpu.async_copy(y_hbm.at[src_v.at[j0 + 2]], rows_a, sem_a)

            pltpu.sync_copy(rows_b, acc.at[dst_v.at[j0 + 1]], add=True)
            return carry

        lax.fori_loop(0, npairs, body, 0)
        plsc.subcore_barrier()
        pltpu.sync_copy(acc.at[pl.ds(s * rpt, rpt)],
                        out_hbm.at[c, pl.ds(s * rpt, rpt)])

    return scat


def _tc1_body(deg_ref, x_ref, w1_ref, dinv_ref, y1_ref):
    total = 1.0 + jnp.sum(deg_ref[...], axis=0)
    dinv = lax.rsqrt(total)[:, None]
    dinv_ref[...] = dinv
    y1_ref[...] = jnp.dot(x_ref[...], w1_ref[...],
                          preferred_element_type=jnp.float32) * dinv


def _tc2_body(sp_ref, y1_ref, dinv_ref, wc_ref, y2_ref):
    dinv = dinv_ref[...]
    h = jnp.maximum((sp_ref[0] + sp_ref[1] + y1_ref[...]) * dinv, 0.0)
    y2_ref[...] = jnp.dot(h, wc_ref[...],
                          preferred_element_type=jnp.float32) * dinv


def _tc3_body(sp_ref, y2_ref, dinv_ref, mlv_ref):
    mlv_ref[...] = (sp_ref[0] + sp_ref[1] + y2_ref[...]) * dinv_ref[...]


def _dec_body(mu_r_ref, mu_c_ref, out_ref):
    p = lax.dot_general(mu_r_ref[...], mu_c_ref[...],
                        (((1,), (1,)), ((), ())),
                        preferred_element_type=jnp.float32)
    out_ref[...] = jax.nn.sigmoid(p)


def kernel(x, edge_index, W1, Wmu, Wlv):
    n, _ = x.shape
    hdim = W1.shape[1]
    ldim = Wmu.shape[1]
    e = edge_index.shape[1]
    src2 = edge_index[0].reshape(e // _B, _B)
    dst2 = edge_index[1].reshape(e // _B, _B)

    deg_parts = _deg_kernel(n, e)(edge_index[1])

    dinv, y1 = pl.pallas_call(
        _tc1_body,
        out_shape=[jax.ShapeDtypeStruct((n, 1), jnp.float32),
                   jax.ShapeDtypeStruct((n, hdim), jnp.float32)],
    )(deg_parts, x, W1)

    s1 = _scatter_kernel(n, e, hdim)(
        src2, dst2, y1, jnp.zeros((n // _NS, hdim), jnp.float32))

    wc = jnp.concatenate([Wmu, Wlv], axis=1)
    y2 = pl.pallas_call(
        _tc2_body,
        out_shape=jax.ShapeDtypeStruct((n, 2 * ldim), jnp.float32),
    )(s1, y1, dinv, wc)

    s2 = _scatter_kernel(n, e, 2 * ldim)(
        src2, dst2, y2, jnp.zeros((n // _NS, 2 * ldim), jnp.float32))

    mlv = pl.pallas_call(
        _tc3_body,
        out_shape=jax.ShapeDtypeStruct((n, 2 * ldim), jnp.float32),
    )(s2, y2, dinv)

    mu = mlv[:, :ldim]
    logvar = mlv[:, ldim:]

    br = 400
    adj = pl.pallas_call(
        _dec_body,
        grid=(n // br,),
        in_specs=[pl.BlockSpec((br, ldim), lambda i: (i, 0)),
                  pl.BlockSpec((n, ldim), lambda i: (0, 0))],
        out_specs=pl.BlockSpec((br, n), lambda i: (i, 0)),
        out_shape=jax.ShapeDtypeStruct((n, n), jnp.float32),
    )(mu, mu)

    return adj, mu, logvar

# --- scband reference (transcript-rebuilt; emitter-appended) ---
"""Pipeline reference for scband-vgae-23776938951028 (READ-ONLY COPY).

The authoritative reference and input builder live on the scoring server;
editing this copy changes nothing except your own understanding.
"""

import jax, jax.numpy as jnp
import numpy as np


def _gcn(x, W, src, dst, n):
    # GCNConv: D^{-1/2} (A + I) D^{-1/2} X W  (no bias)
    h = x @ W
    loop = jnp.arange(n, dtype=src.dtype)
    s = jnp.concatenate([src, loop])
    d = jnp.concatenate([dst, loop])
    deg = jnp.zeros((n,), x.dtype).at[d].add(1.0)
    dinv = jax.lax.rsqrt(jnp.maximum(deg, 1.0))
    norm = dinv[s] * dinv[d]
    msg = h[s] * norm[:, None]
    out = jnp.zeros((n, W.shape[1]), x.dtype).at[d].add(msg)
    return out


def setup_inputs(seed: int = 0) -> dict:
    key = jax.random.key(seed)
    ks = jax.random.split(key, 5)
    N, F, H, L, E = 10000, 128, 64, 16, 320000
    x = jax.random.normal(ks[0], (N, F), dtype=jnp.float32)
    edge_index = jax.random.randint(ks[1], (2, E), 0, N, dtype=jnp.int32)
    W1 = jax.random.normal(ks[2], (F, H), dtype=jnp.float32) * 0.1
    Wmu = jax.random.normal(ks[3], (H, L), dtype=jnp.float32) * 0.1
    Wlv = jax.random.normal(ks[4], (H, L), dtype=jnp.float32) * 0.1
    return {"x": x, "edge_index": edge_index, "W1": W1, "Wmu": Wmu, "Wlv": Wlv}


def reference(x, edge_index, W1, Wmu, Wlv):
    # VGAE forward in eval mode: dropout is identity, reparameterize returns mu
    N = x.shape[0]
    src, dst = edge_index[0], edge_index[1]
    h = jax.nn.relu(_gcn(x, W1, src, dst, N))
    mu = _gcn(h, Wmu, src, dst, N)
    logvar = _gcn(h, Wlv, src, dst, N)
    z = mu
    adj = jax.nn.sigmoid(z @ z.T)
    return (adj, mu, logvar)

if __name__ == "__main__":
    import jax
    _d = setup_inputs()
    print(jax.jit(kernel)(*tuple(_d.values())))

</pallas_src>

<mosaic_0001>
#map = affine_map<(d0, d1) -> (0)>
#map1 = affine_map<(d0, d1) -> (0, 0)>
module attributes {stable_mosaic.version = 14 : i64} {
  func.func @deg(%arg0: i32, %arg1: i32, %arg2: memref<320000xi32, #tpu.memory_space<hbm>>, %arg3: memref<32x10000xf32, #tpu.memory_space<hbm>>, %arg4: memref<10000xi32, #tpu.memory_space<vmem>>, %arg5: memref<10000xf32, #tpu.memory_space<vmem>>) attributes {dimension_semantics = [#tpu.dimension_semantics<core_parallel>, #tpu.dimension_semantics<subcore_parallel>], iteration_bounds = array<i64: 2, 16>, scalar_prefetch = 0 : i64, scratch_operands = 2 : i64, tpu.core_type = #tpu.core_type<sc_vector_subcore>, window_params = [{transform_indices = #map}, {transform_indices = #map1}]} {
    %mul3A = arith.constant 2 : i32
    %mul3A_0 = arith.muli %arg1, %mul3A : i32
    %add3A = arith.addi %mul3A_0, %arg0 : i32
    %mul3A_1 = arith.constant 10000 : i32
    %mul3A_2 = arith.muli %add3A, %mul3A_1 : i32
    "tpu.region"() ({
      %run_scoped3A = tpu.sem_alloc : memref<!tpu.dma_semaphore, #tpu.memory_space<semaphore_mem>>
      %dma_start3A = tpu.memref_slice %arg2[%mul3A_2] : memref<320000xi32, #tpu.memory_space<hbm>> -> memref<10000xi32, #tpu.memory_space<hbm>>
      %dma_start3A_17 = tpu.memref_slice %arg2[%mul3A_2] : memref<320000xi32, #tpu.memory_space<hbm>> -> memref<10000xi32, #tpu.memory_space<hbm>>
      tpu.enqueue_dma source(%dma_start3A_17 : memref<10000xi32, #tpu.memory_space<hbm>>) target(%arg4 : memref<10000xi32, #tpu.memory_space<vmem>>) target_semaphore(%run_scoped3A : memref<!tpu.dma_semaphore, #tpu.memory_space<semaphore_mem>>)
      %dma_wait3A = tpu.memref_slice %arg2[%mul3A_2] : memref<320000xi32, #tpu.memory_space<hbm>> -> memref<10000xi32, #tpu.memory_space<hbm>>
      %dma_wait3A_18 = tpu.memref_slice %arg2[%mul3A_2] : memref<320000xi32, #tpu.memory_space<hbm>> -> memref<10000xi32, #tpu.memory_space<hbm>>
      tpu.wait_dma2 semaphore(%run_scoped3A : memref<!tpu.dma_semaphore, #tpu.memory_space<semaphore_mem>>) src(%dma_wait3A_18 : memref<10000xi32, #tpu.memory_space<hbm>>) dst(%arg4 : memref<10000xi32, #tpu.memory_space<vmem>>)
      tpu.yield
    }) : () -> ()
    %broadcast_in_dim3A = arith.constant 0.000000e+00 : f32
    %broadcast_in_dim3A_3 = vector.broadcast %broadcast_in_dim3A : f32 to vector<16xf32>
    %scan3A = arith.constant 0 : i32
    %scan3A_4 = arith.constant 0 : i32
    %scan3A_5 = arith.constant 625 : i32
    %scan3A_6 = arith.addi %scan3A_4, %scan3A_5 : i32
    %scan3A_7 = arith.constant 1 : i32
    scf.for %scan3A_17 = %scan3A_4 to %scan3A_6 step %scan3A_7  : i32 {
      %mul3A_18 = arith.constant 16 : i32
      %mul3A_19 = arith.muli %scan3A_17, %mul3A_18 : i32
      %swap3A = arith.index_cast %mul3A_19 : i32 to index
      %swap3A_20 = tpu.vector_load %arg5[%swap3A] {strides = array<i32>} : memref<10000xf32, #tpu.memory_space<vmem>>, vector<16xf32>,
      tpu.vector_store %arg5[%swap3A], %broadcast_in_dim3A_3 {strides = array<i32>} : memref<10000xf32, #tpu.memory_space<vmem>>, vector<16xf32>,
    }
    %scan3A_8 = arith.constant 625 : i32
    %broadcast_in_dim3A_9 = arith.constant 1.000000e+00 : f32
    %broadcast_in_dim3A_10 = vector.broadcast %broadcast_in_dim3A_9 : f32 to vector<16xf32>
    %scan3A_11 = arith.constant 0 : i32
    %scan3A_12 = arith.constant 0 : i32
    %scan3A_13 = arith.constant 625 : i32
    %scan3A_14 = arith.addi %scan3A_12, %scan3A_13 : i32
    %scan3A_15 = arith.constant 1 : i32
    scf.for %scan3A_17 = %scan3A_12 to %scan3A_14 step %scan3A_15  : i32 {
      %mul3A_18 = arith.constant 16 : i32
      %mul3A_19 = arith.muli %scan3A_17, %mul3A_18 : i32
      %get3A = arith.index_cast %mul3A_19 : i32 to index
      %get3A_20 = tpu.vector_load %arg4[%get3A] {strides = array<i32>} : memref<10000xi32, #tpu.memory_space<vmem>>, vector<16xi32>,
      tpu.vector_store_idx %arg5[%get3A_20], %broadcast_in_dim3A_10 {add = true} : memref<10000xf32, #tpu.memory_space<vmem>>[vector<16xi32>], vector<16xf32>,
    }
    %scan3A_16 = arith.constant 625 : i32
    "tpu.region"() ({
      %run_scoped3A = tpu.sem_alloc : memref<!tpu.dma_semaphore, #tpu.memory_space<semaphore_mem>>
      %dma_start3A = arith.constant 0 : i32
      %dma_start3A_17 = tpu.memref_slice %arg3[%add3A, %dma_start3A] : memref<32x10000xf32, #tpu.memory_space<hbm>> -> memref<1x10000xf32, #tpu.memory_space<hbm>>
      %dma_start3A_18 = tpu.memref_squeeze %dma_start3A_17 : memref<1x10000xf32, #tpu.memory_space<hbm>> -> memref<10000xf32, #tpu.memory_space<hbm>>
      %dma_start3A_19 = arith.constant 0 : i32
      %dma_start3A_20 = tpu.memref_slice %arg3[%add3A, %dma_start3A_19] : memref<32x10000xf32, #tpu.memory_space<hbm>> -> memref<1x10000xf32, #tpu.memory_space<hbm>>
      %dma_start3A_21 = tpu.memref_squeeze %dma_start3A_20 : memref<1x10000xf32, #tpu.memory_space<hbm>> -> memref<10000xf32, #tpu.memory_space<hbm>>
      tpu.enqueue_dma source(%arg5 : memref<10000xf32, #tpu.memory_space<vmem>>) target(%dma_start3A_21 : memref<10000xf32, #tpu.memory_space<hbm>>) target_semaphore(%run_scoped3A : memref<!tpu.dma_semaphore, #tpu.memory_space<semaphore_mem>>)
      %dma_wait3A = arith.constant 0 : i32
      %dma_wait3A_22 = tpu.memref_slice %arg3[%add3A, %dma_wait3A] : memref<32x10000xf32, #tpu.memory_space<hbm>> -> memref<1x10000xf32, #tpu.memory_space<hbm>>
      %dma_wait3A_23 = tpu.memref_squeeze %dma_wait3A_22 : memref<1x10000xf32, #tpu.memory_space<hbm>> -> memref<10000xf32, #tpu.memory_space<hbm>>
      %dma_wait3A_24 = arith.constant 0 : i32
      %dma_wait3A_25 = tpu.memref_slice %arg3[%add3A, %dma_wait3A_24] : memref<32x10000xf32, #tpu.memory_space<hbm>> -> memref<1x10000xf32, #tpu.memory_space<hbm>>
      %dma_wait3A_26 = tpu.memref_squeeze %dma_wait3A_25 : memref<1x10000xf32, #tpu.memory_space<hbm>> -> memref<10000xf32, #tpu.memory_space<hbm>>
      tpu.wait_dma2 semaphore(%run_scoped3A : memref<!tpu.dma_semaphore, #tpu.memory_space<semaphore_mem>>) src(%arg5 : memref<10000xf32, #tpu.memory_space<vmem>>) dst(%dma_wait3A_26 : memref<10000xf32, #tpu.memory_space<hbm>>)
      tpu.yield
    }) : () -> ()
    return
  }
}

#map = affine_map<(d0, d1) -> (0, 0)>
#map1 = affine_map<(d0, d1) -> (0, 0, 0)>
module attributes {stable_mosaic.version = 14 : i64} {
  func.func @scat(%arg0: i32, %arg1: i32, %arg2: memref<640x500xi32, #tpu.memory_space<hbm>>, %arg3: memref<640x500xi32, #tpu.memory_space<hbm>>, %arg4: memref<10000x32xf32, #tpu.memory_space<hbm>>, %arg5: memref<625x32xf32, #tpu.memory_space<hbm>>, %arg6: memref<2x10000x32xf32, #tpu.memory_space<hbm>>, %arg7: memref<20x500xi32, #tpu.memory_space<vmem>>, %arg8: memref<20x500xi32, #tpu.memory_space<vmem>>, %arg9: memref<500x32xf32, #tpu.memory_space<vmem>>, %arg10: memref<500x32xf32, #tpu.memory_space<vmem>>, %arg11: memref<!tpu.dma_semaphore, #tpu.memory_space<semaphore_mem>>, %arg12: memref<!tpu.dma_semaphore, #tpu.memory_space<semaphore_mem>>, %arg13: memref<10000x32xf32, #tpu.memory_space<vmem_shared>>) attributes {dimension_semantics = [#tpu.dimension_semantics<core_parallel>, #tpu.dimension_semantics<subcore_parallel>], iteration_bounds = array<i64: 2, 16>, scalar_prefetch = 0 : i64, scratch_operands = 7 : i64, tpu.core_type = #tpu.core_type<sc_vector_subcore>, window_params = [{transform_indices = #map}, {transform_indices = #map}, {transform_indices = #map}, {transform_indices = #map}, {transform_indices = #map1}]} {
    %mul3A = arith.constant 2 : i32
    %mul3A_0 = arith.muli %arg1, %mul3A : i32
    %add3A = arith.addi %mul3A_0, %arg0 : i32
    %mul3A_1 = arith.constant 625 : i32
    %mul3A_2 = arith.muli %arg1, %mul3A_1 : i32
    "tpu.region"() ({
      %run_scoped3A = tpu.sem_alloc : memref<!tpu.dma_semaphore, #tpu.memory_space<semaphore_mem>>
      %dma_start3A_23 = arith.constant 0 : i32
      %dma_start3A_24 = tpu.memref_slice %arg13[%mul3A_2, %dma_start3A_23] : memref<10000x32xf32, #tpu.memory_space<vmem_shared>> -> memref<625x32xf32, #tpu.memory_space<vmem_shared>>
      tpu.enqueue_dma source(%arg5 : memref<625x32xf32, #tpu.memory_space<hbm>>) target(%dma_start3A_24 : memref<625x32xf32, #tpu.memory_space<vmem_shared>>) target_semaphore(%run_scoped3A : memref<!tpu.dma_semaphore, #tpu.memory_space<semaphore_mem>>)
      %dma_wait3A = arith.constant 0 : i32
      %dma_wait3A_25 = tpu.memref_slice %arg13[%mul3A_2, %dma_wait3A] : memref<10000x32xf32, #tpu.memory_space<vmem_shared>> -> memref<625x32xf32, #tpu.memory_space<vmem_shared>>
      tpu.wait_dma2 semaphore(%run_scoped3A : memref<!tpu.dma_semaphore, #tpu.memory_space<semaphore_mem>>) src(%arg5 : memref<625x32xf32, #tpu.memory_space<hbm>>) dst(%dma_wait3A_25 : memref<625x32xf32, #tpu.memory_space<vmem_shared>>)
      tpu.yield
    }) : () -> ()
    %mul3A_3 = arith.constant 20 : i32
    %mul3A_4 = arith.muli %add3A, %mul3A_3 : i32
    "tpu.region"() ({
      %run_scoped3A = tpu.sem_alloc : memref<!tpu.dma_semaphore, #tpu.memory_space<semaphore_mem>>
      %dma_start3A_23 = arith.constant 0 : i32
      %dma_start3A_24 = tpu.memref_slice %arg2[%mul3A_4, %dma_start3A_23] : memref<640x500xi32, #tpu.memory_space<hbm>> -> memref<20x500xi32, #tpu.memory_space<hbm>>
      %dma_start3A_25 = arith.constant 0 : i32
      %dma_start3A_26 = tpu.memref_slice %arg2[%mul3A_4, %dma_start3A_25] : memref<640x500xi32, #tpu.memory_space<hbm>> -> memref<20x500xi32, #tpu.memory_space<hbm>>
      tpu.enqueue_dma source(%dma_start3A_26 : memref<20x500xi32, #tpu.memory_space<hbm>>) target(%arg7 : memref<20x500xi32, #tpu.memory_space<vmem>>) target_semaphore(%run_scoped3A : memref<!tpu.dma_semaphore, #tpu.memory_space<semaphore_mem>>)
      %dma_wait3A = arith.constant 0 : i32
      %dma_wait3A_27 = tpu.memref_slice %arg2[%mul3A_4, %dma_wait3A] : memref<640x500xi32, #tpu.memory_space<hbm>> -> memref<20x500xi32, #tpu.memory_space<hbm>>
      %dma_wait3A_28 = arith.constant 0 : i32
      %dma_wait3A_29 = tpu.memref_slice %arg2[%mul3A_4, %dma_wait3A_28] : memref<640x500xi32, #tpu.memory_space<hbm>> -> memref<20x500xi32, #tpu.memory_space<hbm>>
      tpu.wait_dma2 semaphore(%run_scoped3A : memref<!tpu.dma_semaphore, #tpu.memory_space<semaphore_mem>>) src(%dma_wait3A_29 : memref<20x500xi32, #tpu.memory_space<hbm>>) dst(%arg7 : memref<20x500xi32, #tpu.memory_space<vmem>>)
      tpu.yield
    }) : () -> ()
    %mul3A_5 = arith.constant 20 : i32
    %mul3A_6 = arith.muli %add3A, %mul3A_5 : i32
    "tpu.region"() ({
      %run_scoped3A = tpu.sem_alloc : memref<!tpu.dma_semaphore, #tpu.memory_space<semaphore_mem>>
      %dma_start3A_23 = arith.constant 0 : i32
      %dma_start3A_24 = tpu.memref_slice %arg3[%mul3A_6, %dma_start3A_23] : memref<640x500xi32, #tpu.memory_space<hbm>> -> memref<20x500xi32, #tpu.memory_space<hbm>>
      %dma_start3A_25 = arith.constant 0 : i32
      %dma_start3A_26 = tpu.memref_slice %arg3[%mul3A_6, %dma_start3A_25] : memref<640x500xi32, #tpu.memory_space<hbm>> -> memref<20x500xi32, #tpu.memory_space<hbm>>
      tpu.enqueue_dma source(%dma_start3A_26 : memref<20x500xi32, #tpu.memory_space<hbm>>) target(%arg8 : memref<20x500xi32, #tpu.memory_space<vmem>>) target_semaphore(%run_scoped3A : memref<!tpu.dma_semaphore, #tpu.memory_space<semaphore_mem>>)
      %dma_wait3A = arith.constant 0 : i32
      %dma_wait3A_27 = tpu.memref_slice %arg3[%mul3A_6, %dma_wait3A] : memref<640x500xi32, #tpu.memory_space<hbm>> -> memref<20x500xi32, #tpu.memory_space<hbm>>
      %dma_wait3A_28 = arith.constant 0 : i32
      %dma_wait3A_29 = tpu.memref_slice %arg3[%mul3A_6, %dma_wait3A_28] : memref<640x500xi32, #tpu.memory_space<hbm>> -> memref<20x500xi32, #tpu.memory_space<hbm>>
      tpu.wait_dma2 semaphore(%run_scoped3A : memref<!tpu.dma_semaphore, #tpu.memory_space<semaphore_mem>>) src(%dma_wait3A_29 : memref<20x500xi32, #tpu.memory_space<hbm>>) dst(%arg8 : memref<20x500xi32, #tpu.memory_space<vmem>>)
      tpu.yield
    }) : () -> ()
    %barrier3A = arith.constant 0 : index
    tpu.barrier barrier_id(%barrier3A)
    %dma_start3A = arith.constant 0 : i32
    %dma_start3A_7 = arith.constant 0 : i32
    %dma_start3A_8 = tpu.memref_slice %arg7[%dma_start3A, %dma_start3A_7] : memref<20x500xi32, #tpu.memory_space<vmem>> -> memref<1x500xi32, #tpu.memory_space<vmem>>
    %dma_start3A_9 = tpu.memref_squeeze %dma_start3A_8 : memref<1x500xi32, #tpu.memory_space<vmem>> -> memref<500xi32, #tpu.memory_space<vmem>>
    %dma_start3A_10 = arith.constant 0 : i32
    %dma_start3A_11 = arith.constant 0 : i32
    %dma_start3A_12 = tpu.memref_slice %arg4[%dma_start3A_10, %dma_start3A_11] : memref<10000x32xf32, #tpu.memory_space<hbm>> -> memref<10000x32xf32, #tpu.memory_space<hbm>>
    tpu.enqueue_indirect_dma source(%dma_start3A_12 : memref<10000x32xf32, #tpu.memory_space<hbm>>) target(%arg9 : memref<500x32xf32, #tpu.memory_space<vmem>>) offsets(%dma_start3A_9 : memref<500xi32, #tpu.memory_space<vmem>>) semaphore(%arg11 : memref<!tpu.dma_semaphore, #tpu.memory_space<semaphore_mem>>)
    %scan3A = arith.constant 0 : i32
    %scan3A_13 = arith.constant 0 : i32
    %scan3A_14 = arith.constant 10 : i32
    %scan3A_15 = arith.addi %scan3A_13, %scan3A_14 : i32
    %scan3A_16 = arith.constant 1 : i32
    scf.for %scan3A_23 = %scan3A_13 to %scan3A_15 step %scan3A_16  : i32 {
      %mul3A_24 = arith.constant 2 : i32
      %mul3A_25 = arith.muli %mul3A_24, %scan3A_23 : i32
      %dma_wait3A = arith.constant 0 : i32
      %dma_wait3A_26 = tpu.memref_slice %arg7[%mul3A_25, %dma_wait3A] : memref<20x500xi32, #tpu.memory_space<vmem>> -> memref<1x500xi32, #tpu.memory_space<vmem>>
      %dma_wait3A_27 = tpu.memref_squeeze %dma_wait3A_26 : memref<1x500xi32, #tpu.memory_space<vmem>> -> memref<500xi32, #tpu.memory_space<vmem>>
      %dma_wait3A_28 = arith.constant 0 : i32
      %dma_wait3A_29 = arith.constant 0 : i32
      %dma_wait3A_30 = tpu.memref_slice %arg4[%dma_wait3A_28, %dma_wait3A_29] : memref<10000x32xf32, #tpu.memory_space<hbm>> -> memref<10000x32xf32, #tpu.memory_space<hbm>>
      tpu.wait_indirect_dma semaphore(%arg11 : memref<!tpu.dma_semaphore, #tpu.memory_space<semaphore_mem>>) src(%dma_wait3A_30 : memref<10000x32xf32, #tpu.memory_space<hbm>>) dst(%arg9 : memref<500x32xf32, #tpu.memory_space<vmem>>)
      %add3A_31 = arith.constant 1 : i32
      %add3A_32 = arith.addi %mul3A_25, %add3A_31 : i32
      %dma_start3A_33 = arith.constant 0 : i32
      %dma_start3A_34 = tpu.memref_slice %arg7[%add3A_32, %dma_start3A_33] : memref<20x500xi32, #tpu.memory_space<vmem>> -> memref<1x500xi32, #tpu.memory_space<vmem>>
      %dma_start3A_35 = tpu.memref_squeeze %dma_start3A_34 : memref<1x500xi32, #tpu.memory_space<vmem>> -> memref<500xi32, #tpu.memory_space<vmem>>
      %dma_start3A_36 = arith.constant 0 : i32
      %dma_start3A_37 = arith.constant 0 : i32
      %dma_start3A_38 = tpu.memref_slice %arg4[%dma_start3A_36, %dma_start3A_37] : memref<10000x32xf32, #tpu.memory_space<hbm>> -> memref<10000x32xf32, #tpu.memory_space<hbm>>
      tpu.enqueue_indirect_dma source(%dma_start3A_38 : memref<10000x32xf32, #tpu.memory_space<hbm>>) target(%arg10 : memref<500x32xf32, #tpu.memory_space<vmem>>) offsets(%dma_start3A_35 : memref<500xi32, #tpu.memory_space<vmem>>) semaphore(%arg12 : memref<!tpu.dma_semaphore, #tpu.memory_space<semaphore_mem>>)
      "tpu.region"() ({
        %run_scoped3A = tpu.sem_alloc : memref<!tpu.dma_semaphore, #tpu.memory_space<semaphore_mem>>
        %dma_start3A_53 = arith.constant 0 : i32
        %dma_start3A_54 = tpu.memref_slice %arg8[%mul3A_25, %dma_start3A_53] : memref<20x500xi32, #tpu.memory_space<vmem>> -> memref<1x500xi32, #tpu.memory_space<vmem>>
        %dma_start3A_55 = tpu.memref_squeeze %dma_start3A_54 : memref<1x500xi32, #tpu.memory_space<vmem>> -> memref<500xi32, #tpu.memory_space<vmem>>
        %dma_start3A_56 = arith.constant 0 : i32
        %dma_start3A_57 = arith.constant 0 : i32
        %dma_start3A_58 = tpu.memref_slice %arg13[%dma_start3A_56, %dma_start3A_57] : memref<10000x32xf32, #tpu.memory_space<vmem_shared>> -> memref<10000x32xf32, #tpu.memory_space<vmem_shared>>
        tpu.enqueue_indirect_dma source(%arg9 : memref<500x32xf32, #tpu.memory_space<vmem>>) target(%dma_start3A_58 : memref<10000x32xf32, #tpu.memory_space<vmem_shared>>) offsets(%dma_start3A_55 : memref<500xi32, #tpu.memory_space<vmem>>) semaphore(%run_scoped3A : memref<!tpu.dma_semaphore, #tpu.memory_space<semaphore_mem>>) {add = true}
        %dma_wait3A_59 = arith.constant 0 : i32
        %dma_wait3A_60 = tpu.memref_slice %arg8[%mul3A_25, %dma_wait3A_59] : memref<20x500xi32, #tpu.memory_space<vmem>> -> memref<1x500xi32, #tpu.memory_space<vmem>>
        %dma_wait3A_61 = tpu.memref_squeeze %dma_wait3A_60 : memref<1x500xi32, #tpu.memory_space<vmem>> -> memref<500xi32, #tpu.memory_space<vmem>>
        %dma_wait3A_62 = arith.constant 0 : i32
        %dma_wait3A_63 = arith.constant 0 : i32
        %dma_wait3A_64 = tpu.memref_slice %arg13[%dma_wait3A_62, %dma_wait3A_63] : memref<10000x32xf32, #tpu.memory_space<vmem_shared>> -> memref<10000x32xf32, #tpu.memory_space<vmem_shared>>
        tpu.wait_indirect_dma semaphore(%run_scoped3A : memref<!tpu.dma_semaphore, #tpu.memory_space<semaphore_mem>>) src(%arg9 : memref<500x32xf32, #tpu.memory_space<vmem>>) dst(%dma_wait3A_64 : memref<10000x32xf32, #tpu.memory_space<vmem_shared>>)
        tpu.yield
      }) : () -> ()
      %add3A_39 = arith.constant 1 : i32
      %add3A_40 = arith.addi %mul3A_25, %add3A_39 : i32
      %dma_wait3A_41 = arith.constant 0 : i32
      %dma_wait3A_42 = tpu.memref_slice %arg7[%add3A_40, %dma_wait3A_41] : memref<20x500xi32, #tpu.memory_space<vmem>> -> memref<1x500xi32, #tpu.memory_space<vmem>>
      %dma_wait3A_43 = tpu.memref_squeeze %dma_wait3A_42 : memref<1x500xi32, #tpu.memory_space<vmem>> -> memref<500xi32, #tpu.memory_space<vmem>>
      %dma_wait3A_44 = arith.constant 0 : i32
      %dma_wait3A_45 = arith.constant 0 : i32
      %dma_wait3A_46 = tpu.memref_slice %arg4[%dma_wait3A_44, %dma_wait3A_45] : memref<10000x32xf32, #tpu.memory_space<hbm>> -> memref<10000x32xf32, #tpu.memory_space<hbm>>
      tpu.wait_indirect_dma semaphore(%arg12 : memref<!tpu.dma_semaphore, #tpu.memory_space<semaphore_mem>>) src(%dma_wait3A_46 : memref<10000x32xf32, #tpu.memory_space<hbm>>) dst(%arg10 : memref<500x32xf32, #tpu.memory_space<vmem>>)
      %add3A_47 = arith.constant 1 : i32
      %add3A_48 = arith.addi %scan3A_23, %add3A_47 : i32
      %lt3A = arith.constant 10 : i32
      %lt3A_49 = arith.cmpi slt, %add3A_48, %lt3A : i32
      %convert_element_type3A = arith.extui %lt3A_49 : i1 to i32
      %cond3A = arith.constant 0 : i32
      %cond3A_50 = arith.cmpi ne, %convert_element_type3A, %cond3A : i32
      scf.if %cond3A_50 {
        %add3A_53 = arith.constant 2 : i32
        %add3A_54 = arith.addi %mul3A_25, %add3A_53 : i32
        %dma_start3A_55 = arith.constant 0 : i32
        %dma_start3A_56 = tpu.memref_slice %arg7[%add3A_54, %dma_start3A_55] : memref<20x500xi32, #tpu.memory_space<vmem>> -> memref<1x500xi32, #tpu.memory_space<vmem>>
        %dma_start3A_57 = tpu.memref_squeeze %dma_start3A_56 : memref<1x500xi32, #tpu.memory_space<vmem>> -> memref<500xi32, #tpu.memory_space<vmem>>
        %dma_start3A_58 = arith.constant 0 : i32
        %dma_start3A_59 = arith.constant 0 : i32
        %dma_start3A_60 = tpu.memref_slice %arg4[%dma_start3A_58, %dma_start3A_59] : memref<10000x32xf32, #tpu.memory_space<hbm>> -> memref<10000x32xf32, #tpu.memory_space<hbm>>
        tpu.enqueue_indirect_dma source(%dma_start3A_60 : memref<10000x32xf32, #tpu.memory_space<hbm>>) target(%arg9 : memref<500x32xf32, #tpu.memory_space<vmem>>) offsets(%dma_start3A_57 : memref<500xi32, #tpu.memory_space<vmem>>) semaphore(%arg11 : memref<!tpu.dma_semaphore, #tpu.memory_space<semaphore_mem>>)
      } else {
      }
      %add3A_51 = arith.constant 1 : i32
      %add3A_52 = arith.addi %mul3A_25, %add3A_51 : i32
      "tpu.region"() ({
        %run_scoped3A = tpu.sem_alloc : memref<!tpu.dma_semaphore, #tpu.memory_space<semaphore_mem>>
        %dma_start3A_53 = arith.constant 0 : i32
        %dma_start3A_54 = tpu.memref_slice %arg8[%add3A_52, %dma_start3A_53] : memref<20x500xi32, #tpu.memory_space<vmem>> -> memref<1x500xi32, #tpu.memory_space<vmem>>
        %dma_start3A_55 = tpu.memref_squeeze %dma_start3A_54 : memref<1x500xi32, #tpu.memory_space<vmem>> -> memref<500xi32, #tpu.memory_space<vmem>>
        %dma_start3A_56 = arith.constant 0 : i32
        %dma_start3A_57 = arith.constant 0 : i32
        %dma_start3A_58 = tpu.memref_slice %arg13[%dma_start3A_56, %dma_start3A_57] : memref<10000x32xf32, #tpu.memory_space<vmem_shared>> -> memref<10000x32xf32, #tpu.memory_space<vmem_shared>>
        tpu.enqueue_indirect_dma source(%arg10 : memref<500x32xf32, #tpu.memory_space<vmem>>) target(%dma_start3A_58 : memref<10000x32xf32, #tpu.memory_space<vmem_shared>>) offsets(%dma_start3A_55 : memref<500xi32, #tpu.memory_space<vmem>>) semaphore(%run_scoped3A : memref<!tpu.dma_semaphore, #tpu.memory_space<semaphore_mem>>) {add = true}
        %dma_wait3A_59 = arith.constant 0 : i32
        %dma_wait3A_60 = tpu.memref_slice %arg8[%add3A_52, %dma_wait3A_59] : memref<20x500xi32, #tpu.memory_space<vmem>> -> memref<1x500xi32, #tpu.memory_space<vmem>>
        %dma_wait3A_61 = tpu.memref_squeeze %dma_wait3A_60 : memref<1x500xi32, #tpu.memory_space<vmem>> -> memref<500xi32, #tpu.memory_space<vmem>>
        %dma_wait3A_62 = arith.constant 0 : i32
        %dma_wait3A_63 = arith.constant 0 : i32
        %dma_wait3A_64 = tpu.memref_slice %arg13[%dma_wait3A_62, %dma_wait3A_63] : memref<10000x32xf32, #tpu.memory_space<vmem_shared>> -> memref<10000x32xf32, #tpu.memory_space<vmem_shared>>
        tpu.wait_indirect_dma semaphore(%run_scoped3A : memref<!tpu.dma_semaphore, #tpu.memory_space<semaphore_mem>>) src(%arg10 : memref<500x32xf32, #tpu.memory_space<vmem>>) dst(%dma_wait3A_64 : memref<10000x32xf32, #tpu.memory_space<vmem_shared>>)
        tpu.yield
      }) : () -> ()
    }
    %scan3A_17 = arith.constant 10 : i32
    %barrier3A_18 = arith.constant 0 : index
    tpu.barrier barrier_id(%barrier3A_18)
    %mul3A_19 = arith.constant 625 : i32
    %mul3A_20 = arith.muli %arg1, %mul3A_19 : i32
    %mul3A_21 = arith.constant 625 : i32
    %mul3A_22 = arith.muli %arg1, %mul3A_21 : i32
    "tpu.region"() ({
      %run_scoped3A = tpu.sem_alloc : memref<!tpu.dma_semaphore, #tpu.memory_space<semaphore_mem>>
      %dma_start3A_23 = arith.constant 0 : i32
      %dma_start3A_24 = tpu.memref_slice %arg6[%arg0, %mul3A_22, %dma_start3A_23] : memref<2x10000x32xf32, #tpu.memory_space<hbm>> -> memref<1x625x32xf32, #tpu.memory_space<hbm>>
      %dma_start3A_25 = tpu.memref_squeeze %dma_start3A_24 : memref<1x625x32xf32, #tpu.memory_space<hbm>> -> memref<625x32xf32, #tpu.memory_space<hbm>>
      %dma_start3A_26 = arith.constant 0 : i32
      %dma_start3A_27 = tpu.memref_slice %arg13[%mul3A_20, %dma_start3A_26] : memref<10000x32xf32, #tpu.memory_space<vmem_shared>> -> memref<625x32xf32, #tpu.memory_space<vmem_shared>>
      tpu.enqueue_dma source(%dma_start3A_27 : memref<625x32xf32, #tpu.memory_space<vmem_shared>>) target(%dma_start3A_25 : memref<625x32xf32, #tpu.memory_space<hbm>>) target_semaphore(%run_scoped3A : memref<!tpu.dma_semaphore, #tpu.memory_space<semaphore_mem>>)
      %dma_wait3A = arith.constant 0 : i32
      %dma_wait3A_28 = tpu.memref_slice %arg6[%arg0, %mul3A_22, %dma_wait3A] : memref<2x10000x32xf32, #tpu.memory_space<hbm>> -> memref<1x625x32xf32, #tpu.memory_space<hbm>>
      %dma_wait3A_29 = tpu.memref_squeeze %dma_wait3A_28 : memref<1x625x32xf32, #tpu.memory_space<hbm>> -> memref<625x32xf32, #tpu.memory_space<hbm>>
      %dma_wait3A_30 = arith.constant 0 : i32
      %dma_wait3A_31 = tpu.memref_slice %arg13[%mul3A_20, %dma_wait3A_30] : memref<10000x32xf32, #tpu.memory_space<vmem_shared>> -> memref<625x32xf32, #tpu.memory_space<vmem_shared>>
      tpu.wait_dma2 semaphore(%run_scoped3A : memref<!tpu.dma_semaphore, #tpu.memory_space<semaphore_mem>>) src(%dma_wait3A_31 : memref<625x32xf32, #tpu.memory_space<vmem_shared>>) dst(%dma_wait3A_29 : memref<625x32xf32, #tpu.memory_space<hbm>>)
      tpu.yield
    }) : () -> ()
    return
  }
}

#map = affine_map<(d0, d1) -> (0, 0)>
#map1 = affine_map<(d0, d1) -> (0, 0, 0)>
module attributes {stable_mosaic.version = 14 : i64} {
  func.func @scat(%arg0: i32, %arg1: i32, %arg2: memref<640x500xi32, #tpu.memory_space<hbm>>, %arg3: memref<640x500xi32, #tpu.memory_space<hbm>>, %arg4: memref<10000x64xf32, #tpu.memory_space<hbm>>, %arg5: memref<625x64xf32, #tpu.memory_space<hbm>>, %arg6: memref<2x10000x64xf32, #tpu.memory_space<hbm>>, %arg7: memref<20x500xi32, #tpu.memory_space<vmem>>, %arg8: memref<20x500xi32, #tpu.memory_space<vmem>>, %arg9: memref<500x64xf32, #tpu.memory_space<vmem>>, %arg10: memref<500x64xf32, #tpu.memory_space<vmem>>, %arg11: memref<!tpu.dma_semaphore, #tpu.memory_space<semaphore_mem>>, %arg12: memref<!tpu.dma_semaphore, #tpu.memory_space<semaphore_mem>>, %arg13: memref<10000x64xf32, #tpu.memory_space<vmem_shared>>) attributes {dimension_semantics = [#tpu.dimension_semantics<core_parallel>, #tpu.dimension_semantics<subcore_parallel>], iteration_bounds = array<i64: 2, 16>, scalar_prefetch = 0 : i64, scratch_operands = 7 : i64, tpu.core_type = #tpu.core_type<sc_vector_subcore>, window_params = [{transform_indices = #map}, {transform_indices = #map}, {transform_indices = #map}, {transform_indices = #map}, {transform_indices = #map1}]} {
    %mul3A = arith.constant 2 : i32
    %mul3A_0 = arith.muli %arg1, %mul3A : i32
    %add3A = arith.addi %mul3A_0, %arg0 : i32
    %mul3A_1 = arith.constant 625 : i32
    %mul3A_2 = arith.muli %arg1, %mul3A_1 : i32
    "tpu.region"() ({
      %run_scoped3A = tpu.sem_alloc : memref<!tpu.dma_semaphore, #tpu.memory_space<semaphore_mem>>
      %dma_start3A_23 = arith.constant 0 : i32
      %dma_start3A_24 = tpu.memref_slice %arg13[%mul3A_2, %dma_start3A_23] : memref<10000x64xf32, #tpu.memory_space<vmem_shared>> -> memref<625x64xf32, #tpu.memory_space<vmem_shared>>
      tpu.enqueue_dma source(%arg5 : memref<625x64xf32, #tpu.memory_space<hbm>>) target(%dma_start3A_24 : memref<625x64xf32, #tpu.memory_space<vmem_shared>>) target_semaphore(%run_scoped3A : memref<!tpu.dma_semaphore, #tpu.memory_space<semaphore_mem>>)
      %dma_wait3A = arith.constant 0 : i32
      %dma_wait3A_25 = tpu.memref_slice %arg13[%mul3A_2, %dma_wait3A] : memref<10000x64xf32, #tpu.memory_space<vmem_shared>> -> memref<625x64xf32, #tpu.memory_space<vmem_shared>>
      tpu.wait_dma2 semaphore(%run_scoped3A : memref<!tpu.dma_semaphore, #tpu.memory_space<semaphore_mem>>) src(%arg5 : memref<625x64xf32, #tpu.memory_space<hbm>>) dst(%dma_wait3A_25 : memref<625x64xf32, #tpu.memory_space<vmem_shared>>)
      tpu.yield
    }) : () -> ()
    %mul3A_3 = arith.constant 20 : i32
    %mul3A_4 = arith.muli %add3A, %mul3A_3 : i32
    "tpu.region"() ({
      %run_scoped3A = tpu.sem_alloc : memref<!tpu.dma_semaphore, #tpu.memory_space<semaphore_mem>>
      %dma_start3A_23 = arith.constant 0 : i32
      %dma_start3A_24 = tpu.memref_slice %arg2[%mul3A_4, %dma_start3A_23] : memref<640x500xi32, #tpu.memory_space<hbm>> -> memref<20x500xi32, #tpu.memory_space<hbm>>
      %dma_start3A_25 = arith.constant 0 : i32
      %dma_start3A_26 = tpu.memref_slice %arg2[%mul3A_4, %dma_start3A_25] : memref<640x500xi32, #tpu.memory_space<hbm>> -> memref<20x500xi32, #tpu.memory_space<hbm>>
      tpu.enqueue_dma source(%dma_start3A_26 : memref<20x500xi32, #tpu.memory_space<hbm>>) target(%arg7 : memref<20x500xi32, #tpu.memory_space<vmem>>) target_semaphore(%run_scoped3A : memref<!tpu.dma_semaphore, #tpu.memory_space<semaphore_mem>>)
      %dma_wait3A = arith.constant 0 : i32
      %dma_wait3A_27 = tpu.memref_slice %arg2[%mul3A_4, %dma_wait3A] : memref<640x500xi32, #tpu.memory_space<hbm>> -> memref<20x500xi32, #tpu.memory_space<hbm>>
      %dma_wait3A_28 = arith.constant 0 : i32
      %dma_wait3A_29 = tpu.memref_slice %arg2[%mul3A_4, %dma_wait3A_28] : memref<640x500xi32, #tpu.memory_space<hbm>> -> memref<20x500xi32, #tpu.memory_space<hbm>>
      tpu.wait_dma2 semaphore(%run_scoped3A : memref<!tpu.dma_semaphore, #tpu.memory_space<semaphore_mem>>) src(%dma_wait3A_29 : memref<20x500xi32, #tpu.memory_space<hbm>>) dst(%arg7 : memref<20x500xi32, #tpu.memory_space<vmem>>)
      tpu.yield
    }) : () -> ()
    %mul3A_5 = arith.constant 20 : i32
    %mul3A_6 = arith.muli %add3A, %mul3A_5 : i32
    "tpu.region"() ({
      %run_scoped3A = tpu.sem_alloc : memref<!tpu.dma_semaphore, #tpu.memory_space<semaphore_mem>>
      %dma_start3A_23 = arith.constant 0 : i32
      %dma_start3A_24 = tpu.memref_slice %arg3[%mul3A_6, %dma_start3A_23] : memref<640x500xi32, #tpu.memory_space<hbm>> -> memref<20x500xi32, #tpu.memory_space<hbm>>
      %dma_start3A_25 = arith.constant 0 : i32
      %dma_start3A_26 = tpu.memref_slice %arg3[%mul3A_6, %dma_start3A_25] : memref<640x500xi32, #tpu.memory_space<hbm>> -> memref<20x500xi32, #tpu.memory_space<hbm>>
      tpu.enqueue_dma source(%dma_start3A_26 : memref<20x500xi32, #tpu.memory_space<hbm>>) target(%arg8 : memref<20x500xi32, #tpu.memory_space<vmem>>) target_semaphore(%run_scoped3A : memref<!tpu.dma_semaphore, #tpu.memory_space<semaphore_mem>>)
      %dma_wait3A = arith.constant 0 : i32
      %dma_wait3A_27 = tpu.memref_slice %arg3[%mul3A_6, %dma_wait3A] : memref<640x500xi32, #tpu.memory_space<hbm>> -> memref<20x500xi32, #tpu.memory_space<hbm>>
      %dma_wait3A_28 = arith.constant 0 : i32
      %dma_wait3A_29 = tpu.memref_slice %arg3[%mul3A_6, %dma_wait3A_28] : memref<640x500xi32, #tpu.memory_space<hbm>> -> memref<20x500xi32, #tpu.memory_space<hbm>>
      tpu.wait_dma2 semaphore(%run_scoped3A : memref<!tpu.dma_semaphore, #tpu.memory_space<semaphore_mem>>) src(%dma_wait3A_29 : memref<20x500xi32, #tpu.memory_space<hbm>>) dst(%arg8 : memref<20x500xi32, #tpu.memory_space<vmem>>)
      tpu.yield
    }) : () -> ()
    %barrier3A = arith.constant 0 : index
    tpu.barrier barrier_id(%barrier3A)
    %dma_start3A = arith.constant 0 : i32
    %dma_start3A_7 = arith.constant 0 : i32
    %dma_start3A_8 = tpu.memref_slice %arg7[%dma_start3A, %dma_start3A_7] : memref<20x500xi32, #tpu.memory_space<vmem>> -> memref<1x500xi32, #tpu.memory_space<vmem>>
    %dma_start3A_9 = tpu.memref_squeeze %dma_start3A_8 : memref<1x500xi32, #tpu.memory_space<vmem>> -> memref<500xi32, #tpu.memory_space<vmem>>
    %dma_start3A_10 = arith.constant 0 : i32
    %dma_start3A_11 = arith.constant 0 : i32
    %dma_start3A_12 = tpu.memref_slice %arg4[%dma_start3A_10, %dma_start3A_11] : memref<10000x64xf32, #tpu.memory_space<hbm>> -> memref<10000x64xf32, #tpu.memory_space<hbm>>
    tpu.enqueue_indirect_dma source(%dma_start3A_12 : memref<10000x64xf32, #tpu.memory_space<hbm>>) target(%arg9 : memref<500x64xf32, #tpu.memory_space<vmem>>) offsets(%dma_start3A_9 : memref<500xi32, #tpu.memory_space<vmem>>) semaphore(%arg11 : memref<!tpu.dma_semaphore, #tpu.memory_space<semaphore_mem>>)
    %scan3A = arith.constant 0 : i32
    %scan3A_13 = arith.constant 0 : i32
    %scan3A_14 = arith.constant 10 : i32
    %scan3A_15 = arith.addi %scan3A_13, %scan3A_14 : i32
    %scan3A_16 = arith.constant 1 : i32
    scf.for %scan3A_23 = %scan3A_13 to %scan3A_15 step %scan3A_16  : i32 {
      %mul3A_24 = arith.constant 2 : i32
      %mul3A_25 = arith.muli %mul3A_24, %scan3A_23 : i32
      %dma_wait3A = arith.constant 0 : i32
      %dma_wait3A_26 = tpu.memref_slice %arg7[%mul3A_25, %dma_wait3A] : memref<20x500xi32, #tpu.memory_space<vmem>> -> memref<1x500xi32, #tpu.memory_space<vmem>>
      %dma_wait3A_27 = tpu.memref_squeeze %dma_wait3A_26 : memref<1x500xi32, #tpu.memory_space<vmem>> -> memref<500xi32, #tpu.memory_space<vmem>>
      %dma_wait3A_28 = arith.constant 0 : i32
      %dma_wait3A_29 = arith.constant 0 : i32
      %dma_wait3A_30 = tpu.memref_slice %arg4[%dma_wait3A_28, %dma_wait3A_29] : memref<10000x64xf32, #tpu.memory_space<hbm>> -> memref<10000x64xf32, #tpu.memory_space<hbm>>
      tpu.wait_indirect_dma semaphore(%arg11 : memref<!tpu.dma_semaphore, #tpu.memory_space<semaphore_mem>>) src(%dma_wait3A_30 : memref<10000x64xf32, #tpu.memory_space<hbm>>) dst(%arg9 : memref<500x64xf32, #tpu.memory_space<vmem>>)
      %add3A_31 = arith.constant 1 : i32
      %add3A_32 = arith.addi %mul3A_25, %add3A_31 : i32
      %dma_start3A_33 = arith.constant 0 : i32
      %dma_start3A_34 = tpu.memref_slice %arg7[%add3A_32, %dma_start3A_33] : memref<20x500xi32, #tpu.memory_space<vmem>> -> memref<1x500xi32, #tpu.memory_space<vmem>>
      %dma_start3A_35 = tpu.memref_squeeze %dma_start3A_34 : memref<1x500xi32, #tpu.memory_space<vmem>> -> memref<500xi32, #tpu.memory_space<vmem>>
      %dma_start3A_36 = arith.constant 0 : i32
      %dma_start3A_37 = arith.constant 0 : i32
      %dma_start3A_38 = tpu.memref_slice %arg4[%dma_start3A_36, %dma_start3A_37] : memref<10000x64xf32, #tpu.memory_space<hbm>> -> memref<10000x64xf32, #tpu.memory_space<hbm>>
      tpu.enqueue_indirect_dma source(%dma_start3A_38 : memref<10000x64xf32, #tpu.memory_space<hbm>>) target(%arg10 : memref<500x64xf32, #tpu.memory_space<vmem>>) offsets(%dma_start3A_35 : memref<500xi32, #tpu.memory_space<vmem>>) semaphore(%arg12 : memref<!tpu.dma_semaphore, #tpu.memory_space<semaphore_mem>>)
      "tpu.region"() ({
        %run_scoped3A = tpu.sem_alloc : memref<!tpu.dma_semaphore, #tpu.memory_space<semaphore_mem>>
        %dma_start3A_53 = arith.constant 0 : i32
        %dma_start3A_54 = tpu.memref_slice %arg8[%mul3A_25, %dma_start3A_53] : memref<20x500xi32, #tpu.memory_space<vmem>> -> memref<1x500xi32, #tpu.memory_space<vmem>>
        %dma_start3A_55 = tpu.memref_squeeze %dma_start3A_54 : memref<1x500xi32, #tpu.memory_space<vmem>> -> memref<500xi32, #tpu.memory_space<vmem>>
        %dma_start3A_56 = arith.constant 0 : i32
        %dma_start3A_57 = arith.constant 0 : i32
        %dma_start3A_58 = tpu.memref_slice %arg13[%dma_start3A_56, %dma_start3A_57] : memref<10000x64xf32, #tpu.memory_space<vmem_shared>> -> memref<10000x64xf32, #tpu.memory_space<vmem_shared>>
        tpu.enqueue_indirect_dma source(%arg9 : memref<500x64xf32, #tpu.memory_space<vmem>>) target(%dma_start3A_58 : memref<10000x64xf32, #tpu.memory_space<vmem_shared>>) offsets(%dma_start3A_55 : memref<500xi32, #tpu.memory_space<vmem>>) semaphore(%run_scoped3A : memref<!tpu.dma_semaphore, #tpu.memory_space<semaphore_mem>>) {add = true}
        %dma_wait3A_59 = arith.constant 0 : i32
        %dma_wait3A_60 = tpu.memref_slice %arg8[%mul3A_25, %dma_wait3A_59] : memref<20x500xi32, #tpu.memory_space<vmem>> -> memref<1x500xi32, #tpu.memory_space<vmem>>
        %dma_wait3A_61 = tpu.memref_squeeze %dma_wait3A_60 : memref<1x500xi32, #tpu.memory_space<vmem>> -> memref<500xi32, #tpu.memory_space<vmem>>
        %dma_wait3A_62 = arith.constant 0 : i32
        %dma_wait3A_63 = arith.constant 0 : i32
        %dma_wait3A_64 = tpu.memref_slice %arg13[%dma_wait3A_62, %dma_wait3A_63] : memref<10000x64xf32, #tpu.memory_space<vmem_shared>> -> memref<10000x64xf32, #tpu.memory_space<vmem_shared>>
        tpu.wait_indirect_dma semaphore(%run_scoped3A : memref<!tpu.dma_semaphore, #tpu.memory_space<semaphore_mem>>) src(%arg9 : memref<500x64xf32, #tpu.memory_space<vmem>>) dst(%dma_wait3A_64 : memref<10000x64xf32, #tpu.memory_space<vmem_shared>>)
        tpu.yield
      }) : () -> ()
      %add3A_39 = arith.constant 1 : i32
      %add3A_40 = arith.addi %mul3A_25, %add3A_39 : i32
      %dma_wait3A_41 = arith.constant 0 : i32
      %dma_wait3A_42 = tpu.memref_slice %arg7[%add3A_40, %dma_wait3A_41] : memref<20x500xi32, #tpu.memory_space<vmem>> -> memref<1x500xi32, #tpu.memory_space<vmem>>
      %dma_wait3A_43 = tpu.memref_squeeze %dma_wait3A_42 : memref<1x500xi32, #tpu.memory_space<vmem>> -> memref<500xi32, #tpu.memory_space<vmem>>
      %dma_wait3A_44 = arith.constant 0 : i32
      %dma_wait3A_45 = arith.constant 0 : i32
      %dma_wait3A_46 = tpu.memref_slice %arg4[%dma_wait3A_44, %dma_wait3A_45] : memref<10000x64xf32, #tpu.memory_space<hbm>> -> memref<10000x64xf32, #tpu.memory_space<hbm>>
      tpu.wait_indirect_dma semaphore(%arg12 : memref<!tpu.dma_semaphore, #tpu.memory_space<semaphore_mem>>) src(%dma_wait3A_46 : memref<10000x64xf32, #tpu.memory_space<hbm>>) dst(%arg10 : memref<500x64xf32, #tpu.memory_space<vmem>>)
      %add3A_47 = arith.constant 1 : i32
      %add3A_48 = arith.addi %scan3A_23, %add3A_47 : i32
      %lt3A = arith.constant 10 : i32
      %lt3A_49 = arith.cmpi slt, %add3A_48, %lt3A : i32
      %convert_element_type3A = arith.extui %lt3A_49 : i1 to i32
      %cond3A = arith.constant 0 : i32
      %cond3A_50 = arith.cmpi ne, %convert_element_type3A, %cond3A : i32
      scf.if %cond3A_50 {
        %add3A_53 = arith.constant 2 : i32
        %add3A_54 = arith.addi %mul3A_25, %add3A_53 : i32
        %dma_start3A_55 = arith.constant 0 : i32
        %dma_start3A_56 = tpu.memref_slice %arg7[%add3A_54, %dma_start3A_55] : memref<20x500xi32, #tpu.memory_space<vmem>> -> memref<1x500xi32, #tpu.memory_space<vmem>>
        %dma_start3A_57 = tpu.memref_squeeze %dma_start3A_56 : memref<1x500xi32, #tpu.memory_space<vmem>> -> memref<500xi32, #tpu.memory_space<vmem>>
        %dma_start3A_58 = arith.constant 0 : i32
        %dma_start3A_59 = arith.constant 0 : i32
        %dma_start3A_60 = tpu.memref_slice %arg4[%dma_start3A_58, %dma_start3A_59] : memref<10000x64xf32, #tpu.memory_space<hbm>> -> memref<10000x64xf32, #tpu.memory_space<hbm>>
        tpu.enqueue_indirect_dma source(%dma_start3A_60 : memref<10000x64xf32, #tpu.memory_space<hbm>>) target(%arg9 : memref<500x64xf32, #tpu.memory_space<vmem>>) offsets(%dma_start3A_57 : memref<500xi32, #tpu.memory_space<vmem>>) semaphore(%arg11 : memref<!tpu.dma_semaphore, #tpu.memory_space<semaphore_mem>>)
      } else {
      }
      %add3A_51 = arith.constant 1 : i32
      %add3A_52 = arith.addi %mul3A_25, %add3A_51 : i32
      "tpu.region"() ({
        %run_scoped3A = tpu.sem_alloc : memref<!tpu.dma_semaphore, #tpu.memory_space<semaphore_mem>>
        %dma_start3A_53 = arith.constant 0 : i32
        %dma_start3A_54 = tpu.memref_slice %arg8[%add3A_52, %dma_start3A_53] : memref<20x500xi32, #tpu.memory_space<vmem>> -> memref<1x500xi32, #tpu.memory_space<vmem>>
        %dma_start3A_55 = tpu.memref_squeeze %dma_start3A_54 : memref<1x500xi32, #tpu.memory_space<vmem>> -> memref<500xi32, #tpu.memory_space<vmem>>
        %dma_start3A_56 = arith.constant 0 : i32
        %dma_start3A_57 = arith.constant 0 : i32
        %dma_start3A_58 = tpu.memref_slice %arg13[%dma_start3A_56, %dma_start3A_57] : memref<10000x64xf32, #tpu.memory_space<vmem_shared>> -> memref<10000x64xf32, #tpu.memory_space<vmem_shared>>
        tpu.enqueue_indirect_dma source(%arg10 : memref<500x64xf32, #tpu.memory_space<vmem>>) target(%dma_start3A_58 : memref<10000x64xf32, #tpu.memory_space<vmem_shared>>) offsets(%dma_start3A_55 : memref<500xi32, #tpu.memory_space<vmem>>) semaphore(%run_scoped3A : memref<!tpu.dma_semaphore, #tpu.memory_space<semaphore_mem>>) {add = true}
        %dma_wait3A_59 = arith.constant 0 : i32
        %dma_wait3A_60 = tpu.memref_slice %arg8[%add3A_52, %dma_wait3A_59] : memref<20x500xi32, #tpu.memory_space<vmem>> -> memref<1x500xi32, #tpu.memory_space<vmem>>
        %dma_wait3A_61 = tpu.memref_squeeze %dma_wait3A_60 : memref<1x500xi32, #tpu.memory_space<vmem>> -> memref<500xi32, #tpu.memory_space<vmem>>
        %dma_wait3A_62 = arith.constant 0 : i32
        %dma_wait3A_63 = arith.constant 0 : i32
        %dma_wait3A_64 = tpu.memref_slice %arg13[%dma_wait3A_62, %dma_wait3A_63] : memref<10000x64xf32, #tpu.memory_space<vmem_shared>> -> memref<10000x64xf32, #tpu.memory_space<vmem_shared>>
        tpu.wait_indirect_dma semaphore(%run_scoped3A : memref<!tpu.dma_semaphore, #tpu.memory_space<semaphore_mem>>) src(%arg10 : memref<500x64xf32, #tpu.memory_space<vmem>>) dst(%dma_wait3A_64 : memref<10000x64xf32, #tpu.memory_space<vmem_shared>>)
        tpu.yield
      }) : () -> ()
    }
    %scan3A_17 = arith.constant 10 : i32
    %barrier3A_18 = arith.constant 0 : index
    tpu.barrier barrier_id(%barrier3A_18)
    %mul3A_19 = arith.constant 625 : i32
    %mul3A_20 = arith.muli %arg1, %mul3A_19 : i32
    %mul3A_21 = arith.constant 625 : i32
    %mul3A_22 = arith.muli %arg1, %mul3A_21 : i32
    "tpu.region"() ({
      %run_scoped3A = tpu.sem_alloc : memref<!tpu.dma_semaphore, #tpu.memory_space<semaphore_mem>>
      %dma_start3A_23 = arith.constant 0 : i32
      %dma_start3A_24 = tpu.memref_slice %arg6[%arg0, %mul3A_22, %dma_start3A_23] : memref<2x10000x64xf32, #tpu.memory_space<hbm>> -> memref<1x625x64xf32, #tpu.memory_space<hbm>>
      %dma_start3A_25 = tpu.memref_squeeze %dma_start3A_24 : memref<1x625x64xf32, #tpu.memory_space<hbm>> -> memref<625x64xf32, #tpu.memory_space<hbm>>
      %dma_start3A_26 = arith.constant 0 : i32
      %dma_start3A_27 = tpu.memref_slice %arg13[%mul3A_20, %dma_start3A_26] : memref<10000x64xf32, #tpu.memory_space<vmem_shared>> -> memref<625x64xf32, #tpu.memory_space<vmem_shared>>
      tpu.enqueue_dma source(%dma_start3A_27 : memref<625x64xf32, #tpu.memory_space<vmem_shared>>) target(%dma_start3A_25 : memref<625x64xf32, #tpu.memory_space<hbm>>) target_semaphore(%run_scoped3A : memref<!tpu.dma_semaphore, #tpu.memory_space<semaphore_mem>>)
      %dma_wait3A = arith.constant 0 : i32
      %dma_wait3A_28 = tpu.memref_slice %arg6[%arg0, %mul3A_22, %dma_wait3A] : memref<2x10000x64xf32, #tpu.memory_space<hbm>> -> memref<1x625x64xf32, #tpu.memory_space<hbm>>
      %dma_wait3A_29 = tpu.memref_squeeze %dma_wait3A_28 : memref<1x625x64xf32, #tpu.memory_space<hbm>> -> memref<625x64xf32, #tpu.memory_space<hbm>>
      %dma_wait3A_30 = arith.constant 0 : i32
      %dma_wait3A_31 = tpu.memref_slice %arg13[%mul3A_20, %dma_wait3A_30] : memref<10000x64xf32, #tpu.memory_space<vmem_shared>> -> memref<625x64xf32, #tpu.memory_space<vmem_shared>>
      tpu.wait_dma2 semaphore(%run_scoped3A : memref<!tpu.dma_semaphore, #tpu.memory_space<semaphore_mem>>) src(%dma_wait3A_31 : memref<625x64xf32, #tpu.memory_space<vmem_shared>>) dst(%dma_wait3A_29 : memref<625x64xf32, #tpu.memory_space<hbm>>)
      tpu.yield
    }) : () -> ()
    return
  }
}

module attributes {stable_mosaic.version = 14 : i64} {
  func.func @_tc1_body(%arg0: memref<32x10000xf32, #tpu.memory_space<vmem>>, %arg1: memref<10000x128xf32, #tpu.memory_space<vmem>>, %arg2: memref<128x64xf32, #tpu.memory_space<vmem>>, %arg3: memref<10000x1xf32, #tpu.memory_space<vmem>>, %arg4: memref<10000x64xf32, #tpu.memory_space<vmem>>) attributes {dimension_semantics = [], scalar_prefetch = 0 : i64, scratch_operands = 0 : i64, tpu.core_type = #tpu.core_type<tc>} {
    %get3A = arith.constant 0 : index
    %get3A_0 = arith.constant 0 : index
    %get3A_1 = vector.load %arg0[%get3A, %get3A_0] : memref<32x10000xf32, #tpu.memory_space<vmem>>, vector<32x10000xf32>
    %reduce_sum3A = arith.constant dense<0.000000e+00> : vector<10000xf32>
    %reduce_sum3A_2 = vector.multi_reduction <add>, %get3A_1, %reduce_sum3A [0] : vector<32x10000xf32> to vector<10000xf32>
    %add3A = arith.constant 1.000000e+00 : f32
    %add3A_3 = vector.broadcast %add3A : f32 to vector<10000xf32>
    %add3A_4 = arith.addf %add3A_3, %reduce_sum3A_2 : vector<10000xf32>
    %rsqrt3A = math.rsqrt %add3A_4 : vector<10000xf32>
    %broadcast_in_dim3A = vector.shape_cast %rsqrt3A : vector<10000xf32> to vector<10000x1xf32>
    %swap3A = arith.constant 0 : index
    %swap3A_5 = arith.constant 0 : index
    %swap3A_6 = vector.load %arg3[%swap3A, %swap3A_5] : memref<10000x1xf32, #tpu.memory_space<vmem>>, vector<10000x1xf32>
    tpu.vector_store %arg3[%swap3A, %swap3A_5], %broadcast_in_dim3A {strides = array<i32>} : memref<10000x1xf32, #tpu.memory_space<vmem>>, vector<10000x1xf32>,
    %get3A_7 = arith.constant 0 : index
    %get3A_8 = arith.constant 0 : index
    %get3A_9 = vector.load %arg1[%get3A_7, %get3A_8] : memref<10000x128xf32, #tpu.memory_space<vmem>>, vector<10000x128xf32>
    %get3A_10 = arith.constant 0 : index
    %get3A_11 = arith.constant 0 : index
    %get3A_12 = vector.load %arg2[%get3A_10, %get3A_11] : memref<128x64xf32, #tpu.memory_space<vmem>>, vector<128x64xf32>
    %dot_general3A = arith.constant dense<0.000000e+00> : vector<10000x64xf32>
    %dot_general3A_13 = tpu.matmul %get3A_9, %get3A_12, %dot_general3A {dimension_numbers = #tpu.dot_dimension_numbers<[1], [0], [0], [1], [0, 0, 1, 1], [], []>, transpose_lhs_hint = false} : vector<10000x128xf32>, vector<128x64xf32>, vector<10000x64xf32> -> vector<10000x64xf32>
    %mul3A = vector.broadcast %broadcast_in_dim3A : vector<10000x1xf32> to vector<10000x64xf32>
    %mul3A_14 = arith.mulf %dot_general3A_13, %mul3A : vector<10000x64xf32>
    %swap3A_15 = arith.constant 0 : index
    %swap3A_16 = arith.constant 0 : index
    %swap3A_17 = vector.load %arg4[%swap3A_15, %swap3A_16] : memref<10000x64xf32, #tpu.memory_space<vmem>>, vector<10000x64xf32>
    tpu.vector_store %arg4[%swap3A_15, %swap3A_16], %mul3A_14 {strides = array<i32>} : memref<10000x64xf32, #tpu.memory_space<vmem>>, vector<10000x64xf32>,
    return
  }
}

module attributes {stable_mosaic.version = 14 : i64} {
  func.func @_tc2_body(%arg0: memref<2x10000x64xf32, #tpu.memory_space<vmem>>, %arg1: memref<10000x64xf32, #tpu.memory_space<vmem>>, %arg2: memref<10000x1xf32, #tpu.memory_space<vmem>>, %arg3: memref<64x32xf32, #tpu.memory_space<vmem>>, %arg4: memref<10000x32xf32, #tpu.memory_space<vmem>>) attributes {dimension_semantics = [], scalar_prefetch = 0 : i64, scratch_operands = 0 : i64, tpu.core_type = #tpu.core_type<tc>} {
    %get3A = arith.constant 0 : index
    %get3A_0 = arith.constant 0 : index
    %get3A_1 = vector.load %arg2[%get3A, %get3A_0] : memref<10000x1xf32, #tpu.memory_space<vmem>>, vector<10000x1xf32>
    %get3A_2 = arith.constant 0 : index
    %get3A_3 = arith.constant 0 : index
    %get3A_4 = arith.constant 0 : index
    %get3A_5 = vector.load %arg0[%get3A_2, %get3A_3, %get3A_4] : memref<2x10000x64xf32, #tpu.memory_space<vmem>>, vector<1x10000x64xf32>
    %get3A_6 = vector.shape_cast %get3A_5 : vector<1x10000x64xf32> to vector<10000x64xf32>
    %get3A_7 = arith.constant 1 : index
    %get3A_8 = arith.constant 0 : index
    %get3A_9 = arith.constant 0 : index
    %get3A_10 = vector.load %arg0[%get3A_7, %get3A_8, %get3A_9] : memref<2x10000x64xf32, #tpu.memory_space<vmem>>, vector<1x10000x64xf32>
    %get3A_11 = vector.shape_cast %get3A_10 : vector<1x10000x64xf32> to vector<10000x64xf32>
    %add3A = arith.addf %get3A_6, %get3A_11 : vector<10000x64xf32>
    %get3A_12 = arith.constant 0 : index
    %get3A_13 = arith.constant 0 : index
    %get3A_14 = vector.load %arg1[%get3A_12, %get3A_13] : memref<10000x64xf32, #tpu.memory_space<vmem>>, vector<10000x64xf32>
    %add3A_15 = arith.addf %add3A, %get3A_14 : vector<10000x64xf32>
    %mul3A = vector.broadcast %get3A_1 : vector<10000x1xf32> to vector<10000x64xf32>
    %mul3A_16 = arith.mulf %add3A_15, %mul3A : vector<10000x64xf32>
    %max3A = arith.constant 0.000000e+00 : f32
    %max3A_17 = vector.broadcast %max3A : f32 to vector<10000x64xf32>
    %max3A_18 = arith.maximumf %mul3A_16, %max3A_17 : vector<10000x64xf32>
    %get3A_19 = arith.constant 0 : index
    %get3A_20 = arith.constant 0 : index
    %get3A_21 = vector.load %arg3[%get3A_19, %get3A_20] : memref<64x32xf32, #tpu.memory_space<vmem>>, vector<64x32xf32>
    %dot_general3A = arith.constant dense<0.000000e+00> : vector<10000x32xf32>
    %dot_general3A_22 = tpu.matmul %max3A_18, %get3A_21, %dot_general3A {dimension_numbers = #tpu.dot_dimension_numbers<[1], [0], [0], [1], [0, 0, 1, 1], [], []>, transpose_lhs_hint = false} : vector<10000x64xf32>, vector<64x32xf32>, vector<10000x32xf32> -> vector<10000x32xf32>
    %mul3A_23 = vector.broadcast %get3A_1 : vector<10000x1xf32> to vector<10000x32xf32>
    %mul3A_24 = arith.mulf %dot_general3A_22, %mul3A_23 : vector<10000x32xf32>
    %swap3A = arith.constant 0 : index
    %swap3A_25 = arith.constant 0 : index
    %swap3A_26 = vector.load %arg4[%swap3A, %swap3A_25] : memref<10000x32xf32, #tpu.memory_space<vmem>>, vector<10000x32xf32>
    tpu.vector_store %arg4[%swap3A, %swap3A_25], %mul3A_24 {strides = array<i32>} : memref<10000x32xf32, #tpu.memory_space<vmem>>, vector<10000x32xf32>,
    return
  }
}

module attributes {stable_mosaic.version = 14 : i64} {
  func.func @_tc3_body(%arg0: memref<2x10000x32xf32, #tpu.memory_space<vmem>>, %arg1: memref<10000x32xf32, #tpu.memory_space<vmem>>, %arg2: memref<10000x1xf32, #tpu.memory_space<vmem>>, %arg3: memref<10000x32xf32, #tpu.memory_space<vmem>>) attributes {dimension_semantics = [], scalar_prefetch = 0 : i64, scratch_operands = 0 : i64, tpu.core_type = #tpu.core_type<tc>} {
    %get3A = arith.constant 0 : index
    %get3A_0 = arith.constant 0 : index
    %get3A_1 = arith.constant 0 : index
    %get3A_2 = vector.load %arg0[%get3A, %get3A_0, %get3A_1] : memref<2x10000x32xf32, #tpu.memory_space<vmem>>, vector<1x10000x32xf32>
    %get3A_3 = vector.shape_cast %get3A_2 : vector<1x10000x32xf32> to vector<10000x32xf32>
    %get3A_4 = arith.constant 1 : index
    %get3A_5 = arith.constant 0 : index
    %get3A_6 = arith.constant 0 : index
    %get3A_7 = vector.load %arg0[%get3A_4, %get3A_5, %get3A_6] : memref<2x10000x32xf32, #tpu.memory_space<vmem>>, vector<1x10000x32xf32>
    %get3A_8 = vector.shape_cast %get3A_7 : vector<1x10000x32xf32> to vector<10000x32xf32>
    %add3A = arith.addf %get3A_3, %get3A_8 : vector<10000x32xf32>
    %get3A_9 = arith.constant 0 : index
    %get3A_10 = arith.constant 0 : index
    %get3A_11 = vector.load %arg1[%get3A_9, %get3A_10] : memref<10000x32xf32, #tpu.memory_space<vmem>>, vector<10000x32xf32>
    %add3A_12 = arith.addf %add3A, %get3A_11 : vector<10000x32xf32>
    %get3A_13 = arith.constant 0 : index
    %get3A_14 = arith.constant 0 : index
    %get3A_15 = vector.load %arg2[%get3A_13, %get3A_14] : memref<10000x1xf32, #tpu.memory_space<vmem>>, vector<10000x1xf32>
    %mul3A = vector.broadcast %get3A_15 : vector<10000x1xf32> to vector<10000x32xf32>
    %mul3A_16 = arith.mulf %add3A_12, %mul3A : vector<10000x32xf32>
    %swap3A = arith.constant 0 : index
    %swap3A_17 = arith.constant 0 : index
    %swap3A_18 = vector.load %arg3[%swap3A, %swap3A_17] : memref<10000x32xf32, #tpu.memory_space<vmem>>, vector<10000x32xf32>
    tpu.vector_store %arg3[%swap3A, %swap3A_17], %mul3A_16 {strides = array<i32>} : memref<10000x32xf32, #tpu.memory_space<vmem>>, vector<10000x32xf32>,
    return
  }
}

module attributes {stable_mosaic.version = 14 : i64} {
  func.func @_dec_body(%arg0: i32, %arg1: memref<400x16xf32, #tpu.memory_space<vmem>>, %arg2: memref<10000x16xf32, #tpu.memory_space<vmem>>, %arg3: memref<400x10000xf32, #tpu.memory_space<vmem>>) attributes {dimension_semantics = [#tpu.dimension_semantics<arbitrary>], iteration_bounds = array<i64: 25>, scalar_prefetch = 0 : i64, scratch_operands = 0 : i64, tpu.core_type = #tpu.core_type<tc>, window_params = [{transform_indices = @transform_0, window_bounds = array<i64: 400, 16>}, {pipeline_mode = #tpu.pipeline_mode<synchronous>, transform_indices = @transform_1, window_bounds = array<i64: 10000, 16>}, {transform_indices = @transform_2, window_bounds = array<i64: 400, 10000>}]} {
    %get3A = arith.constant 0 : index
    %get3A_0 = arith.constant 0 : index
    %get3A_1 = vector.load %arg1[%get3A, %get3A_0] : memref<400x16xf32, #tpu.memory_space<vmem>>, vector<400x16xf32>
    %get3A_2 = arith.constant 0 : index
    %get3A_3 = arith.constant 0 : index
    %get3A_4 = vector.load %arg2[%get3A_2, %get3A_3] : memref<10000x16xf32, #tpu.memory_space<vmem>>, vector<10000x16xf32>
    %dot_general3A = arith.constant dense<0.000000e+00> : vector<400x10000xf32>
    %dot_general3A_5 = tpu.matmul %get3A_1, %get3A_4, %dot_general3A {dimension_numbers = #tpu.dot_dimension_numbers<[1], [1], [0], [0], [0, 0, 1, 0], [], []>, transpose_lhs_hint = false} : vector<400x16xf32>, vector<10000x16xf32>, vector<400x10000xf32> -> vector<400x10000xf32>
    %logistic3A = arith.negf %dot_general3A_5 : vector<400x10000xf32>
    %logistic3A_6 = math.exp %logistic3A : vector<400x10000xf32>
    %logistic3A_7 = arith.constant 1.000000e+00 : f32
    %logistic3A_8 = vector.broadcast %logistic3A_7 : f32 to vector<400x10000xf32>
    %logistic3A_9 = arith.addf %logistic3A_8, %logistic3A_6 : vector<400x10000xf32>
    %logistic3A_10 = arith.divf %logistic3A_8, %logistic3A_9 : vector<400x10000xf32>
    %swap3A = arith.constant 0 : index
    %swap3A_11 = arith.constant 0 : index
    %swap3A_12 = vector.load %arg3[%swap3A, %swap3A_11] : memref<400x10000xf32, #tpu.memory_space<vmem>>, vector<400x10000xf32>
    tpu.vector_store %arg3[%swap3A, %swap3A_11], %logistic3A_10 {strides = array<i32>} : memref<400x10000xf32, #tpu.memory_space<vmem>>, vector<400x10000xf32>,
    return
  }
  func.func @transform_0(%arg0: i32) -> (i32, i32) {
    %c0_i32 = arith.constant 0 : i32
    %c0_i32_0 = arith.constant 0 : i32
    return %arg0, %c0_i32 : i32, i32
  }
  func.func @transform_1(%arg0: i32) -> (i32, i32) {
    %c0_i32 = arith.constant 0 : i32
    %c0_i32_0 = arith.constant 0 : i32
    %c0_i32_1 = arith.constant 0 : i32
    return %c0_i32, %c0_i32_0 : i32, i32
  }
  func.func @transform_2(%arg0: i32) -> (i32, i32) {
    %c0_i32 = arith.constant 0 : i32
    %c0_i32_0 = arith.constant 0 : i32
    return %arg0, %c0_i32 : i32, i32
  }
}

</mosaic_0001>

<sc_bundles>
// kernel: kernel.12.cloned.1.call-start
scs
__scs_entry_jumppad:
0x0: {  	(pc) =	sbr.rel $0x88, $3  }
0x1: {  	(tag) =	ssettag $0x0;
	lr =	simm.s32 $0x1  }
0x2: {  	[smem:$0x3F9C] =	sst lr;
	_ =	strace $0xD0000000  }
0x3: {  	_ = 	snop  }
0x4: {  	_ = 	snop  }
0x5: {  	_ = 	snop  }
0x6: {  	_ = 	snop  }
0x7: {  	_ = 	snop  }
__scs_overlays_trampoline_lowered:
0x8: {  	[smem:$0x3FAB] =	sst s0  }
0x9: {  	[smem:$0x3FAC] =	sst s1  }
0xa: {  	[smem:$0x3FAD] =	sst s2  }
0xb: {  	[smem:$0x3FAE] =	sst s3  }
0xc: {  	[smem:$0x3FAF] =	sst s4  }
0xd: {  	[smem:$0x3FB0] =	sst s5  }
0xe: {  	[smem:$0x3FB1] =	sst s6  }
0xf: {  	[smem:$0x3FB2] =	sst s7  }
0x10: {  	[smem:$0x3FB3] =	sst s8  }
0x11: {  	[smem:$0x3FB4] =	sst s9;
	s0 =	simm.s32 @!p0 $0x0  }
0x12: {  	s1 =	sld [smem:$0x3F9A];
	s0 =	simm.s32 @p0 $0x1  }
0x13: {  	[smem:$0x3FB5] =	sst s0;
	s0 =	simm.s32 @!p1 $0x0  }
0x14: {  	s2 =	sld [smem:$0x3F99];
	s0 =	simm.s32 @p1 $0x1  }
0x15: {  	[smem:$0x3FB6] =	sst s0;
	s0 =	simm.s32 @!p2 $0x0  }
0x16: {  	s3 =	sld [smem:$0x3FDB];
	s0 =	simm.s32 @p2 $0x1  }
0x17: {  	s4 =	simm.s32 $0x1BF5;
	[smem:$0x3FB8] =	sst s0  }
0x18: {  	s0 =	sld [smem:$0x3F9B];
	_ =	swait.ge [sflag:s4], $0x0  }
0x19: {  	s7 =	sld [smem:$0x3F9C]  }
0x1a: {  	s8 =	sadd.s32 $0xFFFFE003, lr  }
0x1b: {  	s9 =	sadd.s32 $0xFFFFFEF7, lr;
	s5 =	simm.s32 $0xFFFFFFFF;
	p2 =	slt.u32 s8, $0xFFFFF086  }
0x1c: {  	p1 =	slt.u32 s9, $0xF7A;
	s5 =	simm.s32 @!p2 $0x0  }
0x1d: {  	s5 =	simm.s32 @p1 $0x1;
	p0 =	seq.s32 s7, s2  }
0x1e: {  	s7 =	smul.u32 @!p0 $0xF7A, s2;
	p2 =	seq.s32 @!p0 s5, $0x0  }
0x1f: {  	s9 =	smul.u32 $0xF7A, s1;
	s8 =	simm.s32 @!p0 $0x1BF5;
	p2 =	por !p2, p0  }
0x20: {  	[sflag:s8] =	ssyncset.s32 @!p0 $0xFFFFF086;
	s6 =	sadd.s32 @!p0 s3, s7;
	s7 =	simm.s32 @!p0 $0x108  }
0x21: {  	s3 =	sadd.s32 s3, s9;
	s6 =	sadd.s32 @!p0 $0x88, s6;
	s7 =	simm.s32 @p2 $0x1082  }
0x22: {  	[simem:s7], [sflag:s8] =	dma.local @!p0 [hbm:s6], $0xF7A  }
0x23: {  	s9 =	sor.u32 $0xD0000000, s2;
	s6 =	simm.s32 $0x108;
	_ =	swait.ge @!p0 [sflag:s8], $0x0  }
0x24: {  	s3 =	sadd.s32 $0x88, s3;
	s6 =	simm.s32 @!p1 $0x1082;
	[sflag:s4] =	ssyncset.s32 $0xFFFFF086  }
0x25: {  	[simem:s6], [sflag:s4] =	dma.local [hbm:s3], $0xF7A  }
0x26: {  	[smem:$0x3F9C] =	sst s1;
	(tag) =	ssettag s2;
	_ =	strace s9  }
0x27: {  	s1 =	sld [smem:$0x3FAC]  }
0x28: {  	s2 =	sld [smem:$0x3FAD]  }
0x29: {  	s4 =	sld [smem:$0x3FAF]  }
0x2a: {  	p0 =	seq.s32 s5, $0x0;
	s5 =	sld [smem:$0x3FB0]  }
0x2b: {  	s6 =	sld [smem:$0x3FB1]  }
0x2c: {  	s7 =	sld [smem:$0x3FB2]  }
0x2d: {  	s3 =	simm.s32 $0x108;
	s8 =	sld [smem:$0x3FB3]  }
0x2e: {  	s3 =	simm.s32 @!p0 $0x1082;
	s9 =	sld [smem:$0x3FB4]  }
0x2f: {  	lr =	sadd.s32 s0, s3;
	s0 =	sld [smem:$0x3FAB]  }
0x30: {  	s3 =	sld [smem:$0x3FAE]  }
0x31: {  	[smem:$0x3FB7] =	sst s10  }
0x32: {  	s10 =	sld [smem:$0x3FB5];
	_ =	sdelay $0x3  }
0x33: {  	p0 =	seq.s32 s10, $0x1;
	s10 =	sld [smem:$0x3FB7];
	_ =	sdelay $0x3  }
0x34: {  	[smem:$0x3FB7] =	sst s10  }
0x35: {  	s10 =	sld [smem:$0x3FB6];
	_ =	sdelay $0x3  }
0x36: {  	p1 =	seq.s32 s10, $0x1;
	s10 =	sld [smem:$0x3FB7];
	_ =	sdelay $0x3  }
0x37: {  	[smem:$0x3FB7] =	sst s10  }
0x38: {  	s10 =	sld [smem:$0x3FB8]  }
0x39: {  	_ = 	snop;
	(pc) =	sbr.ind lr, $3  }
0x3a: {  	_ = 	snop  }
0x3b: {  	_ = 	snop  }
0x3c: {  	p2 =	seq.s32 s10, $0x1;
	s10 =	sld [smem:$0x3FB7]  }
0x3d: {  	_ =	shalt  }
0x3e: {  	_ =	shalt  }
0x3f: {  	_ =	shalt  }
0x40: {  	_ =	shalt  }
0x41: {  	_ =	shalt  }
0x42: {  	_ =	shalt  }
0x43: {  	_ =	shalt  }
0x44: {  	_ =	shalt  }
0x45: {  	_ =	shalt  }
0x46: {  	_ =	shalt  }
0x47: {  	_ =	shalt  }
0x48: {  	_ =	shalt  }
0x49: {  	_ =	shalt  }
0x4a: {  	_ =	shalt  }
0x4b: {  	_ =	shalt  }
0x4c: {  	_ =	shalt  }
0x4d: {  	_ =	shalt  }
0x4e: {  	_ =	shalt  }
0x4f: {  	_ =	shalt  }
0x50: {  	_ =	shalt  }
0x51: {  	_ =	shalt  }
0x52: {  	_ =	shalt  }
0x53: {  	_ =	shalt  }
0x54: {  	_ =	shalt  }
0x55: {  	_ =	shalt  }
0x56: {  	_ =	shalt  }
0x57: {  	_ =	shalt  }
0x58: {  	_ =	shalt  }
0x59: {  	_ =	shalt  }
0x5a: {  	_ =	shalt  }
0x5b: {  	_ =	shalt  }
0x5c: {  	_ =	shalt  }
0x5d: {  	_ =	shalt  }
0x5e: {  	_ =	shalt  }
0x5f: {  	_ =	shalt  }
0x60: {  	_ =	shalt  }
0x61: {  	_ =	shalt  }
0x62: {  	_ =	shalt  }
0x63: {  	_ =	shalt  }
0x64: {  	_ =	shalt  }
0x65: {  	_ =	shalt  }
0x66: {  	_ =	shalt  }
0x67: {  	_ =	shalt  }
0x68: {  	_ =	shalt  }
0x69: {  	_ =	shalt  }
0x6a: {  	_ =	shalt  }
0x6b: {  	_ =	shalt  }
0x6c: {  	_ =	shalt  }
0x6d: {  	_ =	shalt  }
0x6e: {  	_ =	shalt  }
0x6f: {  	_ =	shalt  }
0x70: {  	_ =	shalt  }
0x71: {  	_ =	shalt  }
0x72: {  	_ =	shalt  }
0x73: {  	_ =	shalt  }
0x74: {  	_ =	shalt  }
0x75: {  	_ =	shalt  }
0x76: {  	_ =	shalt  }
0x77: {  	_ =	shalt  }
0x78: {  	_ =	shalt  }
0x79: {  	_ =	shalt  }
0x7a: {  	_ =	shalt  }
0x7b: {  	_ =	shalt  }
0x7c: {  	_ =	shalt  }
0x7d: {  	_ =	shalt  }
0x7e: {  	_ =	shalt  }
0x7f: {  	_ =	shalt  }
0x80: {  	_ =	shalt  }
0x81: {  	_ =	shalt  }
0x82: {  	_ =	shalt  }
0x83: {  	_ =	shalt  }
0x84: {  	_ =	shalt  }
0x85: {  	_ =	shalt  }
0x86: {  	_ =	shalt  }
0x87: {  	_ =	shalt  }
.Lfunc_end0:
.L_simem_size_0:
called_computation.1_lowered:
.L_overlay_start_0:
0x88: {  	s2 =	sld [smem:$0x3FD9]  }
0x89: {  	s3 =	sld [smem:$0x3FFE];
	_ =	sdelay $0x1  }
0x8a: {  	s1 =	srdreg.scid  }
0x8b: {  	s0 =	sand.u32 $0x1, s1  }
0x8c: {  	s14 =	sshll.u32 s0, $0xA;
	s2 =	sadd.s32 s3, s2  }
0x8d: {  	s2 =	sadd.s32 s2, s14  }
0x8e: {  	[smem:$0x3FC3] =	sst s2  }
0x8f: {  	_ = 	snop  }
0x90: {  	s2 =	sld [smem:$0x3FD0];
	_ =	sdelay $0x2  }
0x91: {  	s15 =	simm.s32 $0xA;
	s4 =	simm.s32 $0x10  }
0x92: {  	[smem:s4], [sflag:s15] =	dma.local [hbm:s2], $0x1  }
0x93: {  	_ =	swait.eq [sflag:s15], $0x1  }
0x94: {  	[sflag:s15] =	ssyncset.done $0x0  }
0x95: {  	s16 =	sld [smem:$0x10];
	[sflag:s15] =	ssyncadd.s32 $0xFFFFFFFF  }
0x96: {  	s17 =	sld [smem:$0x12];
	(tm) =	ssettm $0x1  }
0x97: {  	s18 =	sld [smem:$0x3FFB];
	_ =	sdelay $0x3  }
0x98: {  	_ =	strace s18  }
0x99: {  	s4 =	sld [smem:$0x3FFC];
	_ =	sdelay $0x3  }
0x9a: {  	_ =	strace s4  }
0x9b: {  	s4 =	sld [smem:$0x3FFD];
	_ =	sdelay $0x3  }
0x9c: {  	_ =	strace s4  }
0x9d: {  	_ =	strace $0x8FFFFFFF  }
0x9e: {  	s19 =	sld [smem:$0x3FDB];
	_ =	sdelay $0x1  }
0x9f: {  	s5 =	simm.s32 $_scs_section_size  }
0xa0: {  	s6 =	simm.s32 $_size__tile_overlayer_lowered;
	s7 =	simm.s32 $_tile_overlayer_lowered  }
0xa1: {  	s22 =	simm.s32 $0x1BFF;
	s21 =	sshll.u32 s7, $0x1;
	s4 =	sadd.s32 s5, s19  }
0xa2: {  	s8 =	simm.s32 $0x0;
	s20 =	sshll.u32 s6, $0x1;
	s6 =	sadd.s32 s21, s4  }
0xa3: {  	[timem:s8], [sflag:s22] =	dma.local [hbm:s6], s20  }
0xa4: {  	_ =	swait.ge [sflag:s22], s20  }
0xa5: {  	s5 =	ssub.s32 $0x0, s20;
	[sflag:s22] =	ssyncset.done $0x0  }
0xa6: {  	[sflag:s22] =	ssyncadd.s32 s5;
	_ =	sdelay $0x1  }
0xa7: {  	s23 =	simm.s32 $0x1B8B  }
0xa8: {  	_ =	swait.ge [sflag:s23], $0x1  }
0xa9: {  	[sflag:s23] =	ssyncset.done $0x0  }
0xaa: {  	s25 =	simm.s32 $0x1B8E;
	s24 =	sld [smem:$0x3FFE];
	[sflag:s23] =	ssyncadd.s32 $0xFFFFFFFF  }
0xab: {  	s26 =	simm.s32 $execute0_lowered;
	[smem:$0x3FD2] =	sst s25  }
0xac: {  	s6 =	sshll.u32 s26, $0x1;
	_ =	strace $0x80000049;
	[dreg:$0x1] =	wrdreg $0xFFFFFFFF  }
0xad: {  	s28 =	simm.s32 $_size_execute0_lowered;
	s4 =	sadd.s32 s4, s6;
	[dreg:$0x0] =	wrdreg $0x0  }
0xae: {  	s6 =	sshll.u32 s28, $0x1;
	[dreg:$0x2] =	wrdreg s4  }
0xaf: {  	[dreg:$0x3] =	wrdreg s6  }
0xb0: {  	[dreg:$0x4] =	wrdreg $0xC0  }
0xb1: {  	_ =	task [dreg:s8], $0x5FFFF  }
0xb2: {  	[dreg:$0x1] =	wrdreg $0xFFFFFFFF  }
0xb3: {  	[dreg:$0x0] =	wrdreg $0x60  }
0xb4: {  	[dreg:$0x2] =	wrdreg s24  }
0xb5: {  	[dreg:$0x3] =	wrdreg s16  }
0xb6: {  	[dreg:$0x4] =	wrdreg s17  }
0xb7: {  	[dreg:$0x5] =	wrdreg $0x148C00  }
0xb8: {  	[dreg:$0x6] =	wrdreg $0x9  }
0xb9: {  	_ =	task.clear_ibuf [dreg:s8], $0x7FFFF;
	_ =	strace $0x90000049  }
0xba: {  	s29 =	simm.s32 $0x9;
	_ =	strace $0x8000004B  }
0xbb: {  	_ =	swait.ge [sflag:s29], $0x1  }
0xbc: {  	[sflag:s29] =	ssyncadd.s32 $0xFFFFFFFF  }
0xbd: {  	_ =	strace $0x9000004B  }
0xbe: {  	_ =	sfence  }
0xbf: {  	s30 =	sld [smem:$0x0];
	_ =	sdelay $0x2  }
0xc0: {  	s31 =	sshll.u32 s1, $0xD;
	s1 =	sshrl.u32 s1, $0x2  }
0xc1: {  	s3 =	sand.u32 $0x4000, s31;
	s1 =	sadd.s32 s1, s30  }
0xc2: {  	s0 =	sor.u32 s3, s0;
	s1 =	sshll.u32 s1, $0x11  }
0xc3: {  	s0 =	sor.u32 s1, s0  }
0xc4: {  	s0 =	sadd.s32 $0x8F2B, s0  }
0xc5: {  	[sflag:s0] =	ssyncadd.remote.s32 $0x1  }
0xc6: {  	_ =	sfence.sel $0xFFFF  }
0xc7: {  	[dreg:$0x0] =	wrdreg $0xFFFFFFFF;
	(pc) =	sbr.abs _section_cstart, $3  }
0xc8: {  	[dreg:$0x1] =	wrdreg $0xFFFFFFFF  }
0xc9: {  	_ =	task.clear_ibuf [dreg:s8], $0x2FFFF;
	_ =	strace $0x9FFFFFFF  }
0xca: {  	(tm) =	ssettm $0x7FFFFFFF  }
0xcb: {  	_ =	shalt  }
tec
execute0_lowered:
.L_overlay_start_1:
0x0: {  	(tag) =	ssettag $0x1  }
0x1: {  	s1 =	rddreg [dreg:$0x0]  }
0x2: {  	s0 =	srdreg.scid;
	s3 =	rddreg [dreg:$0x1]  }
0x3: {  	s12 =	stileid.u32;
	s4 =	rddreg [dreg:$0x2];
	s30 =	simm.s32 $0x0  }
0x4: {  	s0 =	sand.u32 $0x1, s0;
	s2 =	sshll.u32 s12, $0x1;
	[dreg:$0x5] =	wrdreg s4  }
0x5: {  	[smem:$0x7FF] =	sst s30;
	s2 =	sor.u32 s0, s2  }
0x6: {  	s24 =	simm.s32 $0x1F8;
	s5 =	smul.u32 $0x4EC, s2;
	s2 =	rddreg [dreg:$0x3]  }
0x7: {  	s25 =	simm.s32 $0x3F0;
	_ =	strace $0x8000004A;
	[dreg:$0x9] =	wrdreg s24  }
0x8: {  	s26 =	simm.s32 $0x2958;
	[dreg:$0xa] =	wrdreg s25  }
0x9: {  	s8 =	simm.s32 $0x2D48;
	[dreg:$0xb] =	wrdreg s26  }
0xa: {  	s9 =	simm.s32 $0x9D8;
	[dreg:$0xf] =	wrdreg s8  }
0xb: {  	s10 =	simm.s32 $0x2F40;
	s13 =	simm.s32 $0xBD0;
	[dreg:$0x10] =	wrdreg s9  }
0xc: {  	s14 =	simm.s32 $0x3138;
	s16 =	simm.s32 $0xDC8;
	[dreg:$0x11] =	wrdreg s10  }
0xd: {  	s18 =	simm.s32 $0x3330;
	s19 =	simm.s32 $0xFC0;
	[dreg:$0x12] =	wrdreg s13  }
0xe: {  	s20 =	simm.s32 $0x3528;
	s21 =	simm.s32 $0x11B8;
	[dreg:$0x13] =	wrdreg s14  }
0xf: {  	s22 =	simm.s32 $0x3720;
	s31 =	simm.s32 $0x2760;
	[dreg:$0x14] =	wrdreg s16  }
0x10: {  	s29 =	simm.s32 $0x17A0;
	s28 =	simm.s32 $0x3F00;
	[dreg:$0x15] =	wrdreg s18  }
0x11: {  	p0 =	por $0x0, $0x0;
	s23 =	smul.u32 $0x9C40, s12;
	[dreg:$0x16] =	wrdreg s19  }
0x12: {  	s17 =	sshll.u32 s12, $0x6;
	s6 =	smul.u32 $0x9C400, s0;
	[dreg:$0x17] =	wrdreg s20  }
0x13: {  	s0 =	ssub.s32 $0x2, s0;
	s4 =	sor.u32 $0x1C03, s17;
	[dreg:$0x18] =	wrdreg s21  }
0x14: {  	s17 =	simm.s32 $0x48D8;
	s11 =	sshrl.u32 s0, $0x1;
	[dreg:$0x19] =	wrdreg s22  }
0x15: {  	s24 =	simm.s32 $0x3918;
	s9 =	simm.s32 $0x4EC0;
	s25 =	simm.s32 $0x15A8  }
0x16: {  	s26 =	simm.s32 $0x3B10;
	s8 =	simm.s32 $0xCBC0;
	s10 =	simm.s32 $0x2  }
0x17: {  	s18 =	simm.s32 $0x3D08;
	s22 =	simm.s32 $0x1D88;
	s20 =	simm.s32 $0x1F80  }
0x18: {  	s21 =	simm.s32 $0x44E8;
	s19 =	simm.s32 $0x46E0;
	s16 =	simm.s32 $0x2370  }
0x19: {  	s14 =	simm.s32 $0x2568;
	s13 =	simm.s32 $0x4CC8;
	s6 =	sadd.s32 s23, s6  }
0x1a: {  	s0 =	ssub.s32 s0, s11;
	s15 =	sadd.s32 s23, s2;
	[dreg:$0x1b] =	wrdreg s24  }
0x1b: {  	s23 =	simm.s32 $0x13B0;
	s11 =	simm.s32 $0x1;
	[dreg:$0x1c] =	wrdreg s25  }
0x1c: {  	[dreg:$0x1d] =	wrdreg s26;
	s26 =	simm.s32 $0x1998;
	s24 =	simm.s32 $0x1B90  }
0x1d: {  	s25 =	simm.s32 $0x40F8;
	s5 =	sadd.s32 s5, s1;
	s6 =	sshrl.u32 s6, $0x3  }
0x1e: {  	s0 =	smax.u32 s0, $0x1;
	[dreg:$0x1a] =	wrdreg s23;
	s7 =	sadd.s32 $0xB800, s5  }
0x1f: {  	s1 =	sadd.s32 s6, s1;
	s5 =	sadd.s32 $0x15600, s5;
	[dreg:$0x6] =	wrdreg s7  }
0x20: {  	s6 =	simm.s32 $0x2B50;
	p1 =	sne.s32 s0, $0x1;
	[dreg:$0x7] =	wrdreg s5  }
.Ltmp0:
0x21: {  	s1 =	sadd.s32 $0x1F400, s1;
	[dreg:$0xd] =	wrdreg s6;
	(pc) =	sbr.rel @!p1 .LBB2_1-.Ltmp0, $4  }
0x22: {  	s23 =	simm.s32 $0x42F0;
	s5 =	simm.s32 $0x5E8;
	[dreg:$0x8] =	wrdreg s1  }
0x23: {  	s7 =	simm.s32 $0x7E0;
	s6 =	simm.s32 $0x3;
	[dreg:$0xc] =	wrdreg s5  }
0x24: {  	[dreg:$0xe] =	wrdreg s7;
	s5 =	sshrl.u32 s15, $0x3;
	s7 =	simm.s32 $0x1F4  }
0x25: {  	s1 =	sadd.s32 $0xFFFFFFFF, s0;
	s15 =	simm.s32 $0x4AD0;
	s0 =	rddreg [dreg:$0x5]  }
0x26: {  	[spmem:s5], [sflag:s4] =	dma.local [hbm:s0], $0x1388  }
0x27: {  	_ =	swait.ge [sflag:s6], $0x1388  }
0x28: {  	[sflag:s6] =	ssyncset.done $0x0  }
0x29: {  	s12 =	rddreg [dreg:$0x6];
	[sflag:s6] =	ssyncadd.s32 $0xFFFFEC78  }
0x2a: {  	[tilespmem:s30], [sflag:$0x3] =	stream.linear.gather [hbm4b:s12+s30], $0x2760, $0x38;
	[tilespmem:$0x1E500] =	vst v63  }
0x2b: {  	_ =	swait.ge [sflag:s6], $0x2760  }
0x2c: {  	[sflag:s6] =	ssyncset.done $0x0  }
0x2d: {  	s12 =	rddreg [dreg:$0x7];
	[sflag:s6] =	ssyncadd.s32 $0xFFFFD8A0  }
0x2e: {  	[tilespmem:s31], [sflag:$0x3] =	stream.linear.gather [hbm4b:s12+s30], $0x2760, $0x38;
	[tilespmem:$0x1E500] =	vst v63  }
0x2f: {  	_ =	swait.ge [sflag:s6], $0x2760  }
0x30: {  	[sflag:s6] =	ssyncset.done $0x0  }
0x31: {  	[sflag:s6] =	ssyncadd.s32 $0xFFFFD8A0  }
0x32: {  	[bflag:$0x0] =	sbarrier.arrive $0xFFFF  }
0x33: {  	[tilespmem:s9], [sflag:$0x1] =	stream.indirect.gather [hbm4b:s3+s7], $0x40, s30, s7, $0xb8;
	[tilespmem:$0x1E500] =	vst v63  }
0x34: {  	_ =	swait.ge [sflag:s11], $0x7D00  }
0x35: {  	[sflag:s11] =	ssyncset.done $0x0  }
0x36: {  	s12 =	rddreg [dreg:$0x9];
	[sflag:s11] =	ssyncadd.s32 $0xFFFF8300  }
0x37: {  	[tilespmem:s8], [sflag:$0x2] =	stream.indirect.gather [hbm4b:s3+s7], $0x40, s12, s7, $0xb8;
	[tilespmem:$0x1E500] =	vst v63  }
0x38: {  	_ = 	snop  }
0x39: {  	[spmem:s2] =	stream.indirect.scatter.add.f32 [tilespmem:s9], [sflag:$0x3], $0x40, s31, s7, $0xb8;
	[tilespmem:$0x1E500] =	vst v63  }
0x3a: {  	_ =	swait.ge [sflag:s6], $0x7D00  }
0x3b: {  	[sflag:s6] =	ssyncset.done $0x0  }
0x3c: {  	[sflag:s6] =	ssyncadd.s32 $0xFFFF8300  }
0x3d: {  	_ =	swait.ge [sflag:s10], $0x7D00  }
0x3e: {  	[sflag:s10] =	ssyncset.done $0x0  }
0x3f: {  	s0 =	rddreg [dreg:$0xa];
	[sflag:s10] =	ssyncadd.s32 $0xFFFF8300  }
0x40: {  	[tilespmem:s9], [sflag:$0x1] =	stream.indirect.gather [hbm4b:s3+s7], $0x40, s0, s7, $0xb8;
	[tilespmem:$0x1E500] =	vst v63  }
0x41: {  	s12 =	smov.u32 s1;
	s1 =	rddreg [dreg:$0xb]  }
0x42: {  	[spmem:s2] =	stream.indirect.scatter.add.f32 [tilespmem:s8], [sflag:$0x3], $0x40, s1, s7, $0xb8;
	[tilespmem:$0x1E500] =	vst v63  }
0x43: {  	_ =	swait.ge [sflag:s6], $0x7D00  }
0x44: {  	[sflag:s6] =	ssyncset.done $0x0  }
0x45: {  	[sflag:s6] =	ssyncadd.s32 $0xFFFF8300  }
0x46: {  	_ =	swait.ge [sflag:s11], $0x7D00  }
0x47: {  	[sflag:s11] =	ssyncset.done $0x0  }
0x48: {  	s0 =	rddreg [dreg:$0xc];
	[sflag:s11] =	ssyncadd.s32 $0xFFFF8300  }
0x49: {  	[tilespmem:s8], [sflag:$0x2] =	stream.indirect.gather [hbm4b:s3+s7], $0x40, s0, s7, $0xb8;
	[tilespmem:$0x1E500] =	vst v63  }
0x4a: {  	s1 =	rddreg [dreg:$0xd]  }
0x4b: {  	[spmem:s2] =	stream.indirect.scatter.add.f32 [tilespmem:s9], [sflag:$0x3], $0x40, s1, s7, $0xb8;
	[tilespmem:$0x1E500] =	vst v63  }
0x4c: {  	_ =	swait.ge [sflag:s6], $0x7D00  }
0x4d: {  	[sflag:s6] =	ssyncset.done $0x0  }
0x4e: {  	[sflag:s6] =	ssyncadd.s32 $0xFFFF8300  }
0x4f: {  	_ =	swait.ge [sflag:s10], $0x7D00  }
0x50: {  	[sflag:s10] =	ssyncset.done $0x0  }
0x51: {  	s0 =	rddreg [dreg:$0xe];
	[sflag:s10] =	ssyncadd.s32 $0xFFFF8300  }
0x52: {  	[tilespmem:s9], [sflag:$0x1] =	stream.indirect.gather [hbm4b:s3+s7], $0x40, s0, s7, $0xb8;
	[tilespmem:$0x1E500] =	vst v63  }
0x53: {  	s1 =	rddreg [dreg:$0xf]  }
0x54: {  	[spmem:s2] =	stream.indirect.scatter.add.f32 [tilespmem:s8], [sflag:$0x3], $0x40, s1, s7, $0xb8;
	[tilespmem:$0x1E500] =	vst v63  }
0x55: {  	_ =	swait.ge [sflag:s6], $0x7D00  }
0x56: {  	[sflag:s6] =	ssyncset.done $0x0  }
0x57: {  	[sflag:s6] =	ssyncadd.s32 $0xFFFF8300  }
0x58: {  	_ =	swait.ge [sflag:s11], $0x7D00  }
0x59: {  	[sflag:s11] =	ssyncset.done $0x0  }
0x5a: {  	s0 =	rddreg [dreg:$0x10];
	[sflag:s11] =	ssyncadd.s32 $0xFFFF8300  }
0x5b: {  	[tilespmem:s8], [sflag:$0x2] =	stream.indirect.gather [hbm4b:s3+s7], $0x40, s0, s7, $0xb8;
	[tilespmem:$0x1E500] =	vst v63  }
0x5c: {  	s1 =	rddreg [dreg:$0x11]  }
0x5d: {  	[spmem:s2] =	stream.indirect.scatter.add.f32 [tilespmem:s9], [sflag:$0x3], $0x40, s1, s7, $0xb8;
	[tilespmem:$0x1E500] =	vst v63  }
0x5e: {  	_ =	swait.ge [sflag:s6], $0x7D00  }
0x5f: {  	[sflag:s6] =	ssyncset.done $0x0  }
0x60: {  	[sflag:s6] =	ssyncadd.s32 $0xFFFF8300  }
0x61: {  	_ =	swait.ge [sflag:s10], $0x7D00  }
0x62: {  	[sflag:s10] =	ssyncset.done $0x0  }
0x63: {  	s0 =	rddreg [dreg:$0x12];
	[sflag:s10] =	ssyncadd.s32 $0xFFFF8300  }
0x64: {  	[tilespmem:s9], [sflag:$0x1] =	stream.indirect.gather [hbm4b:s3+s7], $0x40, s0, s7, $0xb8;
	[tilespmem:$0x1E500] =	vst v63  }
0x65: {  	s1 =	rddreg [dreg:$0x13]  }
0x66: {  	[spmem:s2] =	stream.indirect.scatter.add.f32 [tilespmem:s8], [sflag:$0x3], $0x40, s1, s7, $0xb8;
	[tilespmem:$0x1E500] =	vst v63  }
0x67: {  	_ =	swait.ge [sflag:s6], $0x7D00  }
0x68: {  	[sflag:s6] =	ssyncset.done $0x0  }
0x69: {  	[sflag:s6] =	ssyncadd.s32 $0xFFFF8300  }
0x6a: {  	_ =	swait.ge [sflag:s11], $0x7D00  }
0x6b: {  	[sflag:s11] =	ssyncset.done $0x0  }
0x6c: {  	s0 =	rddreg [dreg:$0x14];
	[sflag:s11] =	ssyncadd.s32 $0xFFFF8300  }
0x6d: {  	[tilespmem:s8], [sflag:$0x2] =	stream.indirect.gather [hbm4b:s3+s7], $0x40, s0, s7, $0xb8;
	[tilespmem:$0x1E500] =	vst v63  }
0x6e: {  	s1 =	rddreg [dreg:$0x15]  }
0x6f: {  	[spmem:s2] =	stream.indirect.scatter.add.f32 [tilespmem:s9], [sflag:$0x3], $0x40, s1, s7, $0xb8;
	[tilespmem:$0x1E500] =	vst v63  }
0x70: {  	_ =	swait.ge [sflag:s6], $0x7D00  }
0x71: {  	[sflag:s6] =	ssyncset.done $0x0  }
0x72: {  	[sflag:s6] =	ssyncadd.s32 $0xFFFF8300  }
0x73: {  	_ =	swait.ge [sflag:s10], $0x7D00  }
0x74: {  	[sflag:s10] =	ssyncset.done $0x0  }
0x75: {  	s0 =	rddreg [dreg:$0x16];
	[sflag:s10] =	ssyncadd.s32 $0xFFFF8300  }
0x76: {  	[tilespmem:s9], [sflag:$0x1] =	stream.indirect.gather [hbm4b:s3+s7], $0x40, s0, s7, $0xb8;
	[tilespmem:$0x1E500] =	vst v63  }
0x77: {  	s1 =	rddreg [dreg:$0x17]  }
0x78: {  	[spmem:s2] =	stream.indirect.scatter.add.f32 [tilespmem:s8], [sflag:$0x3], $0x40, s1, s7, $0xb8;
	[tilespmem:$0x1E500] =	vst v63  }
0x79: {  	_ =	swait.ge [sflag:s6], $0x7D00  }
0x7a: {  	[sflag:s6] =	ssyncset.done $0x0  }
0x7b: {  	[sflag:s6] =	ssyncadd.s32 $0xFFFF8300  }
0x7c: {  	_ =	swait.ge [sflag:s11], $0x7D00  }
0x7d: {  	[sflag:s11] =	ssyncset.done $0x0  }
0x7e: {  	s0 =	rddreg [dreg:$0x18];
	[sflag:s11] =	ssyncadd.s32 $0xFFFF8300  }
0x7f: {  	[tilespmem:s8], [sflag:$0x2] =	stream.indirect.gather [hbm4b:s3+s7], $0x40, s0, s7, $0xb8;
	[tilespmem:$0x1E500] =	vst v63  }
0x80: {  	s1 =	rddreg [dreg:$0x19]  }
0x81: {  	[spmem:s2] =	stream.indirect.scatter.add.f32 [tilespmem:s9], [sflag:$0x3], $0x40, s1, s7, $0xb8;
	[tilespmem:$0x1E500] =	vst v63  }
0x82: {  	_ =	swait.ge [sflag:s6], $0x7D00  }
0x83: {  	[sflag:s6] =	ssyncset.done $0x0  }
0x84: {  	[sflag:s6] =	ssyncadd.s32 $0xFFFF8300  }
0x85: {  	_ =	swait.ge [sflag:s10], $0x7D00  }
0x86: {  	[sflag:s10] =	ssyncset.done $0x0  }
0x87: {  	s0 =	rddreg [dreg:$0x1a];
	[sflag:s10] =	ssyncadd.s32 $0xFFFF8300  }
0x88: {  	[tilespmem:s9], [sflag:$0x1] =	stream.indirect.gather [hbm4b:s3+s7], $0x40, s0, s7, $0xb8;
	[tilespmem:$0x1E500] =	vst v63  }
0x89: {  	s1 =	rddreg [dreg:$0x1b]  }
0x8a: {  	[spmem:s2] =	stream.indirect.scatter.add.f32 [tilespmem:s8], [sflag:$0x3], $0x40, s1, s7, $0xb8;
	[tilespmem:$0x1E500] =	vst v63  }
0x8b: {  	_ =	swait.ge [sflag:s6], $0x7D00  }
0x8c: {  	[sflag:s6] =	ssyncset.done $0x0  }
0x8d: {  	[sflag:s6] =	ssyncadd.s32 $0xFFFF8300  }
0x8e: {  	_ =	swait.ge [sflag:s11], $0x7D00  }
0x8f: {  	[sflag:s11] =	ssyncset.done $0x0  }
0x90: {  	s0 =	rddreg [dreg:$0x1c];
	[sflag:s11] =	ssyncadd.s32 $0xFFFF8300  }
0x91: {  	[tilespmem:s8], [sflag:$0x2] =	stream.indirect.gather [hbm4b:s3+s7], $0x40, s0, s7, $0xb8;
	[tilespmem:$0x1E500] =	vst v63  }
0x92: {  	s1 =	rddreg [dreg:$0x1d]  }
0x93: {  	[spmem:s2] =	stream.indirect.scatter.add.f32 [tilespmem:s9], [sflag:$0x3], $0x40, s1, s7, $0xb8;
	[tilespmem:$0x1E500] =	vst v63  }
0x94: {  	_ =	swait.ge [sflag:s6], $0x7D00  }
0x95: {  	[sflag:s6] =	ssyncset.done $0x0  }
0x96: {  	[sflag:s6] =	ssyncadd.s32 $0xFFFF8300  }
0x97: {  	_ =	swait.ge [sflag:s10], $0x7D00  }
0x98: {  	[sflag:s10] =	ssyncset.done $0x0  }
0x99: {  	[sflag:s10] =	ssyncadd.s32 $0xFFFF8300  }
0x9a: {  	[tilespmem:s9], [sflag:$0x1] =	stream.indirect.gather [hbm4b:s3+s7], $0x40, s29, s7, $0xb8;
	[tilespmem:$0x1E500] =	vst v63  }
0x9b: {  	_ = 	snop  }
0x9c: {  	[spmem:s2] =	stream.indirect.scatter.add.f32 [tilespmem:s8], [sflag:$0x3], $0x40, s18, s7, $0xb8;
	[tilespmem:$0x1E500] =	vst v63  }
0x9d: {  	_ =	swait.ge [sflag:s6], $0x7D00  }
0x9e: {  	[sflag:s6] =	ssyncset.done $0x0  }
0x9f: {  	[sflag:s6] =	ssyncadd.s32 $0xFFFF8300  }
0xa0: {  	_ =	swait.ge [sflag:s11], $0x7D00  }
0xa1: {  	[sflag:s11] =	ssyncset.done $0x0  }
0xa2: {  	[sflag:s11] =	ssyncadd.s32 $0xFFFF8300  }
0xa3: {  	[tilespmem:s8], [sflag:$0x2] =	stream.indirect.gather [hbm4b:s3+s7], $0x40, s26, s7, $0xb8;
	[tilespmem:$0x1E500] =	vst v63  }
0xa4: {  	_ = 	snop  }
0xa5: {  	[spmem:s2] =	stream.indirect.scatter.add.f32 [tilespmem:s9], [sflag:$0x3], $0x40, s28, s7, $0xb8;
	[tilespmem:$0x1E500] =	vst v63  }
0xa6: {  	_ =	swait.ge [sflag:s6], $0x7D00  }
0xa7: {  	[sflag:s6] =	ssyncset.done $0x0  }
0xa8: {  	[sflag:s6] =	ssyncadd.s32 $0xFFFF8300  }
0xa9: {  	_ =	swait.ge [sflag:s10], $0x7D00  }
0xaa: {  	[sflag:s10] =	ssyncset.done $0x0  }
0xab: {  	[sflag:s10] =	ssyncadd.s32 $0xFFFF8300  }
0xac: {  	[tilespmem:s9], [sflag:$0x1] =	stream.indirect.gather [hbm4b:s3+s7], $0x40, s24, s7, $0xb8;
	[tilespmem:$0x1E500] =	vst v63  }
0xad: {  	_ = 	snop  }
0xae: {  	[spmem:s2] =	stream.indirect.scatter.add.f32 [tilespmem:s8], [sflag:$0x3], $0x40, s25, s7, $0xb8;
	[tilespmem:$0x1E500] =	vst v63  }
0xaf: {  	_ =	swait.ge [sflag:s6], $0x7D00  }
0xb0: {  	[sflag:s6] =	ssyncset.done $0x0  }
0xb1: {  	[sflag:s6] =	ssyncadd.s32 $0xFFFF8300  }
0xb2: {  	_ =	swait.ge [sflag:s11], $0x7D00  }
0xb3: {  	[sflag:s11] =	ssyncset.done $0x0  }
0xb4: {  	[sflag:s11] =	ssyncadd.s32 $0xFFFF8300  }
0xb5: {  	[tilespmem:s8], [sflag:$0x2] =	stream.indirect.gather [hbm4b:s3+s7], $0x40, s22, s7, $0xb8;
	[tilespmem:$0x1E500] =	vst v63  }
0xb6: {  	_ = 	snop  }
0xb7: {  	[spmem:s2] =	stream.indirect.scatter.add.f32 [tilespmem:s9], [sflag:$0x3], $0x40, s23, s7, $0xb8;
	[tilespmem:$0x1E500] =	vst v63  }
0xb8: {  	_ =	swait.ge [sflag:s6], $0x7D00  }
0xb9: {  	[sflag:s6] =	ssyncset.done $0x0  }
0xba: {  	[sflag:s6] =	ssyncadd.s32 $0xFFFF8300  }
0xbb: {  	_ =	swait.ge [sflag:s10], $0x7D00  }
0xbc: {  	[sflag:s10] =	ssyncset.done $0x0  }
0xbd: {  	[sflag:s10] =	ssyncadd.s32 $0xFFFF8300  }
0xbe: {  	[tilespmem:s9], [sflag:$0x1] =	stream.indirect.gather [hbm4b:s3+s7], $0x40, s20, s7, $0xb8;
	[tilespmem:$0x1E500] =	vst v63  }
0xbf: {  	_ = 	snop  }
0xc0: {  	[spmem:s2] =	stream.indirect.scatter.add.f32 [tilespmem:s8], [sflag:$0x3], $0x40, s21, s7, $0xb8;
	[tilespmem:$0x1E500] =	vst v63  }
0xc1: {  	_ =	swait.ge [sflag:s6], $0x7D00  }
0xc2: {  	[sflag:s6] =	ssyncset.done $0x0  }
0xc3: {  	[sflag:s6] =	ssyncadd.s32 $0xFFFF8300  }
0xc4: {  	_ =	swait.ge [sflag:s11], $0x7D00  }
0xc5: {  	[sflag:s11] =	ssyncset.done $0x0  }
0xc6: {  	s1 =	simm.s32 $0x2178;
	[sflag:s11] =	ssyncadd.s32 $0xFFFF8300  }
0xc7: {  	[tilespmem:s8], [sflag:$0x2] =	stream.indirect.gather [hbm4b:s3+s7], $0x40, s1, s7, $0xb8;
	[tilespmem:$0x1E500] =	vst v63  }
0xc8: {  	_ = 	snop  }
0xc9: {  	[spmem:s2] =	stream.indirect.scatter.add.f32 [tilespmem:s9], [sflag:$0x3], $0x40, s19, s7, $0xb8;
	[tilespmem:$0x1E500] =	vst v63  }
0xca: {  	_ =	swait.ge [sflag:s6], $0x7D00  }
0xcb: {  	[sflag:s6] =	ssyncset.done $0x0  }
0xcc: {  	[sflag:s6] =	ssyncadd.s32 $0xFFFF8300  }
0xcd: {  	_ =	swait.ge [sflag:s10], $0x7D00  }
0xce: {  	[sflag:s10] =	ssyncset.done $0x0  }
0xcf: {  	[sflag:s10] =	ssyncadd.s32 $0xFFFF8300  }
0xd0: {  	[tilespmem:s9], [sflag:$0x1] =	stream.indirect.gather [hbm4b:s3+s7], $0x40, s16, s7, $0xb8;
	[tilespmem:$0x1E500] =	vst v63  }
0xd1: {  	_ = 	snop  }
0xd2: {  	[spmem:s2] =	stream.indirect.scatter.add.f32 [tilespmem:s8], [sflag:$0x3], $0x40, s17, s7, $0xb8;
	[tilespmem:$0x1E500] =	vst v63  }
0xd3: {  	_ =	swait.ge [sflag:s6], $0x7D00  }
0xd4: {  	[sflag:s6] =	ssyncset.done $0x0  }
0xd5: {  	[sflag:s6] =	ssyncadd.s32 $0xFFFF8300  }
0xd6: {  	_ =	swait.ge [sflag:s11], $0x7D00  }
0xd7: {  	[sflag:s11] =	ssyncset.done $0x0  }
0xd8: {  	[sflag:s11] =	ssyncadd.s32 $0xFFFF8300  }
0xd9: {  	[tilespmem:s8], [sflag:$0x2] =	stream.indirect.gather [hbm4b:s3+s7], $0x40, s14, s7, $0xb8;
	[tilespmem:$0x1E500] =	vst v63  }
0xda: {  	_ = 	snop  }
0xdb: {  	[spmem:s2] =	stream.indirect.scatter.add.f32 [tilespmem:s9], [sflag:$0x3], $0x40, s15, s7, $0xb8;
	[tilespmem:$0x1E500] =	vst v63  }
0xdc: {  	_ =	swait.ge [sflag:s6], $0x7D00  }
0xdd: {  	[sflag:s6] =	ssyncset.done $0x0  }
0xde: {  	[sflag:s6] =	ssyncadd.s32 $0xFFFF8300  }
0xdf: {  	_ =	swait.ge [sflag:s10], $0x7D00  }
0xe0: {  	[sflag:s10] =	ssyncset.done $0x0  }
0xe1: {  	[sflag:s10] =	ssyncadd.s32 $0xFFFF8300  }
0xe2: {  	[spmem:s2] =	stream.indirect.scatter.add.f32 [tilespmem:s8], [sflag:$0x3], $0x40, s13, s7, $0xb8;
	[tilespmem:$0x1E500] =	vst v63  }
0xe3: {  	_ =	swait.ge [sflag:s6], $0x7D00  }
0xe4: {  	[sflag:s6] =	ssyncset.done $0x0  }
0xe5: {  	p1 =	sne.s32 s12, $0x1;
	[sflag:s6] =	ssyncadd.s32 $0xFFFF8300  }
.Ltmp1:
0xe6: {  	[bflag:$0x0] =	sbarrier.arrive $0xFFFF;
	(pc) =	sbr.rel @!p1 .LBB2_3-.Ltmp1, $4  }
0xe7: {  	s1 =	rddreg [dreg:$0x8]  }
0xe8: {  	[hbm:s1], [sflag:s4] =	dma.local [spmem:s5], $0x1388  }
0xe9: {  	p0 =	por $0x1, $0x1;
	_ =	swait.ge [sflag:s6], $0x1388  }
0xea: {  	s1 =	sadd.s32 $0xFFFFFFFF, s12;
	s0 =	rddreg [dreg:$0x5];
	[sflag:s6] =	ssyncset.done $0x0  }
.LBB2_4:
0xeb: {  	[sflag:s6] =	ssyncadd.s32 $0xFFFFEC78  }
0xec: {  	[spmem:s5], [sflag:s4] =	dma.local [hbm:s0], $0x1388  }
0xed: {  	_ =	swait.ge [sflag:s6], $0x1388  }
0xee: {  	[sflag:s6] =	ssyncset.done $0x0  }
0xef: {  	s12 =	rddreg [dreg:$0x6];
	[sflag:s6] =	ssyncadd.s32 $0xFFFFEC78  }
0xf0: {  	[tilespmem:s30], [sflag:$0x3] =	stream.linear.gather [hbm4b:s12+s30], $0x2760, $0x38;
	[tilespmem:$0x1E500] =	vst v63  }
0xf1: {  	_ =	swait.ge [sflag:s6], $0x2760  }
0xf2: {  	[sflag:s6] =	ssyncset.done $0x0  }
0xf3: {  	s12 =	rddreg [dreg:$0x7];
	[sflag:s6] =	ssyncadd.s32 $0xFFFFD8A0  }
0xf4: {  	[tilespmem:s31], [sflag:$0x3] =	stream.linear.gather [hbm4b:s12+s30], $0x2760, $0x38;
	[tilespmem:$0x1E500] =	vst v63  }
0xf5: {  	_ =	swait.ge [sflag:s6], $0x2760  }
0xf6: {  	[sflag:s6] =	ssyncset.done $0x0  }
0xf7: {  	[sflag:s6] =	ssyncadd.s32 $0xFFFFD8A0  }
0xf8: {  	[bflag:$0x0] =	sbarrier.arrive $0xFFFF  }
0xf9: {  	[tilespmem:s9], [sflag:$0x1] =	stream.indirect.gather [hbm4b:s3+s7], $0x40, s30, s7, $0xb8;
	[tilespmem:$0x1E500] =	vst v63  }
0xfa: {  	_ =	swait.ge [sflag:s11], $0x7D00  }
0xfb: {  	[sflag:s11] =	ssyncset.done $0x0  }
0xfc: {  	s12 =	rddreg [dreg:$0x9];
	[sflag:s11] =	ssyncadd.s32 $0xFFFF8300  }
0xfd: {  	[tilespmem:s8], [sflag:$0x2] =	stream.indirect.gather [hbm4b:s3+s7], $0x40, s12, s7, $0xb8;
	[tilespmem:$0x1E500] =	vst v63  }
0xfe: {  	_ = 	snop  }
0xff: {  	[spmem:s2] =	stream.indirect.scatter.add.f32 [tilespmem:s9], [sflag:$0x3], $0x40, s31, s7, $0xb8;
	[tilespmem:$0x1E500] =	vst v63  }
0x100: {  	_ =	swait.ge [sflag:s6], $0x7D00  }
0x101: {  	[sflag:s6] =	ssyncset.done $0x0  }
0x102: {  	[sflag:s6] =	ssyncadd.s32 $0xFFFF8300  }
0x103: {  	_ =	swait.ge [sflag:s10], $0x7D00  }
0x104: {  	[sflag:s10] =	ssyncset.done $0x0  }
0x105: {  	s0 =	rddreg [dreg:$0xa];
	[sflag:s10] =	ssyncadd.s32 $0xFFFF8300  }
0x106: {  	[tilespmem:s9], [sflag:$0x1] =	stream.indirect.gather [hbm4b:s3+s7], $0x40, s0, s7, $0xb8;
	[tilespmem:$0x1E500] =	vst v63  }
0x107: {  	s12 =	rddreg [dreg:$0xb]  }
0x108: {  	[spmem:s2] =	stream.indirect.scatter.add.f32 [tilespmem:s8], [sflag:$0x3], $0x40, s12, s7, $0xb8;
	[tilespmem:$0x1E500] =	vst v63  }
0x109: {  	_ =	swait.ge [sflag:s6], $0x7D00  }
0x10a: {  	[sflag:s6] =	ssyncset.done $0x0  }
0x10b: {  	[sflag:s6] =	ssyncadd.s32 $0xFFFF8300  }
0x10c: {  	_ =	swait.ge [sflag:s11], $0x7D00  }
0x10d: {  	[sflag:s11] =	ssyncset.done $0x0  }
0x10e: {  	s0 =	rddreg [dreg:$0xc];
	[sflag:s11] =	ssyncadd.s32 $0xFFFF8300  }
0x10f: {  	[tilespmem:s8], [sflag:$0x2] =	stream.indirect.gather [hbm4b:s3+s7], $0x40, s0, s7, $0xb8;
	[tilespmem:$0x1E500] =	vst v63  }
0x110: {  	s12 =	rddreg [dreg:$0xd]  }
0x111: {  	[spmem:s2] =	stream.indirect.scatter.add.f32 [tilespmem:s9], [sflag:$0x3], $0x40, s12, s7, $0xb8;
	[tilespmem:$0x1E500] =	vst v63  }
0x112: {  	_ =	swait.ge [sflag:s6], $0x7D00  }
0x113: {  	[sflag:s6] =	ssyncset.done $0x0  }
0x114: {  	[sflag:s6] =	ssyncadd.s32 $0xFFFF8300  }
0x115: {  	_ =	swait.ge [sflag:s10], $0x7D00  }
0x116: {  	[sflag:s10] =	ssyncset.done $0x0  }
0x117: {  	s0 =	rddreg [dreg:$0xe];
	[sflag:s10] =	ssyncadd.s32 $0xFFFF8300  }
0x118: {  	[tilespmem:s9], [sflag:$0x1] =	stream.indirect.gather [hbm4b:s3+s7], $0x40, s0, s7, $0xb8;
	[tilespmem:$0x1E500] =	vst v63  }
0x119: {  	s12 =	rddreg [dreg:$0xf]  }
0x11a: {  	[spmem:s2] =	stream.indirect.scatter.add.f32 [tilespmem:s8], [sflag:$0x3], $0x40, s12, s7, $0xb8;
	[tilespmem:$0x1E500] =	vst v63  }
0x11b: {  	_ =	swait.ge [sflag:s6], $0x7D00  }
0x11c: {  	[sflag:s6] =	ssyncset.done $0x0  }
0x11d: {  	[sflag:s6] =	ssyncadd.s32 $0xFFFF8300  }
0x11e: {  	_ =	swait.ge [sflag:s11], $0x7D00  }
0x11f: {  	[sflag:s11] =	ssyncset.done $0x0  }
0x120: {  	s0 =	rddreg [dreg:$0x10];
	[sflag:s11] =	ssyncadd.s32 $0xFFFF8300  }
0x121: {  	[tilespmem:s8], [sflag:$0x2] =	stream.indirect.gather [hbm4b:s3+s7], $0x40, s0, s7, $0xb8;
	[tilespmem:$0x1E500] =	vst v63  }
0x122: {  	s12 =	rddreg [dreg:$0x11]  }
0x123: {  	[spmem:s2] =	stream.indirect.scatter.add.f32 [tilespmem:s9], [sflag:$0x3], $0x40, s12, s7, $0xb8;
	[tilespmem:$0x1E500] =	vst v63  }
0x124: {  	_ =	swait.ge [sflag:s6], $0x7D00  }
0x125: {  	[sflag:s6] =	ssyncset.done $0x0  }
0x126: {  	[sflag:s6] =	ssyncadd.s32 $0xFFFF8300  }
0x127: {  	_ =	swait.ge [sflag:s10], $0x7D00  }
0x128: {  	[sflag:s10] =	ssyncset.done $0x0  }
0x129: {  	s0 =	rddreg [dreg:$0x12];
	[sflag:s10] =	ssyncadd.s32 $0xFFFF8300  }
0x12a: {  	[tilespmem:s9], [sflag:$0x1] =	stream.indirect.gather [hbm4b:s3+s7], $0x40, s0, s7, $0xb8;
	[tilespmem:$0x1E500] =	vst v63  }
0x12b: {  	s12 =	rddreg [dreg:$0x13]  }
0x12c: {  	[spmem:s2] =	stream.indirect.scatter.add.f32 [tilespmem:s8], [sflag:$0x3], $0x40, s12, s7, $0xb8;
	[tilespmem:$0x1E500] =	vst v63  }
0x12d: {  	_ =	swait.ge [sflag:s6], $0x7D00  }
0x12e: {  	[sflag:s6] =	ssyncset.done $0x0  }
0x12f: {  	[sflag:s6] =	ssyncadd.s32 $0xFFFF8300  }
0x130: {  	_ =	swait.ge [sflag:s11], $0x7D00  }
0x131: {  	[sflag:s11] =	ssyncset.done $0x0  }
0x132: {  	s0 =	rddreg [dreg:$0x14];
	[sflag:s11] =	ssyncadd.s32 $0xFFFF8300  }
0x133: {  	[tilespmem:s8], [sflag:$0x2] =	stream.indirect.gather [hbm4b:s3+s7], $0x40, s0, s7, $0xb8;
	[tilespmem:$0x1E500] =	vst v63  }
0x134: {  	s12 =	rddreg [dreg:$0x15]  }
0x135: {  	[spmem:s2] =	stream.indirect.scatter.add.f32 [tilespmem:s9], [sflag:$0x3], $0x40, s12, s7, $0xb8;
	[tilespmem:$0x1E500] =	vst v63  }
0x136: {  	_ =	swait.ge [sflag:s6], $0x7D00  }
0x137: {  	[sflag:s6] =	ssyncset.done $0x0  }
0x138: {  	[sflag:s6] =	ssyncadd.s32 $0xFFFF8300  }
0x139: {  	_ =	swait.ge [sflag:s10], $0x7D00  }
0x13a: {  	[sflag:s10] =	ssyncset.done $0x0  }
0x13b: {  	s0 =	rddreg [dreg:$0x16];
	[sflag:s10] =	ssyncadd.s32 $0xFFFF8300  }
0x13c: {  	[tilespmem:s9], [sflag:$0x1] =	stream.indirect.gather [hbm4b:s3+s7], $0x40, s0, s7, $0xb8;
	[tilespmem:$0x1E500] =	vst v63  }
0x13d: {  	s12 =	rddreg [dreg:$0x17]  }
0x13e: {  	[spmem:s2] =	stream.indirect.scatter.add.f32 [tilespmem:s8], [sflag:$0x3], $0x40, s12, s7, $0xb8;
	[tilespmem:$0x1E500] =	vst v63  }
0x13f: {  	_ =	swait.ge [sflag:s6], $0x7D00  }
0x140: {  	[sflag:s6] =	ssyncset.done $0x0  }
0x141: {  	[sflag:s6] =	ssyncadd.s32 $0xFFFF8300  }
0x142: {  	_ =	swait.ge [sflag:s11], $0x7D00  }
0x143: {  	[sflag:s11] =	ssyncset.done $0x0  }
0x144: {  	s0 =	rddreg [dreg:$0x18];
	[sflag:s11] =	ssyncadd.s32 $0xFFFF8300  }
0x145: {  	[tilespmem:s8], [sflag:$0x2] =	stream.indirect.gather [hbm4b:s3+s7], $0x40, s0, s7, $0xb8;
	[tilespmem:$0x1E500] =	vst v63  }
0x146: {  	s12 =	rddreg [dreg:$0x19]  }
0x147: {  	[spmem:s2] =	stream.indirect.scatter.add.f32 [tilespmem:s9], [sflag:$0x3], $0x40, s12, s7, $0xb8;
	[tilespmem:$0x1E500] =	vst v63  }
0x148: {  	_ =	swait.ge [sflag:s6], $0x7D00  }
0x149: {  	[sflag:s6] =	ssyncset.done $0x0  }
0x14a: {  	[sflag:s6] =	ssyncadd.s32 $0xFFFF8300  }
0x14b: {  	_ =	swait.ge [sflag:s10], $0x7D00  }
0x14c: {  	[sflag:s10] =	ssyncset.done $0x0  }
0x14d: {  	s0 =	rddreg [dreg:$0x1a];
	[sflag:s10] =	ssyncadd.s32 $0xFFFF8300  }
0x14e: {  	[tilespmem:s9], [sflag:$0x1] =	stream.indirect.gather [hbm4b:s3+s7], $0x40, s0, s7, $0xb8;
	[tilespmem:$0x1E500] =	vst v63  }
0x14f: {  	s12 =	rddreg [dreg:$0x1b]  }
0x150: {  	[spmem:s2] =	stream.indirect.scatter.add.f32 [tilespmem:s8], [sflag:$0x3], $0x40, s12, s7, $0xb8;
	[tilespmem:$0x1E500] =	vst v63  }
0x151: {  	_ =	swait.ge [sflag:s6], $0x7D00  }
0x152: {  	[sflag:s6] =	ssyncset.done $0x0  }
0x153: {  	[sflag:s6] =	ssyncadd.s32 $0xFFFF8300  }
0x154: {  	_ =	swait.ge [sflag:s11], $0x7D00  }
0x155: {  	[sflag:s11] =	ssyncset.done $0x0  }
0x156: {  	s0 =	rddreg [dreg:$0x1c];
	[sflag:s11] =	ssyncadd.s32 $0xFFFF8300  }
0x157: {  	[tilespmem:s8], [sflag:$0x2] =	stream.indirect.gather [hbm4b:s3+s7], $0x40, s0, s7, $0xb8;
	[tilespmem:$0x1E500] =	vst v63  }
0x158: {  	s12 =	rddreg [dreg:$0x1d]  }
0x159: {  	[spmem:s2] =	stream.indirect.scatter.add.f32 [tilespmem:s9], [sflag:$0x3], $0x40, s12, s7, $0xb8;
	[tilespmem:$0x1E500] =	vst v63  }
0x15a: {  	_ =	swait.ge [sflag:s6], $0x7D00  }
0x15b: {  	[sflag:s6] =	ssyncset.done $0x0  }
0x15c: {  	[sflag:s6] =	ssyncadd.s32 $0xFFFF8300  }
0x15d: {  	_ =	swait.ge [sflag:s10], $0x7D00  }
0x15e: {  	[sflag:s10] =	ssyncset.done $0x0  }
0x15f: {  	[sflag:s10] =	ssyncadd.s32 $0xFFFF8300  }
0x160: {  	[tilespmem:s9], [sflag:$0x1] =	stream.indirect.gather [hbm4b:s3+s7], $0x40, s29, s7, $0xb8;
	[tilespmem:$0x1E500] =	vst v63  }
0x161: {  	_ = 	snop  }
0x162: {  	[spmem:s2] =	stream.indirect.scatter.add.f32 [tilespmem:s8], [sflag:$0x3], $0x40, s18, s7, $0xb8;
	[tilespmem:$0x1E500] =	vst v63  }
0x163: {  	_ =	swait.ge [sflag:s6], $0x7D00  }
0x164: {  	[sflag:s6] =	ssyncset.done $0x0  }
0x165: {  	[sflag:s6] =	ssyncadd.s32 $0xFFFF8300  }
0x166: {  	_ =	swait.ge [sflag:s11], $0x7D00  }
0x167: {  	[sflag:s11] =	ssyncset.done $0x0  }
0x168: {  	[sflag:s11] =	ssyncadd.s32 $0xFFFF8300  }
0x169: {  	[tilespmem:s8], [sflag:$0x2] =	stream.indirect.gather [hbm4b:s3+s7], $0x40, s26, s7, $0xb8;
	[tilespmem:$0x1E500] =	vst v63  }
0x16a: {  	_ = 	snop  }
0x16b: {  	[spmem:s2] =	stream.indirect.scatter.add.f32 [tilespmem:s9], [sflag:$0x3], $0x40, s28, s7, $0xb8;
	[tilespmem:$0x1E500] =	vst v63  }
0x16c: {  	_ =	swait.ge [sflag:s6], $0x7D00  }
0x16d: {  	[sflag:s6] =	ssyncset.done $0x0  }
0x16e: {  	[sflag:s6] =	ssyncadd.s32 $0xFFFF8300  }
0x16f: {  	_ =	swait.ge [sflag:s10], $0x7D00  }
0x170: {  	[sflag:s10] =	ssyncset.done $0x0  }
0x171: {  	[sflag:s10] =	ssyncadd.s32 $0xFFFF8300  }
0x172: {  	[tilespmem:s9], [sflag:$0x1] =	stream.indirect.gather [hbm4b:s3+s7], $0x40, s24, s7, $0xb8;
	[tilespmem:$0x1E500] =	vst v63  }
0x173: {  	_ = 	snop  }
0x174: {  	[spmem:s2] =	stream.indirect.scatter.add.f32 [tilespmem:s8], [sflag:$0x3], $0x40, s25, s7, $0xb8;
	[tilespmem:$0x1E500] =	vst v63  }
0x175: {  	_ =	swait.ge [sflag:s6], $0x7D00  }
0x176: {  	[sflag:s6] =	ssyncset.done $0x0  }
0x177: {  	[sflag:s6] =	ssyncadd.s32 $0xFFFF8300  }
0x178: {  	_ =	swait.ge [sflag:s11], $0x7D00  }
0x179: {  	[sflag:s11] =	ssyncset.done $0x0  }
0x17a: {  	[sflag:s11] =	ssyncadd.s32 $0xFFFF8300  }
0x17b: {  	[tilespmem:s8], [sflag:$0x2] =	stream.indirect.gather [hbm4b:s3+s7], $0x40, s22, s7, $0xb8;
	[tilespmem:$0x1E500] =	vst v63  }
0x17c: {  	_ = 	snop  }
0x17d: {  	[spmem:s2] =	stream.indirect.scatter.add.f32 [tilespmem:s9], [sflag:$0x3], $0x40, s23, s7, $0xb8;
	[tilespmem:$0x1E500] =	vst v63  }
0x17e: {  	_ =	swait.ge [sflag:s6], $0x7D00  }
0x17f: {  	[sflag:s6] =	ssyncset.done $0x0  }
0x180: {  	[sflag:s6] =	ssyncadd.s32 $0xFFFF8300  }
0x181: {  	_ =	swait.ge [sflag:s10], $0x7D00  }
0x182: {  	[sflag:s10] =	ssyncset.done $0x0  }
0x183: {  	[sflag:s10] =	ssyncadd.s32 $0xFFFF8300  }
0x184: {  	[tilespmem:s9], [sflag:$0x1] =	stream.indirect.gather [hbm4b:s3+s7], $0x40, s20, s7, $0xb8;
	[tilespmem:$0x1E500] =	vst v63  }
0x185: {  	_ = 	snop  }
0x186: {  	[spmem:s2] =	stream.indirect.scatter.add.f32 [tilespmem:s8], [sflag:$0x3], $0x40, s21, s7, $0xb8;
	[tilespmem:$0x1E500] =	vst v63  }
0x187: {  	_ =	swait.ge [sflag:s6], $0x7D00  }
0x188: {  	[sflag:s6] =	ssyncset.done $0x0  }
0x189: {  	[sflag:s6] =	ssyncadd.s32 $0xFFFF8300  }
0x18a: {  	_ =	swait.ge [sflag:s11], $0x7D00  }
0x18b: {  	[sflag:s11] =	ssyncset.done $0x0  }
0x18c: {  	s12 =	simm.s32 $0x2178;
	[sflag:s11] =	ssyncadd.s32 $0xFFFF8300  }
0x18d: {  	[tilespmem:s8], [sflag:$0x2] =	stream.indirect.gather [hbm4b:s3+s7], $0x40, s12, s7, $0xb8;
	[tilespmem:$0x1E500] =	vst v63  }
0x18e: {  	_ = 	snop  }
0x18f: {  	[spmem:s2] =	stream.indirect.scatter.add.f32 [tilespmem:s9], [sflag:$0x3], $0x40, s19, s7, $0xb8;
	[tilespmem:$0x1E500] =	vst v63  }
0x190: {  	_ =	swait.ge [sflag:s6], $0x7D00  }
0x191: {  	[sflag:s6] =	ssyncset.done $0x0  }
0x192: {  	[sflag:s6] =	ssyncadd.s32 $0xFFFF8300  }
0x193: {  	_ =	swait.ge [sflag:s10], $0x7D00  }
0x194: {  	[sflag:s10] =	ssyncset.done $0x0  }
0x195: {  	[sflag:s10] =	ssyncadd.s32 $0xFFFF8300  }
0x196: {  	[tilespmem:s9], [sflag:$0x1] =	stream.indirect.gather [hbm4b:s3+s7], $0x40, s16, s7, $0xb8;
	[tilespmem:$0x1E500] =	vst v63  }
0x197: {  	_ = 	snop  }
0x198: {  	[spmem:s2] =	stream.indirect.scatter.add.f32 [tilespmem:s8], [sflag:$0x3], $0x40, s17, s7, $0xb8;
	[tilespmem:$0x1E500] =	vst v63  }
0x199: {  	_ =	swait.ge [sflag:s6], $0x7D00  }
0x19a: {  	[sflag:s6] =	ssyncset.done $0x0  }
0x19b: {  	[sflag:s6] =	ssyncadd.s32 $0xFFFF8300  }
0x19c: {  	_ =	swait.ge [sflag:s11], $0x7D00  }
0x19d: {  	[sflag:s11] =	ssyncset.done $0x0  }
0x19e: {  	[sflag:s11] =	ssyncadd.s32 $0xFFFF8300  }
0x19f: {  	[tilespmem:s8], [sflag:$0x2] =	stream.indirect.gather [hbm4b:s3+s7], $0x40, s14, s7, $0xb8;
	[tilespmem:$0x1E500] =	vst v63  }
0x1a0: {  	_ = 	snop  }
0x1a1: {  	[spmem:s2] =	stream.indirect.scatter.add.f32 [tilespmem:s9], [sflag:$0x3], $0x40, s15, s7, $0xb8;
	[tilespmem:$0x1E500] =	vst v63  }
0x1a2: {  	_ =	swait.ge [sflag:s6], $0x7D00  }
0x1a3: {  	[sflag:s6] =	ssyncset.done $0x0  }
0x1a4: {  	[sflag:s6] =	ssyncadd.s32 $0xFFFF8300  }
0x1a5: {  	_ =	swait.ge [sflag:s10], $0x7D00  }
0x1a6: {  	[sflag:s10] =	ssyncset.done $0x0  }
0x1a7: {  	[sflag:s10] =	ssyncadd.s32 $0xFFFF8300  }
0x1a8: {  	[spmem:s2] =	stream.indirect.scatter.add.f32 [tilespmem:s8], [sflag:$0x3], $0x40, s13, s7, $0xb8;
	[tilespmem:$0x1E500] =	vst v63  }
0x1a9: {  	_ =	swait.ge [sflag:s6], $0x7D00  }
0x1aa: {  	[sflag:s6] =	ssyncset.done $0x0  }
0x1ab: {  	p1 =	sne.s32 s1, $0x1;
	[sflag:s6] =	ssyncadd.s32 $0xFFFF8300  }
.Ltmp2:
0x1ac: {  	[bflag:$0x0] =	sbarrier.arrive $0xFFFF;
	(pc) =	sbr.rel @p1 .LBB2_4-.Ltmp2, $4  }
0x1ad: {  	s12 =	rddreg [dreg:$0x8]  }
0x1ae: {  	[hbm:s12], [sflag:s4] =	dma.local [spmem:s5], $0x1388  }
0x1af: {  	_ =	swait.ge [sflag:s6], $0x1388  }
0x1b0: {  	s1 =	sadd.s32 $0xFFFFFFFF, s1;
	s0 =	rddreg [dreg:$0x5];
	[sflag:s6] =	ssyncset.done $0x0  }
0x1b1: {  	s13 =	simm.s32 $0x3D08;
	s29 =	simm.s32 $0x17A0  }
0x1b2: {  	s28 =	simm.s32 $0x3F00;
	s26 =	simm.s32 $0x1998;
	s25 =	simm.s32 $0x40F8  }
0x1b3: {  	s24 =	simm.s32 $0x1B90;
	s23 =	simm.s32 $0x42F0;
	s22 =	simm.s32 $0x1D88  }
0x1b4: {  	s21 =	simm.s32 $0x44E8;
	s20 =	simm.s32 $0x1F80;
	s19 =	simm.s32 $0x46E0  }
0x1b5: {  	s18 =	simm.s32 $0x2178;
	s17 =	simm.s32 $0x48D8;
	s16 =	simm.s32 $0x2370  }
0x1b6: {  	s15 =	simm.s32 $0x4AD0;
	s14 =	simm.s32 $0x2568;
	s12 =	stileid.u32  }
.LBB2_6:
0x1b7: {  	[sflag:s6] =	ssyncadd.s32 @p0 $0xFFFFEC78  }
0x1b8: {  	[spmem:s5], [sflag:s4] =	dma.local [hbm:s0], $0x1388  }
0x1b9: {  	_ =	swait.ge [sflag:s6], $0x1388  }
0x1ba: {  	[sflag:s6] =	ssyncset.done $0x0  }
0x1bb: {  	s1 =	rddreg [dreg:$0x6];
	[sflag:s6] =	ssyncadd.s32 $0xFFFFEC78  }
0x1bc: {  	[tilespmem:s30], [sflag:$0x3] =	stream.linear.gather [hbm4b:s1+s30], $0x2760, $0x38;
	[tilespmem:$0x1E500] =	vst v63  }
0x1bd: {  	_ =	swait.ge [sflag:s6], $0x2760  }
0x1be: {  	[sflag:s6] =	ssyncset.done $0x0  }
0x1bf: {  	s1 =	rddreg [dreg:$0x7];
	[sflag:s6] =	ssyncadd.s32 $0xFFFFD8A0  }
0x1c0: {  	[tilespmem:s31], [sflag:$0x3] =	stream.linear.gather [hbm4b:s1+s30], $0x2760, $0x38;
	[tilespmem:$0x1E500] =	vst v63  }
0x1c1: {  	_ =	swait.ge [sflag:s6], $0x2760  }
0x1c2: {  	[sflag:s6] =	ssyncset.done $0x0  }
0x1c3: {  	[sflag:s6] =	ssyncadd.s32 $0xFFFFD8A0  }
0x1c4: {  	[bflag:$0x0] =	sbarrier.arrive $0xFFFF  }
0x1c5: {  	[tilespmem:s9], [sflag:$0x1] =	stream.indirect.gather [hbm4b:s3+s7], $0x40, s30, s7, $0xb8;
	[tilespmem:$0x1E500] =	vst v63  }
0x1c6: {  	_ =	swait.ge [sflag:s11], $0x7D00  }
0x1c7: {  	[sflag:s11] =	ssyncset.done $0x0  }
0x1c8: {  	s30 =	rddreg [dreg:$0x9];
	[sflag:s11] =	ssyncadd.s32 $0xFFFF8300  }
0x1c9: {  	[tilespmem:s8], [sflag:$0x2] =	stream.indirect.gather [hbm4b:s3+s7], $0x40, s30, s7, $0xb8;
	[tilespmem:$0x1E500] =	vst v63  }
0x1ca: {  	_ = 	snop  }
0x1cb: {  	[spmem:s2] =	stream.indirect.scatter.add.f32 [tilespmem:s9], [sflag:$0x3], $0x40, s31, s7, $0xb8;
	[tilespmem:$0x1E500] =	vst v63  }
0x1cc: {  	_ =	swait.ge [sflag:s6], $0x7D00  }
0x1cd: {  	[sflag:s6] =	ssyncset.done $0x0  }
0x1ce: {  	[sflag:s6] =	ssyncadd.s32 $0xFFFF8300  }
0x1cf: {  	_ =	swait.ge [sflag:s10], $0x7D00  }
0x1d0: {  	[sflag:s10] =	ssyncset.done $0x0  }
0x1d1: {  	s31 =	rddreg [dreg:$0xa];
	[sflag:s10] =	ssyncadd.s32 $0xFFFF8300  }
0x1d2: {  	[tilespmem:s9], [sflag:$0x1] =	stream.indirect.gather [hbm4b:s3+s7], $0x40, s31, s7, $0xb8;
	[tilespmem:$0x1E500] =	vst v63  }
0x1d3: {  	s1 =	rddreg [dreg:$0xb]  }
0x1d4: {  	[spmem:s2] =	stream.indirect.scatter.add.f32 [tilespmem:s8], [sflag:$0x3], $0x40, s1, s7, $0xb8;
	[tilespmem:$0x1E500] =	vst v63  }
0x1d5: {  	_ =	swait.ge [sflag:s6], $0x7D00  }
0x1d6: {  	[sflag:s6] =	ssyncset.done $0x0  }
0x1d7: {  	[sflag:s6] =	ssyncadd.s32 $0xFFFF8300  }
0x1d8: {  	_ =	swait.ge [sflag:s11], $0x7D00  }
0x1d9: {  	[sflag:s11] =	ssyncset.done $0x0  }
0x1da: {  	s30 =	rddreg [dreg:$0xc];
	[sflag:s11] =	ssyncadd.s32 $0xFFFF8300  }
0x1db: {  	[tilespmem:s8], [sflag:$0x2] =	stream.indirect.gather [hbm4b:s3+s7], $0x40, s30, s7, $0xb8;
	[tilespmem:$0x1E500] =	vst v63  }
0x1dc: {  	s31 =	rddreg [dreg:$0xd]  }
0x1dd: {  	[spmem:s2] =	stream.indirect.scatter.add.f32 [tilespmem:s9], [sflag:$0x3], $0x40, s31, s7, $0xb8;
	[tilespmem:$0x1E500] =	vst v63  }
0x1de: {  	_ =	swait.ge [sflag:s6], $0x7D00  }
0x1df: {  	[sflag:s6] =	ssyncset.done $0x0  }
0x1e0: {  	[sflag:s6] =	ssyncadd.s32 $0xFFFF8300  }
0x1e1: {  	_ =	swait.ge [sflag:s10], $0x7D00  }
0x1e2: {  	[sflag:s10] =	ssyncset.done $0x0  }
0x1e3: {  	s30 =	rddreg [dreg:$0xe];
	[sflag:s10] =	ssyncadd.s32 $0xFFFF8300  }
0x1e4: {  	[tilespmem:s9], [sflag:$0x1] =	stream.indirect.gather [hbm4b:s3+s7], $0x40, s30, s7, $0xb8;
	[tilespmem:$0x1E500] =	vst v63  }
0x1e5: {  	s31 =	rddreg [dreg:$0xf]  }
0x1e6: {  	[spmem:s2] =	stream.indirect.scatter.add.f32 [tilespmem:s8], [sflag:$0x3], $0x40, s31, s7, $0xb8;
	[tilespmem:$0x1E500] =	vst v63  }
0x1e7: {  	_ =	swait.ge [sflag:s6], $0x7D00  }
0x1e8: {  	[sflag:s6] =	ssyncset.done $0x0  }
0x1e9: {  	[sflag:s6] =	ssyncadd.s32 $0xFFFF8300  }
0x1ea: {  	_ =	swait.ge [sflag:s11], $0x7D00  }
0x1eb: {  	[sflag:s11] =	ssyncset.done $0x0  }
0x1ec: {  	s30 =	rddreg [dreg:$0x10];
	[sflag:s11] =	ssyncadd.s32 $0xFFFF8300  }
0x1ed: {  	[tilespmem:s8], [sflag:$0x2] =	stream.indirect.gather [hbm4b:s3+s7], $0x40, s30, s7, $0xb8;
	[tilespmem:$0x1E500] =	vst v63  }
0x1ee: {  	s31 =	rddreg [dreg:$0x11]  }
0x1ef: {  	[spmem:s2] =	stream.indirect.scatter.add.f32 [tilespmem:s9], [sflag:$0x3], $0x40, s31, s7, $0xb8;
	[tilespmem:$0x1E500] =	vst v63  }
0x1f0: {  	_ =	swait.ge [sflag:s6], $0x7D00  }
0x1f1: {  	[sflag:s6] =	ssyncset.done $0x0  }
0x1f2: {  	[sflag:s6] =	ssyncadd.s32 $0xFFFF8300  }
0x1f3: {  	_ =	swait.ge [sflag:s10], $0x7D00  }
0x1f4: {  	[sflag:s10] =	ssyncset.done $0x0  }
0x1f5: {  	s30 =	rddreg [dreg:$0x12];
	[sflag:s10] =	ssyncadd.s32 $0xFFFF8300  }
0x1f6: {  	[tilespmem:s9], [sflag:$0x1] =	stream.indirect.gather [hbm4b:s3+s7], $0x40, s30, s7, $0xb8;
	[tilespmem:$0x1E500] =	vst v63  }
0x1f7: {  	s31 =	rddreg [dreg:$0x13]  }
0x1f8: {  	[spmem:s2] =	stream.indirect.scatter.add.f32 [tilespmem:s8], [sflag:$0x3], $0x40, s31, s7, $0xb8;
	[tilespmem:$0x1E500] =	vst v63  }
0x1f9: {  	_ =	swait.ge [sflag:s6], $0x7D00  }
0x1fa: {  	[sflag:s6] =	ssyncset.done $0x0  }
0x1fb: {  	[sflag:s6] =	ssyncadd.s32 $0xFFFF8300  }
0x1fc: {  	_ =	swait.ge [sflag:s11], $0x7D00  }
0x1fd: {  	[sflag:s11] =	ssyncset.done $0x0  }
0x1fe: {  	s30 =	rddreg [dreg:$0x14];
	[sflag:s11] =	ssyncadd.s32 $0xFFFF8300  }
0x1ff: {  	[tilespmem:s8], [sflag:$0x2] =	stream.indirect.gather [hbm4b:s3+s7], $0x40, s30, s7, $0xb8;
	[tilespmem:$0x1E500] =	vst v63  }
0x200: {  	s31 =	rddreg [dreg:$0x15]  }
0x201: {  	[spmem:s2] =	stream.indirect.scatter.add.f32 [tilespmem:s9], [sflag:$0x3], $0x40, s31, s7, $0xb8;
	[tilespmem:$0x1E500] =	vst v63  }
0x202: {  	_ =	swait.ge [sflag:s6], $0x7D00  }
0x203: {  	[sflag:s6] =	ssyncset.done $0x0  }
0x204: {  	[sflag:s6] =	ssyncadd.s32 $0xFFFF8300  }
0x205: {  	_ =	swait.ge [sflag:s10], $0x7D00  }
0x206: {  	[sflag:s10] =	ssyncset.done $0x0  }
0x207: {  	s30 =	rddreg [dreg:$0x16];
	[sflag:s10] =	ssyncadd.s32 $0xFFFF8300  }
0x208: {  	[tilespmem:s9], [sflag:$0x1] =	stream.indirect.gather [hbm4b:s3+s7], $0x40, s30, s7, $0xb8;
	[tilespmem:$0x1E500] =	vst v63  }
0x209: {  	s31 =	rddreg [dreg:$0x17]  }
0x20a: {  	[spmem:s2] =	stream.indirect.scatter.add.f32 [tilespmem:s8], [sflag:$0x3], $0x40, s31, s7, $0xb8;
	[tilespmem:$0x1E500] =	vst v63  }
0x20b: {  	_ =	swait.ge [sflag:s6], $0x7D00  }
0x20c: {  	[sflag:s6] =	ssyncset.done $0x0  }
0x20d: {  	[sflag:s6] =	ssyncadd.s32 $0xFFFF8300  }
0x20e: {  	_ =	swait.ge [sflag:s11], $0x7D00  }
0x20f: {  	[sflag:s11] =	ssyncset.done $0x0  }
0x210: {  	s30 =	rddreg [dreg:$0x18];
	[sflag:s11] =	ssyncadd.s32 $0xFFFF8300  }
0x211: {  	[tilespmem:s8], [sflag:$0x2] =	stream.indirect.gather [hbm4b:s3+s7], $0x40, s30, s7, $0xb8;
	[tilespmem:$0x1E500] =	vst v63  }
0x212: {  	s31 =	rddreg [dreg:$0x19]  }
0x213: {  	[spmem:s2] =	stream.indirect.scatter.add.f32 [tilespmem:s9], [sflag:$0x3], $0x40, s31, s7, $0xb8;
	[tilespmem:$0x1E500] =	vst v63  }
0x214: {  	_ =	swait.ge [sflag:s6], $0x7D00  }
0x215: {  	[sflag:s6] =	ssyncset.done $0x0  }
0x216: {  	[sflag:s6] =	ssyncadd.s32 $0xFFFF8300  }
0x217: {  	_ =	swait.ge [sflag:s10], $0x7D00  }
0x218: {  	[sflag:s10] =	ssyncset.done $0x0  }
0x219: {  	s30 =	rddreg [dreg:$0x1a];
	[sflag:s10] =	ssyncadd.s32 $0xFFFF8300  }
0x21a: {  	[tilespmem:s9], [sflag:$0x1] =	stream.indirect.gather [hbm4b:s3+s7], $0x40, s30, s7, $0xb8;
	[tilespmem:$0x1E500] =	vst v63  }
0x21b: {  	s31 =	rddreg [dreg:$0x1b]  }
0x21c: {  	[spmem:s2] =	stream.indirect.scatter.add.f32 [tilespmem:s8], [sflag:$0x3], $0x40, s31, s7, $0xb8;
	[tilespmem:$0x1E500] =	vst v63  }
0x21d: {  	_ =	swait.ge [sflag:s6], $0x7D00  }
0x21e: {  	[sflag:s6] =	ssyncset.done $0x0  }
0x21f: {  	[sflag:s6] =	ssyncadd.s32 $0xFFFF8300  }
0x220: {  	_ =	swait.ge [sflag:s11], $0x7D00  }
0x221: {  	[sflag:s11] =	ssyncset.done $0x0  }
0x222: {  	s30 =	rddreg [dreg:$0x1c];
	[sflag:s11] =	ssyncadd.s32 $0xFFFF8300  }
0x223: {  	[tilespmem:s8], [sflag:$0x2] =	stream.indirect.gather [hbm4b:s3+s7], $0x40, s30, s7, $0xb8;
	[tilespmem:$0x1E500] =	vst v63  }
0x224: {  	s31 =	rddreg [dreg:$0x1d]  }
0x225: {  	[spmem:s2] =	stream.indirect.scatter.add.f32 [tilespmem:s9], [sflag:$0x3], $0x40, s31, s7, $0xb8;
	[tilespmem:$0x1E500] =	vst v63  }
0x226: {  	_ =	swait.ge [sflag:s6], $0x7D00  }
0x227: {  	[sflag:s6] =	ssyncset.done $0x0  }
0x228: {  	[sflag:s6] =	ssyncadd.s32 $0xFFFF8300  }
0x229: {  	_ =	swait.ge [sflag:s10], $0x7D00  }
0x22a: {  	[sflag:s10] =	ssyncset.done $0x0  }
0x22b: {  	[sflag:s10] =	ssyncadd.s32 $0xFFFF8300  }
0x22c: {  	[tilespmem:s9], [sflag:$0x1] =	stream.indirect.gather [hbm4b:s3+s7], $0x40, s29, s7, $0xb8;
	[tilespmem:$0x1E500] =	vst v63  }
0x22d: {  	_ = 	snop  }
0x22e: {  	[spmem:s2] =	stream.indirect.scatter.add.f32 [tilespmem:s8], [sflag:$0x3], $0x40, s13, s7, $0xb8;
	[tilespmem:$0x1E500] =	vst v63  }
0x22f: {  	_ =	swait.ge [sflag:s6], $0x7D00  }
0x230: {  	[sflag:s6] =	ssyncset.done $0x0  }
0x231: {  	[sflag:s6] =	ssyncadd.s32 $0xFFFF8300  }
0x232: {  	_ =	swait.ge [sflag:s11], $0x7D00  }
0x233: {  	[sflag:s11] =	ssyncset.done $0x0  }
0x234: {  	[sflag:s11] =	ssyncadd.s32 $0xFFFF8300  }
0x235: {  	[tilespmem:s8], [sflag:$0x2] =	stream.indirect.gather [hbm4b:s3+s7], $0x40, s26, s7, $0xb8;
	[tilespmem:$0x1E500] =	vst v63  }
0x236: {  	_ = 	snop  }
0x237: {  	[spmem:s2] =	stream.indirect.scatter.add.f32 [tilespmem:s9], [sflag:$0x3], $0x40, s28, s7, $0xb8;
	[tilespmem:$0x1E500] =	vst v63  }
0x238: {  	_ =	swait.ge [sflag:s6], $0x7D00  }
0x239: {  	[sflag:s6] =	ssyncset.done $0x0  }
0x23a: {  	[sflag:s6] =	ssyncadd.s32 $0xFFFF8300  }
0x23b: {  	_ =	swait.ge [sflag:s10], $0x7D00  }
0x23c: {  	[sflag:s10] =	ssyncset.done $0x0  }
0x23d: {  	[sflag:s10] =	ssyncadd.s32 $0xFFFF8300  }
0x23e: {  	[tilespmem:s9], [sflag:$0x1] =	stream.indirect.gather [hbm4b:s3+s7], $0x40, s24, s7, $0xb8;
	[tilespmem:$0x1E500] =	vst v63  }
0x23f: {  	_ = 	snop  }
0x240: {  	[spmem:s2] =	stream.indirect.scatter.add.f32 [tilespmem:s8], [sflag:$0x3], $0x40, s25, s7, $0xb8;
	[tilespmem:$0x1E500] =	vst v63  }
0x241: {  	_ =	swait.ge [sflag:s6], $0x7D00  }
0x242: {  	[sflag:s6] =	ssyncset.done $0x0  }
0x243: {  	[sflag:s6] =	ssyncadd.s32 $0xFFFF8300  }
0x244: {  	_ =	swait.ge [sflag:s11], $0x7D00  }
0x245: {  	[sflag:s11] =	ssyncset.done $0x0  }
0x246: {  	[sflag:s11] =	ssyncadd.s32 $0xFFFF8300  }
0x247: {  	[tilespmem:s8], [sflag:$0x2] =	stream.indirect.gather [hbm4b:s3+s7], $0x40, s22, s7, $0xb8;
	[tilespmem:$0x1E500] =	vst v63  }
0x248: {  	_ = 	snop  }
0x249: {  	[spmem:s2] =	stream.indirect.scatter.add.f32 [tilespmem:s9], [sflag:$0x3], $0x40, s23, s7, $0xb8;
	[tilespmem:$0x1E500] =	vst v63  }
0x24a: {  	_ =	swait.ge [sflag:s6], $0x7D00  }
0x24b: {  	[sflag:s6] =	ssyncset.done $0x0  }
0x24c: {  	[sflag:s6] =	ssyncadd.s32 $0xFFFF8300  }
0x24d: {  	_ =	swait.ge [sflag:s10], $0x7D00  }
0x24e: {  	[sflag:s10] =	ssyncset.done $0x0  }
0x24f: {  	[sflag:s10] =	ssyncadd.s32 $0xFFFF8300  }
0x250: {  	[tilespmem:s9], [sflag:$0x1] =	stream.indirect.gather [hbm4b:s3+s7], $0x40, s20, s7, $0xb8;
	[tilespmem:$0x1E500] =	vst v63  }
0x251: {  	_ = 	snop  }
0x252: {  	[spmem:s2] =	stream.indirect.scatter.add.f32 [tilespmem:s8], [sflag:$0x3], $0x40, s21, s7, $0xb8;
	[tilespmem:$0x1E500] =	vst v63  }
0x253: {  	_ =	swait.ge [sflag:s6], $0x7D00  }
0x254: {  	[sflag:s6] =	ssyncset.done $0x0  }
0x255: {  	[sflag:s6] =	ssyncadd.s32 $0xFFFF8300  }
0x256: {  	_ =	swait.ge [sflag:s11], $0x7D00  }
0x257: {  	[sflag:s11] =	ssyncset.done $0x0  }
0x258: {  	[sflag:s11] =	ssyncadd.s32 $0xFFFF8300  }
0x259: {  	[tilespmem:s8], [sflag:$0x2] =	stream.indirect.gather [hbm4b:s3+s7], $0x40, s18, s7, $0xb8;
	[tilespmem:$0x1E500] =	vst v63  }
0x25a: {  	_ = 	snop  }
0x25b: {  	[spmem:s2] =	stream.indirect.scatter.add.f32 [tilespmem:s9], [sflag:$0x3], $0x40, s19, s7, $0xb8;
	[tilespmem:$0x1E500] =	vst v63  }
0x25c: {  	_ =	swait.ge [sflag:s6], $0x7D00  }
0x25d: {  	[sflag:s6] =	ssyncset.done $0x0  }
0x25e: {  	[sflag:s6] =	ssyncadd.s32 $0xFFFF8300  }
0x25f: {  	_ =	swait.ge [sflag:s10], $0x7D00  }
0x260: {  	[sflag:s10] =	ssyncset.done $0x0  }
0x261: {  	[sflag:s10] =	ssyncadd.s32 $0xFFFF8300  }
0x262: {  	[tilespmem:s9], [sflag:$0x1] =	stream.indirect.gather [hbm4b:s3+s7], $0x40, s16, s7, $0xb8;
	[tilespmem:$0x1E500] =	vst v63  }
0x263: {  	_ = 	snop  }
0x264: {  	[spmem:s2] =	stream.indirect.scatter.add.f32 [tilespmem:s8], [sflag:$0x3], $0x40, s17, s7, $0xb8;
	[tilespmem:$0x1E500] =	vst v63  }
0x265: {  	_ =	swait.ge [sflag:s6], $0x7D00  }
0x266: {  	[sflag:s6] =	ssyncset.done $0x0  }
0x267: {  	[sflag:s6] =	ssyncadd.s32 $0xFFFF8300  }
0x268: {  	_ =	swait.ge [sflag:s11], $0x7D00  }
0x269: {  	[sflag:s11] =	ssyncset.done $0x0  }
0x26a: {  	[sflag:s11] =	ssyncadd.s32 $0xFFFF8300  }
0x26b: {  	[tilespmem:s8], [sflag:$0x2] =	stream.indirect.gather [hbm4b:s3+s7], $0x40, s14, s7, $0xb8;
	[tilespmem:$0x1E500] =	vst v63  }
0x26c: {  	_ = 	snop  }
0x26d: {  	[spmem:s2] =	stream.indirect.scatter.add.f32 [tilespmem:s9], [sflag:$0x3], $0x40, s15, s7, $0xb8;
	[tilespmem:$0x1E500] =	vst v63  }
0x26e: {  	_ =	swait.ge [sflag:s6], $0x7D00  }
0x26f: {  	[sflag:s6] =	ssyncset.done $0x0  }
0x270: {  	[sflag:s6] =	ssyncadd.s32 $0xFFFF8300  }
0x271: {  	_ =	swait.ge [sflag:s10], $0x7D00  }
0x272: {  	[sflag:s10] =	ssyncset.done $0x0  }
0x273: {  	s30 =	simm.s32 $0x4CC8;
	[sflag:s10] =	ssyncadd.s32 $0xFFFF8300  }
0x274: {  	[spmem:s2] =	stream.indirect.scatter.add.f32 [tilespmem:s8], [sflag:$0x3], $0x40, s30, s7, $0xb8;
	[tilespmem:$0x1E500] =	vst v63  }
0x275: {  	_ =	swait.ge [sflag:s6], $0x7D00  }
0x276: {  	[sflag:s6] =	ssyncset.done $0x0  }
0x277: {  	[sflag:s6] =	ssyncadd.s32 $0xFFFF8300  }
0x278: {  	[bflag:$0x0] =	sbarrier.arrive $0xFFFF  }
0x279: {  	s31 =	rddreg [dreg:$0x8]  }
0x27a: {  	[hbm:s31], [sflag:s4] =	dma.local [spmem:s5], $0x1388  }
0x27b: {  	_ =	swait.ge [sflag:s6], $0x1388  }
0x27c: {  	[sflag:s6] =	ssyncset.done $0x0  }
0x27d: {  	[sflag:s6] =	ssyncadd.s32 $0xFFFFEC78  }
0x27e: {  	_ =	sfence.sel $0x180000  }
0x27f: {  	[bflag:$0x0] =	sbarrier.arrive $0xFFFF  }
0x280: {  	_ =	strace $0x9000004A  }
0x281: {  	[bflag:$0x2] =	sbarrier.arrive $0xFFFF  }
0x282: {  	p0 =	sne.s32 s12, $0x0;
	s0 =	rddreg [dreg:$0x4]  }
0x283: {  	s0 =	sadd.s32 @!p0 $0x100000, s0  }
0x284: {  	[sflag:s0] =	ssyncadd.tile.s32 @!p0 $0x1;
	_ =	shalt  }
.LBB2_1:
0x285: {  	s13 =	simm.s32 $0x3D08;
	s29 =	simm.s32 $0x17A0  }
.Ltmp3:
0x286: {  	s28 =	simm.s32 $0x3F00;
	s26 =	simm.s32 $0x1998;
	(pc) =	sbr.rel .LBB2_6-.Ltmp3, $4  }
0x287: {  	s25 =	simm.s32 $0x40F8;
	s24 =	simm.s32 $0x1B90;
	s23 =	simm.s32 $0x42F0  }
0x288: {  	s22 =	simm.s32 $0x1D88;
	s21 =	simm.s32 $0x44E8;
	s20 =	simm.s32 $0x1F80  }
0x289: {  	s19 =	simm.s32 $0x46E0;
	s18 =	simm.s32 $0x2178;
	s17 =	simm.s32 $0x48D8  }
0x28a: {  	s16 =	simm.s32 $0x2370;
	s15 =	simm.s32 $0x4AD0;
	s14 =	simm.s32 $0x2568  }
.LBB2_3:
0x28b: {  	s13 =	simm.s32 $0x3D08;
	s29 =	simm.s32 $0x17A0;
	s28 =	simm.s32 $0x3F00  }
.Ltmp4:
0x28c: {  	s26 =	simm.s32 $0x1998;
	s25 =	simm.s32 $0x40F8;
	(pc) =	sbr.rel .LBB2_6-.Ltmp4, $4  }
0x28d: {  	s24 =	simm.s32 $0x1B90;
	s23 =	simm.s32 $0x42F0;
	s22 =	simm.s32 $0x1D88  }
0x28e: {  	s21 =	simm.s32 $0x44E8;
	s20 =	simm.s32 $0x1F80;
	s19 =	simm.s32 $0x46E0  }
0x28f: {  	s18 =	simm.s32 $0x2178;
	s17 =	simm.s32 $0x48D8;
	s16 =	simm.s32 $0x2370  }
0x290: {  	s15 =	simm.s32 $0x4AD0;
	s14 =	simm.s32 $0x2568;
	s12 =	stileid.u32  }
.Lfunc_end2:
_tile_overlayer_lowered:
.L_overlay_start_2:
0x291: {  	(tag) =	ssettag $0x2  }
0x292: {  	s0 =	rddreg [dreg:$0x0];
	s2 =	stileid.u32  }
0x293: {  	s1 =	rddreg [dreg:$0x1];
	p0 =	sne.s32 s2, $0x0  }
0x294: {  	s3 =	rddreg [dreg:$0x2];
	[bflag:$0x3] =	sbarrier.arrive $0xFFFF;
	s2 =	simm.s32 @!p0 $0x1C03  }
0x295: {  	[timem:s3], [sflag:s2] =	dma.local @!p0 [hbm:s0], s1  }
0x296: {  	s0 =	simm.s32 @!p0 $0x3  }
0x297: {  	_ =	swait.ge @!p0 [sflag:s0], s1  }
0x298: {  	s1 =	ssub.s32 @!p0 $0x0, s1;
	[sflag:s0] =	ssyncset.done @!p0 $0x0  }
0x299: {  	[sflag:s0] =	ssyncadd.s32 @!p0 s1  }
0x29a: {  	[bflag:$0x3] =	sbarrier.arrive $0xFFFF  }
0x29b: {  	_ =	shalt  }

// kernel: kernel.15.cloned.1.call-start
scs
__scs_entry_jumppad:
0x0: {  	(pc) =	sbr.rel $0x88, $3  }
0x1: {  	(tag) =	ssettag $0x0;
	lr =	simm.s32 $0x1  }
0x2: {  	[smem:$0x3F9C] =	sst lr;
	_ =	strace $0xD0000000  }
0x3: {  	_ = 	snop  }
0x4: {  	_ = 	snop  }
0x5: {  	_ = 	snop  }
0x6: {  	_ = 	snop  }
0x7: {  	_ = 	snop  }
__scs_overlays_trampoline_lowered:
0x8: {  	[smem:$0x3FAB] =	sst s0  }
0x9: {  	[smem:$0x3FAC] =	sst s1  }
0xa: {  	[smem:$0x3FAD] =	sst s2  }
0xb: {  	[smem:$0x3FAE] =	sst s3  }
0xc: {  	[smem:$0x3FAF] =	sst s4  }
0xd: {  	[smem:$0x3FB0] =	sst s5  }
0xe: {  	[smem:$0x3FB1] =	sst s6  }
0xf: {  	[smem:$0x3FB2] =	sst s7  }
0x10: {  	[smem:$0x3FB3] =	sst s8  }
0x11: {  	[smem:$0x3FB4] =	sst s9;
	s0 =	simm.s32 @!p0 $0x0  }
0x12: {  	s1 =	sld [smem:$0x3F9A];
	s0 =	simm.s32 @p0 $0x1  }
0x13: {  	[smem:$0x3FB5] =	sst s0;
	s0 =	simm.s32 @!p1 $0x0  }
0x14: {  	s2 =	sld [smem:$0x3F99];
	s0 =	simm.s32 @p1 $0x1  }
0x15: {  	[smem:$0x3FB6] =	sst s0;
	s0 =	simm.s32 @!p2 $0x0  }
0x16: {  	s3 =	sld [smem:$0x3FDB];
	s0 =	simm.s32 @p2 $0x1  }
0x17: {  	s4 =	simm.s32 $0x1BF5;
	[smem:$0x3FB8] =	sst s0  }
0x18: {  	s0 =	sld [smem:$0x3F9B];
	_ =	swait.ge [sflag:s4], $0x0  }
0x19: {  	s7 =	sld [smem:$0x3F9C]  }
0x1a: {  	s8 =	sadd.s32 $0xFFFFE003, lr  }
0x1b: {  	s9 =	sadd.s32 $0xFFFFFEF7, lr;
	s5 =	simm.s32 $0xFFFFFFFF;
	p2 =	slt.u32 s8, $0xFFFFF086  }
0x1c: {  	p1 =	slt.u32 s9, $0xF7A;
	s5 =	simm.s32 @!p2 $0x0  }
0x1d: {  	s5 =	simm.s32 @p1 $0x1;
	p0 =	seq.s32 s7, s2  }
0x1e: {  	s7 =	smul.u32 @!p0 $0xF7A, s2;
	p2 =	seq.s32 @!p0 s5, $0x0  }
0x1f: {  	s9 =	smul.u32 $0xF7A, s1;
	s8 =	simm.s32 @!p0 $0x1BF5;
	p2 =	por !p2, p0  }
0x20: {  	[sflag:s8] =	ssyncset.s32 @!p0 $0xFFFFF086;
	s6 =	sadd.s32 @!p0 s3, s7;
	s7 =	simm.s32 @!p0 $0x108  }
0x21: {  	s3 =	sadd.s32 s3, s9;
	s6 =	sadd.s32 @!p0 $0x88, s6;
	s7 =	simm.s32 @p2 $0x1082  }
0x22: {  	[simem:s7], [sflag:s8] =	dma.local @!p0 [hbm:s6], $0xF7A  }
0x23: {  	s9 =	sor.u32 $0xD0000000, s2;
	s6 =	simm.s32 $0x108;
	_ =	swait.ge @!p0 [sflag:s8], $0x0  }
0x24: {  	s3 =	sadd.s32 $0x88, s3;
	s6 =	simm.s32 @!p1 $0x1082;
	[sflag:s4] =	ssyncset.s32 $0xFFFFF086  }
0x25: {  	[simem:s6], [sflag:s4] =	dma.local [hbm:s3], $0xF7A  }
0x26: {  	[smem:$0x3F9C] =	sst s1;
	(tag) =	ssettag s2;
	_ =	strace s9  }
0x27: {  	s1 =	sld [smem:$0x3FAC]  }
0x28: {  	s2 =	sld [smem:$0x3FAD]  }
0x29: {  	s4 =	sld [smem:$0x3FAF]  }
0x2a: {  	p0 =	seq.s32 s5, $0x0;
	s5 =	sld [smem:$0x3FB0]  }
0x2b: {  	s6 =	sld [smem:$0x3FB1]  }
0x2c: {  	s7 =	sld [smem:$0x3FB2]  }
0x2d: {  	s3 =	simm.s32 $0x108;
	s8 =	sld [smem:$0x3FB3]  }
0x2e: {  	s3 =	simm.s32 @!p0 $0x1082;
	s9 =	sld [smem:$0x3FB4]  }
0x2f: {  	lr =	sadd.s32 s0, s3;
	s0 =	sld [smem:$0x3FAB]  }
0x30: {  	s3 =	sld [smem:$0x3FAE]  }
0x31: {  	[smem:$0x3FB7] =	sst s10  }
0x32: {  	s10 =	sld [smem:$0x3FB5];
	_ =	sdelay $0x3  }
0x33: {  	p0 =	seq.s32 s10, $0x1;
	s10 =	sld [smem:$0x3FB7];
	_ =	sdelay $0x3  }
0x34: {  	[smem:$0x3FB7] =	sst s10  }
0x35: {  	s10 =	sld [smem:$0x3FB6];
	_ =	sdelay $0x3  }
0x36: {  	p1 =	seq.s32 s10, $0x1;
	s10 =	sld [smem:$0x3FB7];
	_ =	sdelay $0x3  }
0x37: {  	[smem:$0x3FB7] =	sst s10  }
0x38: {  	s10 =	sld [smem:$0x3FB8]  }
0x39: {  	_ = 	snop;
	(pc) =	sbr.ind lr, $3  }
0x3a: {  	_ = 	snop  }
0x3b: {  	_ = 	snop  }
0x3c: {  	p2 =	seq.s32 s10, $0x1;
	s10 =	sld [smem:$0x3FB7]  }
0x3d: {  	_ =	shalt  }
0x3e: {  	_ =	shalt  }
0x3f: {  	_ =	shalt  }
0x40: {  	_ =	shalt  }
0x41: {  	_ =	shalt  }
0x42: {  	_ =	shalt  }
0x43: {  	_ =	shalt  }
0x44: {  	_ =	shalt  }
0x45: {  	_ =	shalt  }
0x46: {  	_ =	shalt  }
0x47: {  	_ =	shalt  }
0x48: {  	_ =	shalt  }
0x49: {  	_ =	shalt  }
0x4a: {  	_ =	shalt  }
0x4b: {  	_ =	shalt  }
0x4c: {  	_ =	shalt  }
0x4d: {  	_ =	shalt  }
0x4e: {  	_ =	shalt  }
0x4f: {  	_ =	shalt  }
0x50: {  	_ =	shalt  }
0x51: {  	_ =	shalt  }
0x52: {  	_ =	shalt  }
0x53: {  	_ =	shalt  }
0x54: {  	_ =	shalt  }
0x55: {  	_ =	shalt  }
0x56: {  	_ =	shalt  }
0x57: {  	_ =	shalt  }
0x58: {  	_ =	shalt  }
0x59: {  	_ =	shalt  }
0x5a: {  	_ =	shalt  }
0x5b: {  	_ =	shalt  }
0x5c: {  	_ =	shalt  }
0x5d: {  	_ =	shalt  }
0x5e: {  	_ =	shalt  }
0x5f: {  	_ =	shalt  }
0x60: {  	_ =	shalt  }
0x61: {  	_ =	shalt  }
0x62: {  	_ =	shalt  }
0x63: {  	_ =	shalt  }
0x64: {  	_ =	shalt  }
0x65: {  	_ =	shalt  }
0x66: {  	_ =	shalt  }
0x67: {  	_ =	shalt  }
0x68: {  	_ =	shalt  }
0x69: {  	_ =	shalt  }
0x6a: {  	_ =	shalt  }
0x6b: {  	_ =	shalt  }
0x6c: {  	_ =	shalt  }
0x6d: {  	_ =	shalt  }
0x6e: {  	_ =	shalt  }
0x6f: {  	_ =	shalt  }
0x70: {  	_ =	shalt  }
0x71: {  	_ =	shalt  }
0x72: {  	_ =	shalt  }
0x73: {  	_ =	shalt  }
0x74: {  	_ =	shalt  }
0x75: {  	_ =	shalt  }
0x76: {  	_ =	shalt  }
0x77: {  	_ =	shalt  }
0x78: {  	_ =	shalt  }
0x79: {  	_ =	shalt  }
0x7a: {  	_ =	shalt  }
0x7b: {  	_ =	shalt  }
0x7c: {  	_ =	shalt  }
0x7d: {  	_ =	shalt  }
0x7e: {  	_ =	shalt  }
0x7f: {  	_ =	shalt  }
0x80: {  	_ =	shalt  }
0x81: {  	_ =	shalt  }
0x82: {  	_ =	shalt  }
0x83: {  	_ =	shalt  }
0x84: {  	_ =	shalt  }
0x85: {  	_ =	shalt  }
0x86: {  	_ =	shalt  }
0x87: {  	_ =	shalt  }
.Lfunc_end0:
.L_simem_size_0:
called_computation.2_lowered:
.L_overlay_start_0:
0x88: {  	s2 =	sld [smem:$0x3FD9]  }
0x89: {  	s3 =	sld [smem:$0x3FFE];
	_ =	sdelay $0x1  }
0x8a: {  	s1 =	srdreg.scid  }
0x8b: {  	s0 =	sand.u32 $0x1, s1  }
0x8c: {  	s14 =	sshll.u32 s0, $0xA;
	s2 =	sadd.s32 s3, s2  }
0x8d: {  	s2 =	sadd.s32 s2, s14  }
0x8e: {  	[smem:$0x3FC3] =	sst s2  }
0x8f: {  	_ = 	snop  }
0x90: {  	s2 =	sld [smem:$0x3FD0];
	_ =	sdelay $0x2  }
0x91: {  	s15 =	simm.s32 $0xA;
	s4 =	simm.s32 $0x10  }
0x92: {  	[smem:s4], [sflag:s15] =	dma.local [hbm:s2], $0x1  }
0x93: {  	_ =	swait.eq [sflag:s15], $0x1  }
0x94: {  	[sflag:s15] =	ssyncset.done $0x0  }
0x95: {  	s16 =	sld [smem:$0x10];
	[sflag:s15] =	ssyncadd.s32 $0xFFFFFFFF  }
0x96: {  	s17 =	sld [smem:$0x12];
	(tm) =	ssettm $0x1  }
0x97: {  	s18 =	sld [smem:$0x3FFB];
	_ =	sdelay $0x3  }
0x98: {  	_ =	strace s18  }
0x99: {  	s4 =	sld [smem:$0x3FFC];
	_ =	sdelay $0x3  }
0x9a: {  	_ =	strace s4  }
0x9b: {  	s4 =	sld [smem:$0x3FFD];
	_ =	sdelay $0x3  }
0x9c: {  	_ =	strace s4  }
0x9d: {  	_ =	strace $0x8FFFFFFF  }
0x9e: {  	s19 =	sld [smem:$0x3FDB];
	_ =	sdelay $0x1  }
0x9f: {  	s5 =	simm.s32 $_scs_section_size  }
0xa0: {  	s6 =	simm.s32 $_size__tile_overlayer_lowered;
	s7 =	simm.s32 $_tile_overlayer_lowered  }
0xa1: {  	s22 =	simm.s32 $0x1BFF;
	s21 =	sshll.u32 s7, $0x1;
	s4 =	sadd.s32 s5, s19  }
0xa2: {  	s8 =	simm.s32 $0x0;
	s20 =	sshll.u32 s6, $0x1;
	s6 =	sadd.s32 s21, s4  }
0xa3: {  	[timem:s8], [sflag:s22] =	dma.local [hbm:s6], s20  }
0xa4: {  	_ =	swait.ge [sflag:s22], s20  }
0xa5: {  	s5 =	ssub.s32 $0x0, s20;
	[sflag:s22] =	ssyncset.done $0x0  }
0xa6: {  	[sflag:s22] =	ssyncadd.s32 s5;
	_ =	sdelay $0x1  }
0xa7: {  	s23 =	simm.s32 $0x1B8B  }
0xa8: {  	_ =	swait.ge [sflag:s23], $0x1  }
0xa9: {  	[sflag:s23] =	ssyncset.done $0x0  }
0xaa: {  	s25 =	simm.s32 $0x1B8E;
	s24 =	sld [smem:$0x3FFE];
	[sflag:s23] =	ssyncadd.s32 $0xFFFFFFFF  }
0xab: {  	s26 =	simm.s32 $execute0_lowered;
	[smem:$0x3FD2] =	sst s25  }
0xac: {  	s6 =	sshll.u32 s26, $0x1;
	_ =	strace $0x8000004C;
	[dreg:$0x1] =	wrdreg $0xFFFFFFFF  }
0xad: {  	s28 =	simm.s32 $_size_execute0_lowered;
	s4 =	sadd.s32 s4, s6;
	[dreg:$0x0] =	wrdreg $0x0  }
0xae: {  	s6 =	sshll.u32 s28, $0x1;
	[dreg:$0x2] =	wrdreg s4  }
0xaf: {  	[dreg:$0x3] =	wrdreg s6  }
0xb0: {  	[dreg:$0x4] =	wrdreg $0xC0  }
0xb1: {  	_ =	task [dreg:s8], $0x5FFFF  }
0xb2: {  	[dreg:$0x1] =	wrdreg $0xFFFFFFFF  }
0xb3: {  	[dreg:$0x0] =	wrdreg $0x60  }
0xb4: {  	[dreg:$0x2] =	wrdreg s24  }
0xb5: {  	[dreg:$0x3] =	wrdreg s16  }
0xb6: {  	[dreg:$0x4] =	wrdreg s17  }
0xb7: {  	[dreg:$0x5] =	wrdreg $0xCBC00  }
0xb8: {  	[dreg:$0x6] =	wrdreg $0x9  }
0xb9: {  	_ =	task.clear_ibuf [dreg:s8], $0x7FFFF;
	_ =	strace $0x9000004C  }
0xba: {  	s29 =	simm.s32 $0x9;
	_ =	strace $0x8000004E  }
0xbb: {  	_ =	swait.ge [sflag:s29], $0x1  }
0xbc: {  	[sflag:s29] =	ssyncadd.s32 $0xFFFFFFFF  }
0xbd: {  	_ =	strace $0x9000004E  }
0xbe: {  	_ =	sfence  }
0xbf: {  	s30 =	sld [smem:$0x0];
	_ =	sdelay $0x2  }
0xc0: {  	s31 =	sshll.u32 s1, $0xD;
	s1 =	sshrl.u32 s1, $0x2  }
0xc1: {  	s3 =	sand.u32 $0x4000, s31;
	s1 =	sadd.s32 s1, s30  }
0xc2: {  	s0 =	sor.u32 s3, s0;
	s1 =	sshll.u32 s1, $0x11  }
0xc3: {  	s0 =	sor.u32 s1, s0  }
0xc4: {  	s0 =	sadd.s32 $0x8F2B, s0  }
0xc5: {  	[sflag:s0] =	ssyncadd.remote.s32 $0x1  }
0xc6: {  	_ =	sfence.sel $0xFFFF  }
0xc7: {  	[dreg:$0x0] =	wrdreg $0xFFFFFFFF;
	(pc) =	sbr.abs _section_cstart, $3  }
0xc8: {  	[dreg:$0x1] =	wrdreg $0xFFFFFFFF  }
0xc9: {  	_ =	task.clear_ibuf [dreg:s8], $0x2FFFF;
	_ =	strace $0x9FFFFFFF  }
0xca: {  	(tm) =	ssettm $0x7FFFFFFF  }
0xcb: {  	_ =	shalt  }
tec
execute0_lowered:
.L_overlay_start_1:
0x0: {  	(tag) =	ssettag $0x1  }
0x1: {  	s1 =	rddreg [dreg:$0x0]  }
0x2: {  	s0 =	srdreg.scid;
	s3 =	rddreg [dreg:$0x1]  }
0x3: {  	s12 =	stileid.u32;
	s4 =	rddreg [dreg:$0x2];
	s30 =	simm.s32 $0x0  }
0x4: {  	s0 =	sand.u32 $0x1, s0;
	s2 =	sshll.u32 s12, $0x1;
	[dreg:$0x5] =	wrdreg s4  }
0x5: {  	[smem:$0x7FF] =	sst s30;
	s2 =	sor.u32 s0, s2  }
0x6: {  	s24 =	simm.s32 $0x1F8;
	s5 =	smul.u32 $0x4EC, s2;
	s2 =	rddreg [dreg:$0x3]  }
0x7: {  	s25 =	simm.s32 $0x3F0;
	_ =	strace $0x8000004D;
	[dreg:$0x9] =	wrdreg s24  }
0x8: {  	s26 =	simm.s32 $0x2958;
	[dreg:$0xa] =	wrdreg s25  }
0x9: {  	s8 =	simm.s32 $0x2D48;
	[dreg:$0xb] =	wrdreg s26  }
0xa: {  	s9 =	simm.s32 $0x9D8;
	[dreg:$0xf] =	wrdreg s8  }
0xb: {  	s10 =	simm.s32 $0x2F40;
	s13 =	simm.s32 $0xBD0;
	[dreg:$0x10] =	wrdreg s9  }
0xc: {  	s14 =	simm.s32 $0x3138;
	s16 =	simm.s32 $0xDC8;
	[dreg:$0x11] =	wrdreg s10  }
0xd: {  	s18 =	simm.s32 $0x3330;
	s19 =	simm.s32 $0xFC0;
	[dreg:$0x12] =	wrdreg s13  }
0xe: {  	s20 =	simm.s32 $0x3528;
	s21 =	simm.s32 $0x11B8;
	[dreg:$0x13] =	wrdreg s14  }
0xf: {  	s22 =	simm.s32 $0x3720;
	s31 =	simm.s32 $0x2760;
	[dreg:$0x14] =	wrdreg s16  }
0x10: {  	s29 =	simm.s32 $0x17A0;
	s28 =	simm.s32 $0x3F00;
	[dreg:$0x15] =	wrdreg s18  }
0x11: {  	p0 =	por $0x0, $0x0;
	s23 =	smul.u32 $0x4E20, s12;
	[dreg:$0x16] =	wrdreg s19  }
0x12: {  	s17 =	sshll.u32 s12, $0x6;
	s6 =	smul.u32 $0x4E200, s0;
	[dreg:$0x17] =	wrdreg s20  }
0x13: {  	s0 =	ssub.s32 $0x2, s0;
	s4 =	sor.u32 $0x1C03, s17;
	[dreg:$0x18] =	wrdreg s21  }
0x14: {  	s17 =	simm.s32 $0x48D8;
	s11 =	sshrl.u32 s0, $0x1;
	[dreg:$0x19] =	wrdreg s22  }
0x15: {  	s24 =	simm.s32 $0x3918;
	s9 =	simm.s32 $0x4EC0;
	s25 =	simm.s32 $0x15A8  }
0x16: {  	s26 =	simm.s32 $0x3B10;
	s8 =	simm.s32 $0x8D40;
	s10 =	simm.s32 $0x2  }
0x17: {  	s18 =	simm.s32 $0x3D08;
	s22 =	simm.s32 $0x1D88;
	s20 =	simm.s32 $0x1F80  }
0x18: {  	s21 =	simm.s32 $0x44E8;
	s19 =	simm.s32 $0x46E0;
	s16 =	simm.s32 $0x2370  }
0x19: {  	s14 =	simm.s32 $0x2568;
	s13 =	simm.s32 $0x4CC8;
	s6 =	sadd.s32 s23, s6  }
0x1a: {  	s0 =	ssub.s32 s0, s11;
	s15 =	sadd.s32 s23, s2;
	[dreg:$0x1b] =	wrdreg s24  }
0x1b: {  	s23 =	simm.s32 $0x13B0;
	s11 =	simm.s32 $0x1;
	[dreg:$0x1c] =	wrdreg s25  }
0x1c: {  	[dreg:$0x1d] =	wrdreg s26;
	s26 =	simm.s32 $0x1998;
	s24 =	simm.s32 $0x1B90  }
0x1d: {  	s25 =	simm.s32 $0x40F8;
	s5 =	sadd.s32 s5, s1;
	s6 =	sshrl.u32 s6, $0x3  }
0x1e: {  	s0 =	smax.u32 s0, $0x1;
	[dreg:$0x1a] =	wrdreg s23;
	s7 =	sadd.s32 $0xB800, s5  }
0x1f: {  	s1 =	sadd.s32 s6, s1;
	s5 =	sadd.s32 $0x15600, s5;
	[dreg:$0x6] =	wrdreg s7  }
0x20: {  	s6 =	simm.s32 $0x2B50;
	p1 =	sne.s32 s0, $0x1;
	[dreg:$0x7] =	wrdreg s5  }
.Ltmp0:
0x21: {  	s1 =	sadd.s32 $0x1F400, s1;
	[dreg:$0xd] =	wrdreg s6;
	(pc) =	sbr.rel @!p1 .LBB2_1-.Ltmp0, $4  }
0x22: {  	s23 =	simm.s32 $0x42F0;
	s5 =	simm.s32 $0x5E8;
	[dreg:$0x8] =	wrdreg s1  }
0x23: {  	s7 =	simm.s32 $0x7E0;
	s6 =	simm.s32 $0x3;
	[dreg:$0xc] =	wrdreg s5  }
0x24: {  	[dreg:$0xe] =	wrdreg s7;
	s5 =	sshrl.u32 s15, $0x3;
	s7 =	simm.s32 $0x1F4  }
0x25: {  	s1 =	sadd.s32 $0xFFFFFFFF, s0;
	s15 =	simm.s32 $0x4AD0;
	s0 =	rddreg [dreg:$0x5]  }
0x26: {  	[spmem:s5], [sflag:s4] =	dma.local [hbm:s0], $0x9C4  }
0x27: {  	_ =	swait.ge [sflag:s6], $0x9C4  }
0x28: {  	[sflag:s6] =	ssyncset.done $0x0  }
0x29: {  	s12 =	rddreg [dreg:$0x6];
	[sflag:s6] =	ssyncadd.s32 $0xFFFFF63C  }
0x2a: {  	[tilespmem:s30], [sflag:$0x3] =	stream.linear.gather [hbm4b:s12+s30], $0x2760, $0x38;
	[tilespmem:$0x119E0] =	vst v63  }
0x2b: {  	_ =	swait.ge [sflag:s6], $0x2760  }
0x2c: {  	[sflag:s6] =	ssyncset.done $0x0  }
0x2d: {  	s12 =	rddreg [dreg:$0x7];
	[sflag:s6] =	ssyncadd.s32 $0xFFFFD8A0  }
0x2e: {  	[tilespmem:s31], [sflag:$0x3] =	stream.linear.gather [hbm4b:s12+s30], $0x2760, $0x38;
	[tilespmem:$0x119E0] =	vst v63  }
0x2f: {  	_ =	swait.ge [sflag:s6], $0x2760  }
0x30: {  	[sflag:s6] =	ssyncset.done $0x0  }
0x31: {  	[sflag:s6] =	ssyncadd.s32 $0xFFFFD8A0  }
0x32: {  	[bflag:$0x0] =	sbarrier.arrive $0xFFFF  }
0x33: {  	[tilespmem:s9], [sflag:$0x1] =	stream.indirect.gather [hbm4b:s3+s7], $0x20, s30, s7, $0xb8;
	[tilespmem:$0x119E0] =	vst v63  }
0x34: {  	_ =	swait.ge [sflag:s11], $0x3E80  }
0x35: {  	[sflag:s11] =	ssyncset.done $0x0  }
0x36: {  	s12 =	rddreg [dreg:$0x9];
	[sflag:s11] =	ssyncadd.s32 $0xFFFFC180  }
0x37: {  	[tilespmem:s8], [sflag:$0x2] =	stream.indirect.gather [hbm4b:s3+s7], $0x20, s12, s7, $0xb8;
	[tilespmem:$0x119E0] =	vst v63  }
0x38: {  	_ = 	snop  }
0x39: {  	[spmem:s2] =	stream.indirect.scatter.add.f32 [tilespmem:s9], [sflag:$0x3], $0x20, s31, s7, $0xb8;
	[tilespmem:$0x119E0] =	vst v63  }
0x3a: {  	_ =	swait.ge [sflag:s6], $0x3E80  }
0x3b: {  	[sflag:s6] =	ssyncset.done $0x0  }
0x3c: {  	[sflag:s6] =	ssyncadd.s32 $0xFFFFC180  }
0x3d: {  	_ =	swait.ge [sflag:s10], $0x3E80  }
0x3e: {  	[sflag:s10] =	ssyncset.done $0x0  }
0x3f: {  	s0 =	rddreg [dreg:$0xa];
	[sflag:s10] =	ssyncadd.s32 $0xFFFFC180  }
0x40: {  	[tilespmem:s9], [sflag:$0x1] =	stream.indirect.gather [hbm4b:s3+s7], $0x20, s0, s7, $0xb8;
	[tilespmem:$0x119E0] =	vst v63  }
0x41: {  	s12 =	smov.u32 s1;
	s1 =	rddreg [dreg:$0xb]  }
0x42: {  	[spmem:s2] =	stream.indirect.scatter.add.f32 [tilespmem:s8], [sflag:$0x3], $0x20, s1, s7, $0xb8;
	[tilespmem:$0x119E0] =	vst v63  }
0x43: {  	_ =	swait.ge [sflag:s6], $0x3E80  }
0x44: {  	[sflag:s6] =	ssyncset.done $0x0  }
0x45: {  	[sflag:s6] =	ssyncadd.s32 $0xFFFFC180  }
0x46: {  	_ =	swait.ge [sflag:s11], $0x3E80  }
0x47: {  	[sflag:s11] =	ssyncset.done $0x0  }
0x48: {  	s0 =	rddreg [dreg:$0xc];
	[sflag:s11] =	ssyncadd.s32 $0xFFFFC180  }
0x49: {  	[tilespmem:s8], [sflag:$0x2] =	stream.indirect.gather [hbm4b:s3+s7], $0x20, s0, s7, $0xb8;
	[tilespmem:$0x119E0] =	vst v63  }
0x4a: {  	s1 =	rddreg [dreg:$0xd]  }
0x4b: {  	[spmem:s2] =	stream.indirect.scatter.add.f32 [tilespmem:s9], [sflag:$0x3], $0x20, s1, s7, $0xb8;
	[tilespmem:$0x119E0] =	vst v63  }
0x4c: {  	_ =	swait.ge [sflag:s6], $0x3E80  }
0x4d: {  	[sflag:s6] =	ssyncset.done $0x0  }
0x4e: {  	[sflag:s6] =	ssyncadd.s32 $0xFFFFC180  }
0x4f: {  	_ =	swait.ge [sflag:s10], $0x3E80  }
0x50: {  	[sflag:s10] =	ssyncset.done $0x0  }
0x51: {  	s0 =	rddreg [dreg:$0xe];
	[sflag:s10] =	ssyncadd.s32 $0xFFFFC180  }
0x52: {  	[tilespmem:s9], [sflag:$0x1] =	stream.indirect.gather [hbm4b:s3+s7], $0x20, s0, s7, $0xb8;
	[tilespmem:$0x119E0] =	vst v63  }
0x53: {  	s1 =	rddreg [dreg:$0xf]  }
0x54: {  	[spmem:s2] =	stream.indirect.scatter.add.f32 [tilespmem:s8], [sflag:$0x3], $0x20, s1, s7, $0xb8;
	[tilespmem:$0x119E0] =	vst v63  }
0x55: {  	_ =	swait.ge [sflag:s6], $0x3E80  }
0x56: {  	[sflag:s6] =	ssyncset.done $0x0  }
0x57: {  	[sflag:s6] =	ssyncadd.s32 $0xFFFFC180  }
0x58: {  	_ =	swait.ge [sflag:s11], $0x3E80  }
0x59: {  	[sflag:s11] =	ssyncset.done $0x0  }
0x5a: {  	s0 =	rddreg [dreg:$0x10];
	[sflag:s11] =	ssyncadd.s32 $0xFFFFC180  }
0x5b: {  	[tilespmem:s8], [sflag:$0x2] =	stream.indirect.gather [hbm4b:s3+s7], $0x20, s0, s7, $0xb8;
	[tilespmem:$0x119E0] =	vst v63  }
0x5c: {  	s1 =	rddreg [dreg:$0x11]  }
0x5d: {  	[spmem:s2] =	stream.indirect.scatter.add.f32 [tilespmem:s9], [sflag:$0x3], $0x20, s1, s7, $0xb8;
	[tilespmem:$0x119E0] =	vst v63  }
0x5e: {  	_ =	swait.ge [sflag:s6], $0x3E80  }
0x5f: {  	[sflag:s6] =	ssyncset.done $0x0  }
0x60: {  	[sflag:s6] =	ssyncadd.s32 $0xFFFFC180  }
0x61: {  	_ =	swait.ge [sflag:s10], $0x3E80  }
0x62: {  	[sflag:s10] =	ssyncset.done $0x0  }
0x63: {  	s0 =	rddreg [dreg:$0x12];
	[sflag:s10] =	ssyncadd.s32 $0xFFFFC180  }
0x64: {  	[tilespmem:s9], [sflag:$0x1] =	stream.indirect.gather [hbm4b:s3+s7], $0x20, s0, s7, $0xb8;
	[tilespmem:$0x119E0] =	vst v63  }
0x65: {  	s1 =	rddreg [dreg:$0x13]  }
0x66: {  	[spmem:s2] =	stream.indirect.scatter.add.f32 [tilespmem:s8], [sflag:$0x3], $0x20, s1, s7, $0xb8;
	[tilespmem:$0x119E0] =	vst v63  }
0x67: {  	_ =	swait.ge [sflag:s6], $0x3E80  }
0x68: {  	[sflag:s6] =	ssyncset.done $0x0  }
0x69: {  	[sflag:s6] =	ssyncadd.s32 $0xFFFFC180  }
0x6a: {  	_ =	swait.ge [sflag:s11], $0x3E80  }
0x6b: {  	[sflag:s11] =	ssyncset.done $0x0  }
0x6c: {  	s0 =	rddreg [dreg:$0x14];
	[sflag:s11] =	ssyncadd.s32 $0xFFFFC180  }
0x6d: {  	[tilespmem:s8], [sflag:$0x2] =	stream.indirect.gather [hbm4b:s3+s7], $0x20, s0, s7, $0xb8;
	[tilespmem:$0x119E0] =	vst v63  }
0x6e: {  	s1 =	rddreg [dreg:$0x15]  }
0x6f: {  	[spmem:s2] =	stream.indirect.scatter.add.f32 [tilespmem:s9], [sflag:$0x3], $0x20, s1, s7, $0xb8;
	[tilespmem:$0x119E0] =	vst v63  }
0x70: {  	_ =	swait.ge [sflag:s6], $0x3E80  }
0x71: {  	[sflag:s6] =	ssyncset.done $0x0  }
0x72: {  	[sflag:s6] =	ssyncadd.s32 $0xFFFFC180  }
0x73: {  	_ =	swait.ge [sflag:s10], $0x3E80  }
0x74: {  	[sflag:s10] =	ssyncset.done $0x0  }
0x75: {  	s0 =	rddreg [dreg:$0x16];
	[sflag:s10] =	ssyncadd.s32 $0xFFFFC180  }
0x76: {  	[tilespmem:s9], [sflag:$0x1] =	stream.indirect.gather [hbm4b:s3+s7], $0x20, s0, s7, $0xb8;
	[tilespmem:$0x119E0] =	vst v63  }
0x77: {  	s1 =	rddreg [dreg:$0x17]  }
0x78: {  	[spmem:s2] =	stream.indirect.scatter.add.f32 [tilespmem:s8], [sflag:$0x3], $0x20, s1, s7, $0xb8;
	[tilespmem:$0x119E0] =	vst v63  }
0x79: {  	_ =	swait.ge [sflag:s6], $0x3E80  }
0x7a: {  	[sflag:s6] =	ssyncset.done $0x0  }
0x7b: {  	[sflag:s6] =	ssyncadd.s32 $0xFFFFC180  }
0x7c: {  	_ =	swait.ge [sflag:s11], $0x3E80  }
0x7d: {  	[sflag:s11] =	ssyncset.done $0x0  }
0x7e: {  	s0 =	rddreg [dreg:$0x18];
	[sflag:s11] =	ssyncadd.s32 $0xFFFFC180  }
0x7f: {  	[tilespmem:s8], [sflag:$0x2] =	stream.indirect.gather [hbm4b:s3+s7], $0x20, s0, s7, $0xb8;
	[tilespmem:$0x119E0] =	vst v63  }
0x80: {  	s1 =	rddreg [dreg:$0x19]  }
0x81: {  	[spmem:s2] =	stream.indirect.scatter.add.f32 [tilespmem:s9], [sflag:$0x3], $0x20, s1, s7, $0xb8;
	[tilespmem:$0x119E0] =	vst v63  }
0x82: {  	_ =	swait.ge [sflag:s6], $0x3E80  }
0x83: {  	[sflag:s6] =	ssyncset.done $0x0  }
0x84: {  	[sflag:s6] =	ssyncadd.s32 $0xFFFFC180  }
0x85: {  	_ =	swait.ge [sflag:s10], $0x3E80  }
0x86: {  	[sflag:s10] =	ssyncset.done $0x0  }
0x87: {  	s0 =	rddreg [dreg:$0x1a];
	[sflag:s10] =	ssyncadd.s32 $0xFFFFC180  }
0x88: {  	[tilespmem:s9], [sflag:$0x1] =	stream.indirect.gather [hbm4b:s3+s7], $0x20, s0, s7, $0xb8;
	[tilespmem:$0x119E0] =	vst v63  }
0x89: {  	s1 =	rddreg [dreg:$0x1b]  }
0x8a: {  	[spmem:s2] =	stream.indirect.scatter.add.f32 [tilespmem:s8], [sflag:$0x3], $0x20, s1, s7, $0xb8;
	[tilespmem:$0x119E0] =	vst v63  }
0x8b: {  	_ =	swait.ge [sflag:s6], $0x3E80  }
0x8c: {  	[sflag:s6] =	ssyncset.done $0x0  }
0x8d: {  	[sflag:s6] =	ssyncadd.s32 $0xFFFFC180  }
0x8e: {  	_ =	swait.ge [sflag:s11], $0x3E80  }
0x8f: {  	[sflag:s11] =	ssyncset.done $0x0  }
0x90: {  	s0 =	rddreg [dreg:$0x1c];
	[sflag:s11] =	ssyncadd.s32 $0xFFFFC180  }
0x91: {  	[tilespmem:s8], [sflag:$0x2] =	stream.indirect.gather [hbm4b:s3+s7], $0x20, s0, s7, $0xb8;
	[tilespmem:$0x119E0] =	vst v63  }
0x92: {  	s1 =	rddreg [dreg:$0x1d]  }
0x93: {  	[spmem:s2] =	stream.indirect.scatter.add.f32 [tilespmem:s9], [sflag:$0x3], $0x20, s1, s7, $0xb8;
	[tilespmem:$0x119E0] =	vst v63  }
0x94: {  	_ =	swait.ge [sflag:s6], $0x3E80  }
0x95: {  	[sflag:s6] =	ssyncset.done $0x0  }
0x96: {  	[sflag:s6] =	ssyncadd.s32 $0xFFFFC180  }
0x97: {  	_ =	swait.ge [sflag:s10], $0x3E80  }
0x98: {  	[sflag:s10] =	ssyncset.done $0x0  }
0x99: {  	[sflag:s10] =	ssyncadd.s32 $0xFFFFC180  }
0x9a: {  	[tilespmem:s9], [sflag:$0x1] =	stream.indirect.gather [hbm4b:s3+s7], $0x20, s29, s7, $0xb8;
	[tilespmem:$0x119E0] =	vst v63  }
0x9b: {  	_ = 	snop  }
0x9c: {  	[spmem:s2] =	stream.indirect.scatter.add.f32 [tilespmem:s8], [sflag:$0x3], $0x20, s18, s7, $0xb8;
	[tilespmem:$0x119E0] =	vst v63  }
0x9d: {  	_ =	swait.ge [sflag:s6], $0x3E80  }
0x9e: {  	[sflag:s6] =	ssyncset.done $0x0  }
0x9f: {  	[sflag:s6] =	ssyncadd.s32 $0xFFFFC180  }
0xa0: {  	_ =	swait.ge [sflag:s11], $0x3E80  }
0xa1: {  	[sflag:s11] =	ssyncset.done $0x0  }
0xa2: {  	[sflag:s11] =	ssyncadd.s32 $0xFFFFC180  }
0xa3: {  	[tilespmem:s8], [sflag:$0x2] =	stream.indirect.gather [hbm4b:s3+s7], $0x20, s26, s7, $0xb8;
	[tilespmem:$0x119E0] =	vst v63  }
0xa4: {  	_ = 	snop  }
0xa5: {  	[spmem:s2] =	stream.indirect.scatter.add.f32 [tilespmem:s9], [sflag:$0x3], $0x20, s28, s7, $0xb8;
	[tilespmem:$0x119E0] =	vst v63  }
0xa6: {  	_ =	swait.ge [sflag:s6], $0x3E80  }
0xa7: {  	[sflag:s6] =	ssyncset.done $0x0  }
0xa8: {  	[sflag:s6] =	ssyncadd.s32 $0xFFFFC180  }
0xa9: {  	_ =	swait.ge [sflag:s10], $0x3E80  }
0xaa: {  	[sflag:s10] =	ssyncset.done $0x0  }
0xab: {  	[sflag:s10] =	ssyncadd.s32 $0xFFFFC180  }
0xac: {  	[tilespmem:s9], [sflag:$0x1] =	stream.indirect.gather [hbm4b:s3+s7], $0x20, s24, s7, $0xb8;
	[tilespmem:$0x119E0] =	vst v63  }
0xad: {  	_ = 	snop  }
0xae: {  	[spmem:s2] =	stream.indirect.scatter.add.f32 [tilespmem:s8], [sflag:$0x3], $0x20, s25, s7, $0xb8;
	[tilespmem:$0x119E0] =	vst v63  }
0xaf: {  	_ =	swait.ge [sflag:s6], $0x3E80  }
0xb0: {  	[sflag:s6] =	ssyncset.done $0x0  }
0xb1: {  	[sflag:s6] =	ssyncadd.s32 $0xFFFFC180  }
0xb2: {  	_ =	swait.ge [sflag:s11], $0x3E80  }
0xb3: {  	[sflag:s11] =	ssyncset.done $0x0  }
0xb4: {  	[sflag:s11] =	ssyncadd.s32 $0xFFFFC180  }
0xb5: {  	[tilespmem:s8], [sflag:$0x2] =	stream.indirect.gather [hbm4b:s3+s7], $0x20, s22, s7, $0xb8;
	[tilespmem:$0x119E0] =	vst v63  }
0xb6: {  	_ = 	snop  }
0xb7: {  	[spmem:s2] =	stream.indirect.scatter.add.f32 [tilespmem:s9], [sflag:$0x3], $0x20, s23, s7, $0xb8;
	[tilespmem:$0x119E0] =	vst v63  }
0xb8: {  	_ =	swait.ge [sflag:s6], $0x3E80  }
0xb9: {  	[sflag:s6] =	ssyncset.done $0x0  }
0xba: {  	[sflag:s6] =	ssyncadd.s32 $0xFFFFC180  }
0xbb: {  	_ =	swait.ge [sflag:s10], $0x3E80  }
0xbc: {  	[sflag:s10] =	ssyncset.done $0x0  }
0xbd: {  	[sflag:s10] =	ssyncadd.s32 $0xFFFFC180  }
0xbe: {  	[tilespmem:s9], [sflag:$0x1] =	stream.indirect.gather [hbm4b:s3+s7], $0x20, s20, s7, $0xb8;
	[tilespmem:$0x119E0] =	vst v63  }
0xbf: {  	_ = 	snop  }
0xc0: {  	[spmem:s2] =	stream.indirect.scatter.add.f32 [tilespmem:s8], [sflag:$0x3], $0x20, s21, s7, $0xb8;
	[tilespmem:$0x119E0] =	vst v63  }
0xc1: {  	_ =	swait.ge [sflag:s6], $0x3E80  }
0xc2: {  	[sflag:s6] =	ssyncset.done $0x0  }
0xc3: {  	[sflag:s6] =	ssyncadd.s32 $0xFFFFC180  }
0xc4: {  	_ =	swait.ge [sflag:s11], $0x3E80  }
0xc5: {  	[sflag:s11] =	ssyncset.done $0x0  }
0xc6: {  	s1 =	simm.s32 $0x2178;
	[sflag:s11] =	ssyncadd.s32 $0xFFFFC180  }
0xc7: {  	[tilespmem:s8], [sflag:$0x2] =	stream.indirect.gather [hbm4b:s3+s7], $0x20, s1, s7, $0xb8;
	[tilespmem:$0x119E0] =	vst v63  }
0xc8: {  	_ = 	snop  }
0xc9: {  	[spmem:s2] =	stream.indirect.scatter.add.f32 [tilespmem:s9], [sflag:$0x3], $0x20, s19, s7, $0xb8;
	[tilespmem:$0x119E0] =	vst v63  }
0xca: {  	_ =	swait.ge [sflag:s6], $0x3E80  }
0xcb: {  	[sflag:s6] =	ssyncset.done $0x0  }
0xcc: {  	[sflag:s6] =	ssyncadd.s32 $0xFFFFC180  }
0xcd: {  	_ =	swait.ge [sflag:s10], $0x3E80  }
0xce: {  	[sflag:s10] =	ssyncset.done $0x0  }
0xcf: {  	[sflag:s10] =	ssyncadd.s32 $0xFFFFC180  }
0xd0: {  	[tilespmem:s9], [sflag:$0x1] =	stream.indirect.gather [hbm4b:s3+s7], $0x20, s16, s7, $0xb8;
	[tilespmem:$0x119E0] =	vst v63  }
0xd1: {  	_ = 	snop  }
0xd2: {  	[spmem:s2] =	stream.indirect.scatter.add.f32 [tilespmem:s8], [sflag:$0x3], $0x20, s17, s7, $0xb8;
	[tilespmem:$0x119E0] =	vst v63  }
0xd3: {  	_ =	swait.ge [sflag:s6], $0x3E80  }
0xd4: {  	[sflag:s6] =	ssyncset.done $0x0  }
0xd5: {  	[sflag:s6] =	ssyncadd.s32 $0xFFFFC180  }
0xd6: {  	_ =	swait.ge [sflag:s11], $0x3E80  }
0xd7: {  	[sflag:s11] =	ssyncset.done $0x0  }
0xd8: {  	[sflag:s11] =	ssyncadd.s32 $0xFFFFC180  }
0xd9: {  	[tilespmem:s8], [sflag:$0x2] =	stream.indirect.gather [hbm4b:s3+s7], $0x20, s14, s7, $0xb8;
	[tilespmem:$0x119E0] =	vst v63  }
0xda: {  	_ = 	snop  }
0xdb: {  	[spmem:s2] =	stream.indirect.scatter.add.f32 [tilespmem:s9], [sflag:$0x3], $0x20, s15, s7, $0xb8;
	[tilespmem:$0x119E0] =	vst v63  }
0xdc: {  	_ =	swait.ge [sflag:s6], $0x3E80  }
0xdd: {  	[sflag:s6] =	ssyncset.done $0x0  }
0xde: {  	[sflag:s6] =	ssyncadd.s32 $0xFFFFC180  }
0xdf: {  	_ =	swait.ge [sflag:s10], $0x3E80  }
0xe0: {  	[sflag:s10] =	ssyncset.done $0x0  }
0xe1: {  	[sflag:s10] =	ssyncadd.s32 $0xFFFFC180  }
0xe2: {  	[spmem:s2] =	stream.indirect.scatter.add.f32 [tilespmem:s8], [sflag:$0x3], $0x20, s13, s7, $0xb8;
	[tilespmem:$0x119E0] =	vst v63  }
0xe3: {  	_ =	swait.ge [sflag:s6], $0x3E80  }
0xe4: {  	[sflag:s6] =	ssyncset.done $0x0  }
0xe5: {  	p1 =	sne.s32 s12, $0x1;
	[sflag:s6] =	ssyncadd.s32 $0xFFFFC180  }
.Ltmp1:
0xe6: {  	[bflag:$0x0] =	sbarrier.arrive $0xFFFF;
	(pc) =	sbr.rel @!p1 .LBB2_3-.Ltmp1, $4  }
0xe7: {  	s1 =	rddreg [dreg:$0x8]  }
0xe8: {  	[hbm:s1], [sflag:s4] =	dma.local [spmem:s5], $0x9C4  }
0xe9: {  	p0 =	por $0x1, $0x1;
	_ =	swait.ge [sflag:s6], $0x9C4  }
0xea: {  	s1 =	sadd.s32 $0xFFFFFFFF, s12;
	s0 =	rddreg [dreg:$0x5];
	[sflag:s6] =	ssyncset.done $0x0  }
.LBB2_4:
0xeb: {  	[sflag:s6] =	ssyncadd.s32 $0xFFFFF63C  }
0xec: {  	[spmem:s5], [sflag:s4] =	dma.local [hbm:s0], $0x9C4  }
0xed: {  	_ =	swait.ge [sflag:s6], $0x9C4  }
0xee: {  	[sflag:s6] =	ssyncset.done $0x0  }
0xef: {  	s12 =	rddreg [dreg:$0x6];
	[sflag:s6] =	ssyncadd.s32 $0xFFFFF63C  }
0xf0: {  	[tilespmem:s30], [sflag:$0x3] =	stream.linear.gather [hbm4b:s12+s30], $0x2760, $0x38;
	[tilespmem:$0x119E0] =	vst v63  }
0xf1: {  	_ =	swait.ge [sflag:s6], $0x2760  }
0xf2: {  	[sflag:s6] =	ssyncset.done $0x0  }
0xf3: {  	s12 =	rddreg [dreg:$0x7];
	[sflag:s6] =	ssyncadd.s32 $0xFFFFD8A0  }
0xf4: {  	[tilespmem:s31], [sflag:$0x3] =	stream.linear.gather [hbm4b:s12+s30], $0x2760, $0x38;
	[tilespmem:$0x119E0] =	vst v63  }
0xf5: {  	_ =	swait.ge [sflag:s6], $0x2760  }
0xf6: {  	[sflag:s6] =	ssyncset.done $0x0  }
0xf7: {  	[sflag:s6] =	ssyncadd.s32 $0xFFFFD8A0  }
0xf8: {  	[bflag:$0x0] =	sbarrier.arrive $0xFFFF  }
0xf9: {  	[tilespmem:s9], [sflag:$0x1] =	stream.indirect.gather [hbm4b:s3+s7], $0x20, s30, s7, $0xb8;
	[tilespmem:$0x119E0] =	vst v63  }
0xfa: {  	_ =	swait.ge [sflag:s11], $0x3E80  }
0xfb: {  	[sflag:s11] =	ssyncset.done $0x0  }
0xfc: {  	s12 =	rddreg [dreg:$0x9];
	[sflag:s11] =	ssyncadd.s32 $0xFFFFC180  }
0xfd: {  	[tilespmem:s8], [sflag:$0x2] =	stream.indirect.gather [hbm4b:s3+s7], $0x20, s12, s7, $0xb8;
	[tilespmem:$0x119E0] =	vst v63  }
0xfe: {  	_ = 	snop  }
0xff: {  	[spmem:s2] =	stream.indirect.scatter.add.f32 [tilespmem:s9], [sflag:$0x3], $0x20, s31, s7, $0xb8;
	[tilespmem:$0x119E0] =	vst v63  }
0x100: {  	_ =	swait.ge [sflag:s6], $0x3E80  }
0x101: {  	[sflag:s6] =	ssyncset.done $0x0  }
0x102: {  	[sflag:s6] =	ssyncadd.s32 $0xFFFFC180  }
0x103: {  	_ =	swait.ge [sflag:s10], $0x3E80  }
0x104: {  	[sflag:s10] =	ssyncset.done $0x0  }
0x105: {  	s0 =	rddreg [dreg:$0xa];
	[sflag:s10] =	ssyncadd.s32 $0xFFFFC180  }
0x106: {  	[tilespmem:s9], [sflag:$0x1] =	stream.indirect.gather [hbm4b:s3+s7], $0x20, s0, s7, $0xb8;
	[tilespmem:$0x119E0] =	vst v63  }
0x107: {  	s12 =	rddreg [dreg:$0xb]  }
0x108: {  	[spmem:s2] =	stream.indirect.scatter.add.f32 [tilespmem:s8], [sflag:$0x3], $0x20, s12, s7, $0xb8;
	[tilespmem:$0x119E0] =	vst v63  }
0x109: {  	_ =	swait.ge [sflag:s6], $0x3E80  }
0x10a: {  	[sflag:s6] =	ssyncset.done $0x0  }
0x10b: {  	[sflag:s6] =	ssyncadd.s32 $0xFFFFC180  }
0x10c: {  	_ =	swait.ge [sflag:s11], $0x3E80  }
0x10d: {  	[sflag:s11] =	ssyncset.done $0x0  }
0x10e: {  	s0 =	rddreg [dreg:$0xc];
	[sflag:s11] =	ssyncadd.s32 $0xFFFFC180  }
0x10f: {  	[tilespmem:s8], [sflag:$0x2] =	stream.indirect.gather [hbm4b:s3+s7], $0x20, s0, s7, $0xb8;
	[tilespmem:$0x119E0] =	vst v63  }
0x110: {  	s12 =	rddreg [dreg:$0xd]  }
0x111: {  	[spmem:s2] =	stream.indirect.scatter.add.f32 [tilespmem:s9], [sflag:$0x3], $0x20, s12, s7, $0xb8;
	[tilespmem:$0x119E0] =	vst v63  }
0x112: {  	_ =	swait.ge [sflag:s6], $0x3E80  }
0x113: {  	[sflag:s6] =	ssyncset.done $0x0  }
0x114: {  	[sflag:s6] =	ssyncadd.s32 $0xFFFFC180  }
0x115: {  	_ =	swait.ge [sflag:s10], $0x3E80  }
0x116: {  	[sflag:s10] =	ssyncset.done $0x0  }
0x117: {  	s0 =	rddreg [dreg:$0xe];
	[sflag:s10] =	ssyncadd.s32 $0xFFFFC180  }
0x118: {  	[tilespmem:s9], [sflag:$0x1] =	stream.indirect.gather [hbm4b:s3+s7], $0x20, s0, s7, $0xb8;
	[tilespmem:$0x119E0] =	vst v63  }
0x119: {  	s12 =	rddreg [dreg:$0xf]  }
0x11a: {  	[spmem:s2] =	stream.indirect.scatter.add.f32 [tilespmem:s8], [sflag:$0x3], $0x20, s12, s7, $0xb8;
	[tilespmem:$0x119E0] =	vst v63  }
0x11b: {  	_ =	swait.ge [sflag:s6], $0x3E80  }
0x11c: {  	[sflag:s6] =	ssyncset.done $0x0  }
0x11d: {  	[sflag:s6] =	ssyncadd.s32 $0xFFFFC180  }
0x11e: {  	_ =	swait.ge [sflag:s11], $0x3E80  }
0x11f: {  	[sflag:s11] =	ssyncset.done $0x0  }
0x120: {  	s0 =	rddreg [dreg:$0x10];
	[sflag:s11] =	ssyncadd.s32 $0xFFFFC180  }
0x121: {  	[tilespmem:s8], [sflag:$0x2] =	stream.indirect.gather [hbm4b:s3+s7], $0x20, s0, s7, $0xb8;
	[tilespmem:$0x119E0] =	vst v63  }
0x122: {  	s12 =	rddreg [dreg:$0x11]  }
0x123: {  	[spmem:s2] =	stream.indirect.scatter.add.f32 [tilespmem:s9], [sflag:$0x3], $0x20, s12, s7, $0xb8;
	[tilespmem:$0x119E0] =	vst v63  }
0x124: {  	_ =	swait.ge [sflag:s6], $0x3E80  }
0x125: {  	[sflag:s6] =	ssyncset.done $0x0  }
0x126: {  	[sflag:s6] =	ssyncadd.s32 $0xFFFFC180  }
0x127: {  	_ =	swait.ge [sflag:s10], $0x3E80  }
0x128: {  	[sflag:s10] =	ssyncset.done $0x0  }
0x129: {  	s0 =	rddreg [dreg:$0x12];
	[sflag:s10] =	ssyncadd.s32 $0xFFFFC180  }
0x12a: {  	[tilespmem:s9], [sflag:$0x1] =	stream.indirect.gather [hbm4b:s3+s7], $0x20, s0, s7, $0xb8;
	[tilespmem:$0x119E0] =	vst v63  }
0x12b: {  	s12 =	rddreg [dreg:$0x13]  }
0x12c: {  	[spmem:s2] =	stream.indirect.scatter.add.f32 [tilespmem:s8], [sflag:$0x3], $0x20, s12, s7, $0xb8;
	[tilespmem:$0x119E0] =	vst v63  }
0x12d: {  	_ =	swait.ge [sflag:s6], $0x3E80  }
0x12e: {  	[sflag:s6] =	ssyncset.done $0x0  }
0x12f: {  	[sflag:s6] =	ssyncadd.s32 $0xFFFFC180  }
0x130: {  	_ =	swait.ge [sflag:s11], $0x3E80  }
0x131: {  	[sflag:s11] =	ssyncset.done $0x0  }
0x132: {  	s0 =	rddreg [dreg:$0x14];
	[sflag:s11] =	ssyncadd.s32 $0xFFFFC180  }
0x133: {  	[tilespmem:s8], [sflag:$0x2] =	stream.indirect.gather [hbm4b:s3+s7], $0x20, s0, s7, $0xb8;
	[tilespmem:$0x119E0] =	vst v63  }
0x134: {  	s12 =	rddreg [dreg:$0x15]  }
0x135: {  	[spmem:s2] =	stream.indirect.scatter.add.f32 [tilespmem:s9], [sflag:$0x3], $0x20, s12, s7, $0xb8;
	[tilespmem:$0x119E0] =	vst v63  }
0x136: {  	_ =	swait.ge [sflag:s6], $0x3E80  }
0x137: {  	[sflag:s6] =	ssyncset.done $0x0  }
0x138: {  	[sflag:s6] =	ssyncadd.s32 $0xFFFFC180  }
0x139: {  	_ =	swait.ge [sflag:s10], $0x3E80  }
0x13a: {  	[sflag:s10] =	ssyncset.done $0x0  }
0x13b: {  	s0 =	rddreg [dreg:$0x16];
	[sflag:s10] =	ssyncadd.s32 $0xFFFFC180  }
0x13c: {  	[tilespmem:s9], [sflag:$0x1] =	stream.indirect.gather [hbm4b:s3+s7], $0x20, s0, s7, $0xb8;
	[tilespmem:$0x119E0] =	vst v63  }
0x13d: {  	s12 =	rddreg [dreg:$0x17]  }
0x13e: {  	[spmem:s2] =	stream.indirect.scatter.add.f32 [tilespmem:s8], [sflag:$0x3], $0x20, s12, s7, $0xb8;
	[tilespmem:$0x119E0] =	vst v63  }
0x13f: {  	_ =	swait.ge [sflag:s6], $0x3E80  }
0x140: {  	[sflag:s6] =	ssyncset.done $0x0  }
0x141: {  	[sflag:s6] =	ssyncadd.s32 $0xFFFFC180  }
0x142: {  	_ =	swait.ge [sflag:s11], $0x3E80  }
0x143: {  	[sflag:s11] =	ssyncset.done $0x0  }
0x144: {  	s0 =	rddreg [dreg:$0x18];
	[sflag:s11] =	ssyncadd.s32 $0xFFFFC180  }
0x145: {  	[tilespmem:s8], [sflag:$0x2] =	stream.indirect.gather [hbm4b:s3+s7], $0x20, s0, s7, $0xb8;
	[tilespmem:$0x119E0] =	vst v63  }
0x146: {  	s12 =	rddreg [dreg:$0x19]  }
0x147: {  	[spmem:s2] =	stream.indirect.scatter.add.f32 [tilespmem:s9], [sflag:$0x3], $0x20, s12, s7, $0xb8;
	[tilespmem:$0x119E0] =	vst v63  }
0x148: {  	_ =	swait.ge [sflag:s6], $0x3E80  }
0x149: {  	[sflag:s6] =	ssyncset.done $0x0  }
0x14a: {  	[sflag:s6] =	ssyncadd.s32 $0xFFFFC180  }
0x14b: {  	_ =	swait.ge [sflag:s10], $0x3E80  }
0x14c: {  	[sflag:s10] =	ssyncset.done $0x0  }
0x14d: {  	s0 =	rddreg [dreg:$0x1a];
	[sflag:s10] =	ssyncadd.s32 $0xFFFFC180  }
0x14e: {  	[tilespmem:s9], [sflag:$0x1] =	stream.indirect.gather [hbm4b:s3+s7], $0x20, s0, s7, $0xb8;
	[tilespmem:$0x119E0] =	vst v63  }
0x14f: {  	s12 =	rddreg [dreg:$0x1b]  }
0x150: {  	[spmem:s2] =	stream.indirect.scatter.add.f32 [tilespmem:s8], [sflag:$0x3], $0x20, s12, s7, $0xb8;
	[tilespmem:$0x119E0] =	vst v63  }
0x151: {  	_ =	swait.ge [sflag:s6], $0x3E80  }
0x152: {  	[sflag:s6] =	ssyncset.done $0x0  }
0x153: {  	[sflag:s6] =	ssyncadd.s32 $0xFFFFC180  }
0x154: {  	_ =	swait.ge [sflag:s11], $0x3E80  }
0x155: {  	[sflag:s11] =	ssyncset.done $0x0  }
0x156: {  	s0 =	rddreg [dreg:$0x1c];
	[sflag:s11] =	ssyncadd.s32 $0xFFFFC180  }
0x157: {  	[tilespmem:s8], [sflag:$0x2] =	stream.indirect.gather [hbm4b:s3+s7], $0x20, s0, s7, $0xb8;
	[tilespmem:$0x119E0] =	vst v63  }
0x158: {  	s12 =	rddreg [dreg:$0x1d]  }
0x159: {  	[spmem:s2] =	stream.indirect.scatter.add.f32 [tilespmem:s9], [sflag:$0x3], $0x20, s12, s7, $0xb8;
	[tilespmem:$0x119E0] =	vst v63  }
0x15a: {  	_ =	swait.ge [sflag:s6], $0x3E80  }
0x15b: {  	[sflag:s6] =	ssyncset.done $0x0  }
0x15c: {  	[sflag:s6] =	ssyncadd.s32 $0xFFFFC180  }
0x15d: {  	_ =	swait.ge [sflag:s10], $0x3E80  }
0x15e: {  	[sflag:s10] =	ssyncset.done $0x0  }
0x15f: {  	[sflag:s10] =	ssyncadd.s32 $0xFFFFC180  }
0x160: {  	[tilespmem:s9], [sflag:$0x1] =	stream.indirect.gather [hbm4b:s3+s7], $0x20, s29, s7, $0xb8;
	[tilespmem:$0x119E0] =	vst v63  }
0x161: {  	_ = 	snop  }
0x162: {  	[spmem:s2] =	stream.indirect.scatter.add.f32 [tilespmem:s8], [sflag:$0x3], $0x20, s18, s7, $0xb8;
	[tilespmem:$0x119E0] =	vst v63  }
0x163: {  	_ =	swait.ge [sflag:s6], $0x3E80  }
0x164: {  	[sflag:s6] =	ssyncset.done $0x0  }
0x165: {  	[sflag:s6] =	ssyncadd.s32 $0xFFFFC180  }
0x166: {  	_ =	swait.ge [sflag:s11], $0x3E80  }
0x167: {  	[sflag:s11] =	ssyncset.done $0x0  }
0x168: {  	[sflag:s11] =	ssyncadd.s32 $0xFFFFC180  }
0x169: {  	[tilespmem:s8], [sflag:$0x2] =	stream.indirect.gather [hbm4b:s3+s7], $0x20, s26, s7, $0xb8;
	[tilespmem:$0x119E0] =	vst v63  }
0x16a: {  	_ = 	snop  }
0x16b: {  	[spmem:s2] =	stream.indirect.scatter.add.f32 [tilespmem:s9], [sflag:$0x3], $0x20, s28, s7, $0xb8;
	[tilespmem:$0x119E0] =	vst v63  }
0x16c: {  	_ =	swait.ge [sflag:s6], $0x3E80  }
0x16d: {  	[sflag:s6] =	ssyncset.done $0x0  }
0x16e: {  	[sflag:s6] =	ssyncadd.s32 $0xFFFFC180  }
0x16f: {  	_ =	swait.ge [sflag:s10], $0x3E80  }
0x170: {  	[sflag:s10] =	ssyncset.done $0x0  }
0x171: {  	[sflag:s10] =	ssyncadd.s32 $0xFFFFC180  }
0x172: {  	[tilespmem:s9], [sflag:$0x1] =	stream.indirect.gather [hbm4b:s3+s7], $0x20, s24, s7, $0xb8;
	[tilespmem:$0x119E0] =	vst v63  }
0x173: {  	_ = 	snop  }
0x174: {  	[spmem:s2] =	stream.indirect.scatter.add.f32 [tilespmem:s8], [sflag:$0x3], $0x20, s25, s7, $0xb8;
	[tilespmem:$0x119E0] =	vst v63  }
0x175: {  	_ =	swait.ge [sflag:s6], $0x3E80  }
0x176: {  	[sflag:s6] =	ssyncset.done $0x0  }
0x177: {  	[sflag:s6] =	ssyncadd.s32 $0xFFFFC180  }
0x178: {  	_ =	swait.ge [sflag:s11], $0x3E80  }
0x179: {  	[sflag:s11] =	ssyncset.done $0x0  }
0x17a: {  	[sflag:s11] =	ssyncadd.s32 $0xFFFFC180  }
0x17b: {  	[tilespmem:s8], [sflag:$0x2] =	stream.indirect.gather [hbm4b:s3+s7], $0x20, s22, s7, $0xb8;
	[tilespmem:$0x119E0] =	vst v63  }
0x17c: {  	_ = 	snop  }
0x17d: {  	[spmem:s2] =	stream.indirect.scatter.add.f32 [tilespmem:s9], [sflag:$0x3], $0x20, s23, s7, $0xb8;
	[tilespmem:$0x119E0] =	vst v63  }
0x17e: {  	_ =	swait.ge [sflag:s6], $0x3E80  }
0x17f: {  	[sflag:s6] =	ssyncset.done $0x0  }
0x180: {  	[sflag:s6] =	ssyncadd.s32 $0xFFFFC180  }
0x181: {  	_ =	swait.ge [sflag:s10], $0x3E80  }
0x182: {  	[sflag:s10] =	ssyncset.done $0x0  }
0x183: {  	[sflag:s10] =	ssyncadd.s32 $0xFFFFC180  }
0x184: {  	[tilespmem:s9], [sflag:$0x1] =	stream.indirect.gather [hbm4b:s3+s7], $0x20, s20, s7, $0xb8;
	[tilespmem:$0x119E0] =	vst v63  }
0x185: {  	_ = 	snop  }
0x186: {  	[spmem:s2] =	stream.indirect.scatter.add.f32 [tilespmem:s8], [sflag:$0x3], $0x20, s21, s7, $0xb8;
	[tilespmem:$0x119E0] =	vst v63  }
0x187: {  	_ =	swait.ge [sflag:s6], $0x3E80  }
0x188: {  	[sflag:s6] =	ssyncset.done $0x0  }
0x189: {  	[sflag:s6] =	ssyncadd.s32 $0xFFFFC180  }
0x18a: {  	_ =	swait.ge [sflag:s11], $0x3E80  }
0x18b: {  	[sflag:s11] =	ssyncset.done $0x0  }
0x18c: {  	s12 =	simm.s32 $0x2178;
	[sflag:s11] =	ssyncadd.s32 $0xFFFFC180  }
0x18d: {  	[tilespmem:s8], [sflag:$0x2] =	stream.indirect.gather [hbm4b:s3+s7], $0x20, s12, s7, $0xb8;
	[tilespmem:$0x119E0] =	vst v63  }
0x18e: {  	_ = 	snop  }
0x18f: {  	[spmem:s2] =	stream.indirect.scatter.add.f32 [tilespmem:s9], [sflag:$0x3], $0x20, s19, s7, $0xb8;
	[tilespmem:$0x119E0] =	vst v63  }
0x190: {  	_ =	swait.ge [sflag:s6], $0x3E80  }
0x191: {  	[sflag:s6] =	ssyncset.done $0x0  }
0x192: {  	[sflag:s6] =	ssyncadd.s32 $0xFFFFC180  }
0x193: {  	_ =	swait.ge [sflag:s10], $0x3E80  }
0x194: {  	[sflag:s10] =	ssyncset.done $0x0  }
0x195: {  	[sflag:s10] =	ssyncadd.s32 $0xFFFFC180  }
0x196: {  	[tilespmem:s9], [sflag:$0x1] =	stream.indirect.gather [hbm4b:s3+s7], $0x20, s16, s7, $0xb8;
	[tilespmem:$0x119E0] =	vst v63  }
0x197: {  	_ = 	snop  }
0x198: {  	[spmem:s2] =	stream.indirect.scatter.add.f32 [tilespmem:s8], [sflag:$0x3], $0x20, s17, s7, $0xb8;
	[tilespmem:$0x119E0] =	vst v63  }
0x199: {  	_ =	swait.ge [sflag:s6], $0x3E80  }
0x19a: {  	[sflag:s6] =	ssyncset.done $0x0  }
0x19b: {  	[sflag:s6] =	ssyncadd.s32 $0xFFFFC180  }
0x19c: {  	_ =	swait.ge [sflag:s11], $0x3E80  }
0x19d: {  	[sflag:s11] =	ssyncset.done $0x0  }
0x19e: {  	[sflag:s11] =	ssyncadd.s32 $0xFFFFC180  }
0x19f: {  	[tilespmem:s8], [sflag:$0x2] =	stream.indirect.gather [hbm4b:s3+s7], $0x20, s14, s7, $0xb8;
	[tilespmem:$0x119E0] =	vst v63  }
0x1a0: {  	_ = 	snop  }
0x1a1: {  	[spmem:s2] =	stream.indirect.scatter.add.f32 [tilespmem:s9], [sflag:$0x3], $0x20, s15, s7, $0xb8;
	[tilespmem:$0x119E0] =	vst v63  }
0x1a2: {  	_ =	swait.ge [sflag:s6], $0x3E80  }
0x1a3: {  	[sflag:s6] =	ssyncset.done $0x0  }
0x1a4: {  	[sflag:s6] =	ssyncadd.s32 $0xFFFFC180  }
0x1a5: {  	_ =	swait.ge [sflag:s10], $0x3E80  }
0x1a6: {  	[sflag:s10] =	ssyncset.done $0x0  }
0x1a7: {  	[sflag:s10] =	ssyncadd.s32 $0xFFFFC180  }
0x1a8: {  	[spmem:s2] =	stream.indirect.scatter.add.f32 [tilespmem:s8], [sflag:$0x3], $0x20, s13, s7, $0xb8;
	[tilespmem:$0x119E0] =	vst v63  }
0x1a9: {  	_ =	swait.ge [sflag:s6], $0x3E80  }
0x1aa: {  	[sflag:s6] =	ssyncset.done $0x0  }
0x1ab: {  	p1 =	sne.s32 s1, $0x1;
	[sflag:s6] =	ssyncadd.s32 $0xFFFFC180  }
.Ltmp2:
0x1ac: {  	[bflag:$0x0] =	sbarrier.arrive $0xFFFF;
	(pc) =	sbr.rel @p1 .LBB2_4-.Ltmp2, $4  }
0x1ad: {  	s12 =	rddreg [dreg:$0x8]  }
0x1ae: {  	[hbm:s12], [sflag:s4] =	dma.local [spmem:s5], $0x9C4  }
0x1af: {  	_ =	swait.ge [sflag:s6], $0x9C4  }
0x1b0: {  	s1 =	sadd.s32 $0xFFFFFFFF, s1;
	s0 =	rddreg [dreg:$0x5];
	[sflag:s6] =	ssyncset.done $0x0  }
0x1b1: {  	s13 =	simm.s32 $0x3D08;
	s29 =	simm.s32 $0x17A0  }
0x1b2: {  	s28 =	simm.s32 $0x3F00;
	s26 =	simm.s32 $0x1998;
	s25 =	simm.s32 $0x40F8  }
0x1b3: {  	s24 =	simm.s32 $0x1B90;
	s23 =	simm.s32 $0x42F0;
	s22 =	simm.s32 $0x1D88  }
0x1b4: {  	s21 =	simm.s32 $0x44E8;
	s20 =	simm.s32 $0x1F80;
	s19 =	simm.s32 $0x46E0  }
0x1b5: {  	s18 =	simm.s32 $0x2178;
	s17 =	simm.s32 $0x48D8;
	s16 =	simm.s32 $0x2370  }
0x1b6: {  	s15 =	simm.s32 $0x4AD0;
	s14 =	simm.s32 $0x2568;
	s12 =	stileid.u32  }
.LBB2_6:
0x1b7: {  	[sflag:s6] =	ssyncadd.s32 @p0 $0xFFFFF63C  }
0x1b8: {  	[spmem:s5], [sflag:s4] =	dma.local [hbm:s0], $0x9C4  }
0x1b9: {  	_ =	swait.ge [sflag:s6], $0x9C4  }
0x1ba: {  	[sflag:s6] =	ssyncset.done $0x0  }
0x1bb: {  	s1 =	rddreg [dreg:$0x6];
	[sflag:s6] =	ssyncadd.s32 $0xFFFFF63C  }
0x1bc: {  	[tilespmem:s30], [sflag:$0x3] =	stream.linear.gather [hbm4b:s1+s30], $0x2760, $0x38;
	[tilespmem:$0x119E0] =	vst v63  }
0x1bd: {  	_ =	swait.ge [sflag:s6], $0x2760  }
0x1be: {  	[sflag:s6] =	ssyncset.done $0x0  }
0x1bf: {  	s1 =	rddreg [dreg:$0x7];
	[sflag:s6] =	ssyncadd.s32 $0xFFFFD8A0  }
0x1c0: {  	[tilespmem:s31], [sflag:$0x3] =	stream.linear.gather [hbm4b:s1+s30], $0x2760, $0x38;
	[tilespmem:$0x119E0] =	vst v63  }
0x1c1: {  	_ =	swait.ge [sflag:s6], $0x2760  }
0x1c2: {  	[sflag:s6] =	ssyncset.done $0x0  }
0x1c3: {  	[sflag:s6] =	ssyncadd.s32 $0xFFFFD8A0  }
0x1c4: {  	[bflag:$0x0] =	sbarrier.arrive $0xFFFF  }
0x1c5: {  	[tilespmem:s9], [sflag:$0x1] =	stream.indirect.gather [hbm4b:s3+s7], $0x20, s30, s7, $0xb8;
	[tilespmem:$0x119E0] =	vst v63  }
0x1c6: {  	_ =	swait.ge [sflag:s11], $0x3E80  }
0x1c7: {  	[sflag:s11] =	ssyncset.done $0x0  }
0x1c8: {  	s30 =	rddreg [dreg:$0x9];
	[sflag:s11] =	ssyncadd.s32 $0xFFFFC180  }
0x1c9: {  	[tilespmem:s8], [sflag:$0x2] =	stream.indirect.gather [hbm4b:s3+s7], $0x20, s30, s7, $0xb8;
	[tilespmem:$0x119E0] =	vst v63  }
0x1ca: {  	_ = 	snop  }
0x1cb: {  	[spmem:s2] =	stream.indirect.scatter.add.f32 [tilespmem:s9], [sflag:$0x3], $0x20, s31, s7, $0xb8;
	[tilespmem:$0x119E0] =	vst v63  }
0x1cc: {  	_ =	swait.ge [sflag:s6], $0x3E80  }
0x1cd: {  	[sflag:s6] =	ssyncset.done $0x0  }
0x1ce: {  	[sflag:s6] =	ssyncadd.s32 $0xFFFFC180  }
0x1cf: {  	_ =	swait.ge [sflag:s10], $0x3E80  }
0x1d0: {  	[sflag:s10] =	ssyncset.done $0x0  }
0x1d1: {  	s31 =	rddreg [dreg:$0xa];
	[sflag:s10] =	ssyncadd.s32 $0xFFFFC180  }
0x1d2: {  	[tilespmem:s9], [sflag:$0x1] =	stream.indirect.gather [hbm4b:s3+s7], $0x20, s31, s7, $0xb8;
	[tilespmem:$0x119E0] =	vst v63  }
0x1d3: {  	s1 =	rddreg [dreg:$0xb]  }
0x1d4: {  	[spmem:s2] =	stream.indirect.scatter.add.f32 [tilespmem:s8], [sflag:$0x3], $0x20, s1, s7, $0xb8;
	[tilespmem:$0x119E0] =	vst v63  }
0x1d5: {  	_ =	swait.ge [sflag:s6], $0x3E80  }
0x1d6: {  	[sflag:s6] =	ssyncset.done $0x0  }
0x1d7: {  	[sflag:s6] =	ssyncadd.s32 $0xFFFFC180  }
0x1d8: {  	_ =	swait.ge [sflag:s11], $0x3E80  }
0x1d9: {  	[sflag:s11] =	ssyncset.done $0x0  }
0x1da: {  	s30 =	rddreg [dreg:$0xc];
	[sflag:s11] =	ssyncadd.s32 $0xFFFFC180  }
0x1db: {  	[tilespmem:s8], [sflag:$0x2] =	stream.indirect.gather [hbm4b:s3+s7], $0x20, s30, s7, $0xb8;
	[tilespmem:$0x119E0] =	vst v63  }
0x1dc: {  	s31 =	rddreg [dreg:$0xd]  }
0x1dd: {  	[spmem:s2] =	stream.indirect.scatter.add.f32 [tilespmem:s9], [sflag:$0x3], $0x20, s31, s7, $0xb8;
	[tilespmem:$0x119E0] =	vst v63  }
0x1de: {  	_ =	swait.ge [sflag:s6], $0x3E80  }
0x1df: {  	[sflag:s6] =	ssyncset.done $0x0  }
0x1e0: {  	[sflag:s6] =	ssyncadd.s32 $0xFFFFC180  }
0x1e1: {  	_ =	swait.ge [sflag:s10], $0x3E80  }
0x1e2: {  	[sflag:s10] =	ssyncset.done $0x0  }
0x1e3: {  	s30 =	rddreg [dreg:$0xe];
	[sflag:s10] =	ssyncadd.s32 $0xFFFFC180  }
0x1e4: {  	[tilespmem:s9], [sflag:$0x1] =	stream.indirect.gather [hbm4b:s3+s7], $0x20, s30, s7, $0xb8;
	[tilespmem:$0x119E0] =	vst v63  }
0x1e5: {  	s31 =	rddreg [dreg:$0xf]  }
0x1e6: {  	[spmem:s2] =	stream.indirect.scatter.add.f32 [tilespmem:s8], [sflag:$0x3], $0x20, s31, s7, $0xb8;
	[tilespmem:$0x119E0] =	vst v63  }
0x1e7: {  	_ =	swait.ge [sflag:s6], $0x3E80  }
0x1e8: {  	[sflag:s6] =	ssyncset.done $0x0  }
0x1e9: {  	[sflag:s6] =	ssyncadd.s32 $0xFFFFC180  }
0x1ea: {  	_ =	swait.ge [sflag:s11], $0x3E80  }
0x1eb: {  	[sflag:s11] =	ssyncset.done $0x0  }
0x1ec: {  	s30 =	rddreg [dreg:$0x10];
	[sflag:s11] =	ssyncadd.s32 $0xFFFFC180  }
0x1ed: {  	[tilespmem:s8], [sflag:$0x2] =	stream.indirect.gather [hbm4b:s3+s7], $0x20, s30, s7, $0xb8;
	[tilespmem:$0x119E0] =	vst v63  }
0x1ee: {  	s31 =	rddreg [dreg:$0x11]  }
0x1ef: {  	[spmem:s2] =	stream.indirect.scatter.add.f32 [tilespmem:s9], [sflag:$0x3], $0x20, s31, s7, $0xb8;
	[tilespmem:$0x119E0] =	vst v63  }
0x1f0: {  	_ =	swait.ge [sflag:s6], $0x3E80  }
0x1f1: {  	[sflag:s6] =	ssyncset.done $0x0  }
0x1f2: {  	[sflag:s6] =	ssyncadd.s32 $0xFFFFC180  }
0x1f3: {  	_ =	swait.ge [sflag:s10], $0x3E80  }
0x1f4: {  	[sflag:s10] =	ssyncset.done $0x0  }
0x1f5: {  	s30 =	rddreg [dreg:$0x12];
	[sflag:s10] =	ssyncadd.s32 $0xFFFFC180  }
0x1f6: {  	[tilespmem:s9], [sflag:$0x1] =	stream.indirect.gather [hbm4b:s3+s7], $0x20, s30, s7, $0xb8;
	[tilespmem:$0x119E0] =	vst v63  }
0x1f7: {  	s31 =	rddreg [dreg:$0x13]  }
0x1f8: {  	[spmem:s2] =	stream.indirect.scatter.add.f32 [tilespmem:s8], [sflag:$0x3], $0x20, s31, s7, $0xb8;
	[tilespmem:$0x119E0] =	vst v63  }
0x1f9: {  	_ =	swait.ge [sflag:s6], $0x3E80  }
0x1fa: {  	[sflag:s6] =	ssyncset.done $0x0  }
0x1fb: {  	[sflag:s6] =	ssyncadd.s32 $0xFFFFC180  }
0x1fc: {  	_ =	swait.ge [sflag:s11], $0x3E80  }
0x1fd: {  	[sflag:s11] =	ssyncset.done $0x0  }
0x1fe: {  	s30 =	rddreg [dreg:$0x14];
	[sflag:s11] =	ssyncadd.s32 $0xFFFFC180  }
0x1ff: {  	[tilespmem:s8], [sflag:$0x2] =	stream.indirect.gather [hbm4b:s3+s7], $0x20, s30, s7, $0xb8;
	[tilespmem:$0x119E0] =	vst v63  }
0x200: {  	s31 =	rddreg [dreg:$0x15]  }
0x201: {  	[spmem:s2] =	stream.indirect.scatter.add.f32 [tilespmem:s9], [sflag:$0x3], $0x20, s31, s7, $0xb8;
	[tilespmem:$0x119E0] =	vst v63  }
0x202: {  	_ =	swait.ge [sflag:s6], $0x3E80  }
0x203: {  	[sflag:s6] =	ssyncset.done $0x0  }
0x204: {  	[sflag:s6] =	ssyncadd.s32 $0xFFFFC180  }
0x205: {  	_ =	swait.ge [sflag:s10], $0x3E80  }
0x206: {  	[sflag:s10] =	ssyncset.done $0x0  }
0x207: {  	s30 =	rddreg [dreg:$0x16];
	[sflag:s10] =	ssyncadd.s32 $0xFFFFC180  }
0x208: {  	[tilespmem:s9], [sflag:$0x1] =	stream.indirect.gather [hbm4b:s3+s7], $0x20, s30, s7, $0xb8;
	[tilespmem:$0x119E0] =	vst v63  }
0x209: {  	s31 =	rddreg [dreg:$0x17]  }
0x20a: {  	[spmem:s2] =	stream.indirect.scatter.add.f32 [tilespmem:s8], [sflag:$0x3], $0x20, s31, s7, $0xb8;
	[tilespmem:$0x119E0] =	vst v63  }
0x20b: {  	_ =	swait.ge [sflag:s6], $0x3E80  }
0x20c: {  	[sflag:s6] =	ssyncset.done $0x0  }
0x20d: {  	[sflag:s6] =	ssyncadd.s32 $0xFFFFC180  }
0x20e: {  	_ =	swait.ge [sflag:s11], $0x3E80  }
0x20f: {  	[sflag:s11] =	ssyncset.done $0x0  }
0x210: {  	s30 =	rddreg [dreg:$0x18];
	[sflag:s11] =	ssyncadd.s32 $0xFFFFC180  }
0x211: {  	[tilespmem:s8], [sflag:$0x2] =	stream.indirect.gather [hbm4b:s3+s7], $0x20, s30, s7, $0xb8;
	[tilespmem:$0x119E0] =	vst v63  }
0x212: {  	s31 =	rddreg [dreg:$0x19]  }
0x213: {  	[spmem:s2] =	stream.indirect.scatter.add.f32 [tilespmem:s9], [sflag:$0x3], $0x20, s31, s7, $0xb8;
	[tilespmem:$0x119E0] =	vst v63  }
0x214: {  	_ =	swait.ge [sflag:s6], $0x3E80  }
0x215: {  	[sflag:s6] =	ssyncset.done $0x0  }
0x216: {  	[sflag:s6] =	ssyncadd.s32 $0xFFFFC180  }
0x217: {  	_ =	swait.ge [sflag:s10], $0x3E80  }
0x218: {  	[sflag:s10] =	ssyncset.done $0x0  }
0x219: {  	s30 =	rddreg [dreg:$0x1a];
	[sflag:s10] =	ssyncadd.s32 $0xFFFFC180  }
0x21a: {  	[tilespmem:s9], [sflag:$0x1] =	stream.indirect.gather [hbm4b:s3+s7], $0x20, s30, s7, $0xb8;
	[tilespmem:$0x119E0] =	vst v63  }
0x21b: {  	s31 =	rddreg [dreg:$0x1b]  }
0x21c: {  	[spmem:s2] =	stream.indirect.scatter.add.f32 [tilespmem:s8], [sflag:$0x3], $0x20, s31, s7, $0xb8;
	[tilespmem:$0x119E0] =	vst v63  }
0x21d: {  	_ =	swait.ge [sflag:s6], $0x3E80  }
0x21e: {  	[sflag:s6] =	ssyncset.done $0x0  }
0x21f: {  	[sflag:s6] =	ssyncadd.s32 $0xFFFFC180  }
0x220: {  	_ =	swait.ge [sflag:s11], $0x3E80  }
0x221: {  	[sflag:s11] =	ssyncset.done $0x0  }
0x222: {  	s30 =	rddreg [dreg:$0x1c];
	[sflag:s11] =	ssyncadd.s32 $0xFFFFC180  }
0x223: {  	[tilespmem:s8], [sflag:$0x2] =	stream.indirect.gather [hbm4b:s3+s7], $0x20, s30, s7, $0xb8;
	[tilespmem:$0x119E0] =	vst v63  }
0x224: {  	s31 =	rddreg [dreg:$0x1d]  }
0x225: {  	[spmem:s2] =	stream.indirect.scatter.add.f32 [tilespmem:s9], [sflag:$0x3], $0x20, s31, s7, $0xb8;
	[tilespmem:$0x119E0] =	vst v63  }
0x226: {  	_ =	swait.ge [sflag:s6], $0x3E80  }
0x227: {  	[sflag:s6] =	ssyncset.done $0x0  }
0x228: {  	[sflag:s6] =	ssyncadd.s32 $0xFFFFC180  }
0x229: {  	_ =	swait.ge [sflag:s10], $0x3E80  }
0x22a: {  	[sflag:s10] =	ssyncset.done $0x0  }
0x22b: {  	[sflag:s10] =	ssyncadd.s32 $0xFFFFC180  }
0x22c: {  	[tilespmem:s9], [sflag:$0x1] =	stream.indirect.gather [hbm4b:s3+s7], $0x20, s29, s7, $0xb8;
	[tilespmem:$0x119E0] =	vst v63  }
0x22d: {  	_ = 	snop  }
0x22e: {  	[spmem:s2] =	stream.indirect.scatter.add.f32 [tilespmem:s8], [sflag:$0x3], $0x20, s13, s7, $0xb8;
	[tilespmem:$0x119E0] =	vst v63  }
0x22f: {  	_ =	swait.ge [sflag:s6], $0x3E80  }
0x230: {  	[sflag:s6] =	ssyncset.done $0x0  }
0x231: {  	[sflag:s6] =	ssyncadd.s32 $0xFFFFC180  }
0x232: {  	_ =	swait.ge [sflag:s11], $0x3E80  }
0x233: {  	[sflag:s11] =	ssyncset.done $0x0  }
0x234: {  	[sflag:s11] =	ssyncadd.s32 $0xFFFFC180  }
0x235: {  	[tilespmem:s8], [sflag:$0x2] =	stream.indirect.gather [hbm4b:s3+s7], $0x20, s26, s7, $0xb8;
	[tilespmem:$0x119E0] =	vst v63  }
0x236: {  	_ = 	snop  }
0x237: {  	[spmem:s2] =	stream.indirect.scatter.add.f32 [tilespmem:s9], [sflag:$0x3], $0x20, s28, s7, $0xb8;
	[tilespmem:$0x119E0] =	vst v63  }
0x238: {  	_ =	swait.ge [sflag:s6], $0x3E80  }
0x239: {  	[sflag:s6] =	ssyncset.done $0x0  }
0x23a: {  	[sflag:s6] =	ssyncadd.s32 $0xFFFFC180  }
0x23b: {  	_ =	swait.ge [sflag:s10], $0x3E80  }
0x23c: {  	[sflag:s10] =	ssyncset.done $0x0  }
0x23d: {  	[sflag:s10] =	ssyncadd.s32 $0xFFFFC180  }
0x23e: {  	[tilespmem:s9], [sflag:$0x1] =	stream.indirect.gather [hbm4b:s3+s7], $0x20, s24, s7, $0xb8;
	[tilespmem:$0x119E0] =	vst v63  }
0x23f: {  	_ = 	snop  }
0x240: {  	[spmem:s2] =	stream.indirect.scatter.add.f32 [tilespmem:s8], [sflag:$0x3], $0x20, s25, s7, $0xb8;
	[tilespmem:$0x119E0] =	vst v63  }
0x241: {  	_ =	swait.ge [sflag:s6], $0x3E80  }
0x242: {  	[sflag:s6] =	ssyncset.done $0x0  }
0x243: {  	[sflag:s6] =	ssyncadd.s32 $0xFFFFC180  }
0x244: {  	_ =	swait.ge [sflag:s11], $0x3E80  }
0x245: {  	[sflag:s11] =	ssyncset.done $0x0  }
0x246: {  	[sflag:s11] =	ssyncadd.s32 $0xFFFFC180  }
0x247: {  	[tilespmem:s8], [sflag:$0x2] =	stream.indirect.gather [hbm4b:s3+s7], $0x20, s22, s7, $0xb8;
	[tilespmem:$0x119E0] =	vst v63  }
0x248: {  	_ = 	snop  }
0x249: {  	[spmem:s2] =	stream.indirect.scatter.add.f32 [tilespmem:s9], [sflag:$0x3], $0x20, s23, s7, $0xb8;
	[tilespmem:$0x119E0] =	vst v63  }
0x24a: {  	_ =	swait.ge [sflag:s6], $0x3E80  }
0x24b: {  	[sflag:s6] =	ssyncset.done $0x0  }
0x24c: {  	[sflag:s6] =	ssyncadd.s32 $0xFFFFC180  }
0x24d: {  	_ =	swait.ge [sflag:s10], $0x3E80  }
0x24e: {  	[sflag:s10] =	ssyncset.done $0x0  }
0x24f: {  	[sflag:s10] =	ssyncadd.s32 $0xFFFFC180  }
0x250: {  	[tilespmem:s9], [sflag:$0x1] =	stream.indirect.gather [hbm4b:s3+s7], $0x20, s20, s7, $0xb8;
	[tilespmem:$0x119E0] =	vst v63  }
0x251: {  	_ = 	snop  }
0x252: {  	[spmem:s2] =	stream.indirect.scatter.add.f32 [tilespmem:s8], [sflag:$0x3], $0x20, s21, s7, $0xb8;
	[tilespmem:$0x119E0] =	vst v63  }
0x253: {  	_ =	swait.ge [sflag:s6], $0x3E80  }
0x254: {  	[sflag:s6] =	ssyncset.done $0x0  }
0x255: {  	[sflag:s6] =	ssyncadd.s32 $0xFFFFC180  }
0x256: {  	_ =	swait.ge [sflag:s11], $0x3E80  }
0x257: {  	[sflag:s11] =	ssyncset.done $0x0  }
0x258: {  	[sflag:s11] =	ssyncadd.s32 $0xFFFFC180  }
0x259: {  	[tilespmem:s8], [sflag:$0x2] =	stream.indirect.gather [hbm4b:s3+s7], $0x20, s18, s7, $0xb8;
	[tilespmem:$0x119E0] =	vst v63  }
0x25a: {  	_ = 	snop  }
0x25b: {  	[spmem:s2] =	stream.indirect.scatter.add.f32 [tilespmem:s9], [sflag:$0x3], $0x20, s19, s7, $0xb8;
	[tilespmem:$0x119E0] =	vst v63  }
0x25c: {  	_ =	swait.ge [sflag:s6], $0x3E80  }
0x25d: {  	[sflag:s6] =	ssyncset.done $0x0  }
0x25e: {  	[sflag:s6] =	ssyncadd.s32 $0xFFFFC180  }
0x25f: {  	_ =	swait.ge [sflag:s10], $0x3E80  }
0x260: {  	[sflag:s10] =	ssyncset.done $0x0  }
0x261: {  	[sflag:s10] =	ssyncadd.s32 $0xFFFFC180  }
0x262: {  	[tilespmem:s9], [sflag:$0x1] =	stream.indirect.gather [hbm4b:s3+s7], $0x20, s16, s7, $0xb8;
	[tilespmem:$0x119E0] =	vst v63  }
0x263: {  	_ = 	snop  }
0x264: {  	[spmem:s2] =	stream.indirect.scatter.add.f32 [tilespmem:s8], [sflag:$0x3], $0x20, s17, s7, $0xb8;
	[tilespmem:$0x119E0] =	vst v63  }
0x265: {  	_ =	swait.ge [sflag:s6], $0x3E80  }
0x266: {  	[sflag:s6] =	ssyncset.done $0x0  }
0x267: {  	[sflag:s6] =	ssyncadd.s32 $0xFFFFC180  }
0x268: {  	_ =	swait.ge [sflag:s11], $0x3E80  }
0x269: {  	[sflag:s11] =	ssyncset.done $0x0  }
0x26a: {  	[sflag:s11] =	ssyncadd.s32 $0xFFFFC180  }
0x26b: {  	[tilespmem:s8], [sflag:$0x2] =	stream.indirect.gather [hbm4b:s3+s7], $0x20, s14, s7, $0xb8;
	[tilespmem:$0x119E0] =	vst v63  }
0x26c: {  	_ = 	snop  }
0x26d: {  	[spmem:s2] =	stream.indirect.scatter.add.f32 [tilespmem:s9], [sflag:$0x3], $0x20, s15, s7, $0xb8;
	[tilespmem:$0x119E0] =	vst v63  }
0x26e: {  	_ =	swait.ge [sflag:s6], $0x3E80  }
0x26f: {  	[sflag:s6] =	ssyncset.done $0x0  }
0x270: {  	[sflag:s6] =	ssyncadd.s32 $0xFFFFC180  }
0x271: {  	_ =	swait.ge [sflag:s10], $0x3E80  }
0x272: {  	[sflag:s10] =	ssyncset.done $0x0  }
0x273: {  	s30 =	simm.s32 $0x4CC8;
	[sflag:s10] =	ssyncadd.s32 $0xFFFFC180  }
0x274: {  	[spmem:s2] =	stream.indirect.scatter.add.f32 [tilespmem:s8], [sflag:$0x3], $0x20, s30, s7, $0xb8;
	[tilespmem:$0x119E0] =	vst v63  }
0x275: {  	_ =	swait.ge [sflag:s6], $0x3E80  }
0x276: {  	[sflag:s6] =	ssyncset.done $0x0  }
0x277: {  	[sflag:s6] =	ssyncadd.s32 $0xFFFFC180  }
0x278: {  	[bflag:$0x0] =	sbarrier.arrive $0xFFFF  }
0x279: {  	s31 =	rddreg [dreg:$0x8]  }
0x27a: {  	[hbm:s31], [sflag:s4] =	dma.local [spmem:s5], $0x9C4  }
0x27b: {  	_ =	swait.ge [sflag:s6], $0x9C4  }
0x27c: {  	[sflag:s6] =	ssyncset.done $0x0  }
0x27d: {  	[sflag:s6] =	ssyncadd.s32 $0xFFFFF63C  }
0x27e: {  	_ =	sfence.sel $0x180000  }
0x27f: {  	[bflag:$0x0] =	sbarrier.arrive $0xFFFF  }
0x280: {  	_ =	strace $0x9000004D  }
0x281: {  	[bflag:$0x2] =	sbarrier.arrive $0xFFFF  }
0x282: {  	p0 =	sne.s32 s12, $0x0;
	s0 =	rddreg [dreg:$0x4]  }
0x283: {  	s0 =	sadd.s32 @!p0 $0x100000, s0  }
0x284: {  	[sflag:s0] =	ssyncadd.tile.s32 @!p0 $0x1;
	_ =	shalt  }
.LBB2_1:
0x285: {  	s13 =	simm.s32 $0x3D08;
	s29 =	simm.s32 $0x17A0  }
.Ltmp3:
0x286: {  	s28 =	simm.s32 $0x3F00;
	s26 =	simm.s32 $0x1998;
	(pc) =	sbr.rel .LBB2_6-.Ltmp3, $4  }
0x287: {  	s25 =	simm.s32 $0x40F8;
	s24 =	simm.s32 $0x1B90;
	s23 =	simm.s32 $0x42F0  }
0x288: {  	s22 =	simm.s32 $0x1D88;
	s21 =	simm.s32 $0x44E8;
	s20 =	simm.s32 $0x1F80  }
0x289: {  	s19 =	simm.s32 $0x46E0;
	s18 =	simm.s32 $0x2178;
	s17 =	simm.s32 $0x48D8  }
0x28a: {  	s16 =	simm.s32 $0x2370;
	s15 =	simm.s32 $0x4AD0;
	s14 =	simm.s32 $0x2568  }
.LBB2_3:
0x28b: {  	s13 =	simm.s32 $0x3D08;
	s29 =	simm.s32 $0x17A0;
	s28 =	simm.s32 $0x3F00  }
.Ltmp4:
0x28c: {  	s26 =	simm.s32 $0x1998;
	s25 =	simm.s32 $0x40F8;
	(pc) =	sbr.rel .LBB2_6-.Ltmp4, $4  }
0x28d: {  	s24 =	simm.s32 $0x1B90;
	s23 =	simm.s32 $0x42F0;
	s22 =	simm.s32 $0x1D88  }
0x28e: {  	s21 =	simm.s32 $0x44E8;
	s20 =	simm.s32 $0x1F80;
	s19 =	simm.s32 $0x46E0  }
0x28f: {  	s18 =	simm.s32 $0x2178;
	s17 =	simm.s32 $0x48D8;
	s16 =	simm.s32 $0x2370  }
0x290: {  	s15 =	simm.s32 $0x4AD0;
	s14 =	simm.s32 $0x2568;
	s12 =	stileid.u32  }
.Lfunc_end2:
_tile_overlayer_lowered:
.L_overlay_start_2:
0x291: {  	(tag) =	ssettag $0x2  }
0x292: {  	s0 =	rddreg [dreg:$0x0];
	s2 =	stileid.u32  }
0x293: {  	s1 =	rddreg [dreg:$0x1];
	p0 =	sne.s32 s2, $0x0  }
0x294: {  	s3 =	rddreg [dreg:$0x2];
	[bflag:$0x3] =	sbarrier.arrive $0xFFFF;
	s2 =	simm.s32 @!p0 $0x1C03  }
0x295: {  	[timem:s3], [sflag:s2] =	dma.local @!p0 [hbm:s0], s1  }
0x296: {  	s0 =	simm.s32 @!p0 $0x3  }
0x297: {  	_ =	swait.ge @!p0 [sflag:s0], s1  }
0x298: {  	s1 =	ssub.s32 @!p0 $0x0, s1;
	[sflag:s0] =	ssyncset.done @!p0 $0x0  }
0x299: {  	[sflag:s0] =	ssyncadd.s32 @!p0 s1  }
0x29a: {  	[bflag:$0x3] =	sbarrier.arrive $0xFFFF  }
0x29b: {  	_ =	shalt  }

// kernel: kernel.9.cloned.1.call-start
scs
__scs_entry_jumppad:
0x0: {  	(pc) =	sbr.rel $0x88, $3  }
0x1: {  	(tag) =	ssettag $0x0;
	lr =	simm.s32 $0x1  }
0x2: {  	[smem:$0x3F9C] =	sst lr;
	_ =	strace $0xD0000000  }
0x3: {  	_ = 	snop  }
0x4: {  	_ = 	snop  }
0x5: {  	_ = 	snop  }
0x6: {  	_ = 	snop  }
0x7: {  	_ = 	snop  }
__scs_overlays_trampoline_lowered:
0x8: {  	[smem:$0x3FAB] =	sst s0  }
0x9: {  	[smem:$0x3FAC] =	sst s1  }
0xa: {  	[smem:$0x3FAD] =	sst s2  }
0xb: {  	[smem:$0x3FAE] =	sst s3  }
0xc: {  	[smem:$0x3FAF] =	sst s4  }
0xd: {  	[smem:$0x3FB0] =	sst s5  }
0xe: {  	[smem:$0x3FB1] =	sst s6  }
0xf: {  	[smem:$0x3FB2] =	sst s7  }
0x10: {  	[smem:$0x3FB3] =	sst s8  }
0x11: {  	[smem:$0x3FB4] =	sst s9;
	s0 =	simm.s32 @!p0 $0x0  }
0x12: {  	s1 =	sld [smem:$0x3F9A];
	s0 =	simm.s32 @p0 $0x1  }
0x13: {  	[smem:$0x3FB5] =	sst s0;
	s0 =	simm.s32 @!p1 $0x0  }
0x14: {  	s2 =	sld [smem:$0x3F99];
	s0 =	simm.s32 @p1 $0x1  }
0x15: {  	[smem:$0x3FB6] =	sst s0;
	s0 =	simm.s32 @!p2 $0x0  }
0x16: {  	s3 =	sld [smem:$0x3FDB];
	s0 =	simm.s32 @p2 $0x1  }
0x17: {  	s4 =	simm.s32 $0x1BF5;
	[smem:$0x3FB8] =	sst s0  }
0x18: {  	s0 =	sld [smem:$0x3F9B];
	_ =	swait.ge [sflag:s4], $0x0  }
0x19: {  	s7 =	sld [smem:$0x3F9C]  }
0x1a: {  	s8 =	sadd.s32 $0xFFFFE003, lr  }
0x1b: {  	s9 =	sadd.s32 $0xFFFFFEF7, lr;
	s5 =	simm.s32 $0xFFFFFFFF;
	p2 =	slt.u32 s8, $0xFFFFF086  }
0x1c: {  	p1 =	slt.u32 s9, $0xF7A;
	s5 =	simm.s32 @!p2 $0x0  }
0x1d: {  	s5 =	simm.s32 @p1 $0x1;
	p0 =	seq.s32 s7, s2  }
0x1e: {  	s7 =	smul.u32 @!p0 $0xF7A, s2;
	p2 =	seq.s32 @!p0 s5, $0x0  }
0x1f: {  	s9 =	smul.u32 $0xF7A, s1;
	s8 =	simm.s32 @!p0 $0x1BF5;
	p2 =	por !p2, p0  }
0x20: {  	[sflag:s8] =	ssyncset.s32 @!p0 $0xFFFFF086;
	s6 =	sadd.s32 @!p0 s3, s7;
	s7 =	simm.s32 @!p0 $0x108  }
0x21: {  	s3 =	sadd.s32 s3, s9;
	s6 =	sadd.s32 @!p0 $0x88, s6;
	s7 =	simm.s32 @p2 $0x1082  }
0x22: {  	[simem:s7], [sflag:s8] =	dma.local @!p0 [hbm:s6], $0xF7A  }
0x23: {  	s9 =	sor.u32 $0xD0000000, s2;
	s6 =	simm.s32 $0x108;
	_ =	swait.ge @!p0 [sflag:s8], $0x0  }
0x24: {  	s3 =	sadd.s32 $0x88, s3;
	s6 =	simm.s32 @!p1 $0x1082;
	[sflag:s4] =	ssyncset.s32 $0xFFFFF086  }
0x25: {  	[simem:s6], [sflag:s4] =	dma.local [hbm:s3], $0xF7A  }
0x26: {  	[smem:$0x3F9C] =	sst s1;
	(tag) =	ssettag s2;
	_ =	strace s9  }
0x27: {  	s1 =	sld [smem:$0x3FAC]  }
0x28: {  	s2 =	sld [smem:$0x3FAD]  }
0x29: {  	s4 =	sld [smem:$0x3FAF]  }
0x2a: {  	p0 =	seq.s32 s5, $0x0;
	s5 =	sld [smem:$0x3FB0]  }
0x2b: {  	s6 =	sld [smem:$0x3FB1]  }
0x2c: {  	s7 =	sld [smem:$0x3FB2]  }
0x2d: {  	s3 =	simm.s32 $0x108;
	s8 =	sld [smem:$0x3FB3]  }
0x2e: {  	s3 =	simm.s32 @!p0 $0x1082;
	s9 =	sld [smem:$0x3FB4]  }
0x2f: {  	lr =	sadd.s32 s0, s3;
	s0 =	sld [smem:$0x3FAB]  }
0x30: {  	s3 =	sld [smem:$0x3FAE]  }
0x31: {  	[smem:$0x3FB7] =	sst s10  }
0x32: {  	s10 =	sld [smem:$0x3FB5];
	_ =	sdelay $0x3  }
0x33: {  	p0 =	seq.s32 s10, $0x1;
	s10 =	sld [smem:$0x3FB7];
	_ =	sdelay $0x3  }
0x34: {  	[smem:$0x3FB7] =	sst s10  }
0x35: {  	s10 =	sld [smem:$0x3FB6];
	_ =	sdelay $0x3  }
0x36: {  	p1 =	seq.s32 s10, $0x1;
	s10 =	sld [smem:$0x3FB7];
	_ =	sdelay $0x3  }
0x37: {  	[smem:$0x3FB7] =	sst s10  }
0x38: {  	s10 =	sld [smem:$0x3FB8]  }
0x39: {  	_ = 	snop;
	(pc) =	sbr.ind lr, $3  }
0x3a: {  	_ = 	snop  }
0x3b: {  	_ = 	snop  }
0x3c: {  	p2 =	seq.s32 s10, $0x1;
	s10 =	sld [smem:$0x3FB7]  }
0x3d: {  	_ =	shalt  }
0x3e: {  	_ =	shalt  }
0x3f: {  	_ =	shalt  }
0x40: {  	_ =	shalt  }
0x41: {  	_ =	shalt  }
0x42: {  	_ =	shalt  }
0x43: {  	_ =	shalt  }
0x44: {  	_ =	shalt  }
0x45: {  	_ =	shalt  }
0x46: {  	_ =	shalt  }
0x47: {  	_ =	shalt  }
0x48: {  	_ =	shalt  }
0x49: {  	_ =	shalt  }
0x4a: {  	_ =	shalt  }
0x4b: {  	_ =	shalt  }
0x4c: {  	_ =	shalt  }
0x4d: {  	_ =	shalt  }
0x4e: {  	_ =	shalt  }
0x4f: {  	_ =	shalt  }
0x50: {  	_ =	shalt  }
0x51: {  	_ =	shalt  }
0x52: {  	_ =	shalt  }
0x53: {  	_ =	shalt  }
0x54: {  	_ =	shalt  }
0x55: {  	_ =	shalt  }
0x56: {  	_ =	shalt  }
0x57: {  	_ =	shalt  }
0x58: {  	_ =	shalt  }
0x59: {  	_ =	shalt  }
0x5a: {  	_ =	shalt  }
0x5b: {  	_ =	shalt  }
0x5c: {  	_ =	shalt  }
0x5d: {  	_ =	shalt  }
0x5e: {  	_ =	shalt  }
0x5f: {  	_ =	shalt  }
0x60: {  	_ =	shalt  }
0x61: {  	_ =	shalt  }
0x62: {  	_ =	shalt  }
0x63: {  	_ =	shalt  }
0x64: {  	_ =	shalt  }
0x65: {  	_ =	shalt  }
0x66: {  	_ =	shalt  }
0x67: {  	_ =	shalt  }
0x68: {  	_ =	shalt  }
0x69: {  	_ =	shalt  }
0x6a: {  	_ =	shalt  }
0x6b: {  	_ =	shalt  }
0x6c: {  	_ =	shalt  }
0x6d: {  	_ =	shalt  }
0x6e: {  	_ =	shalt  }
0x6f: {  	_ =	shalt  }
0x70: {  	_ =	shalt  }
0x71: {  	_ =	shalt  }
0x72: {  	_ =	shalt  }
0x73: {  	_ =	shalt  }
0x74: {  	_ =	shalt  }
0x75: {  	_ =	shalt  }
0x76: {  	_ =	shalt  }
0x77: {  	_ =	shalt  }
0x78: {  	_ =	shalt  }
0x79: {  	_ =	shalt  }
0x7a: {  	_ =	shalt  }
0x7b: {  	_ =	shalt  }
0x7c: {  	_ =	shalt  }
0x7d: {  	_ =	shalt  }
0x7e: {  	_ =	shalt  }
0x7f: {  	_ =	shalt  }
0x80: {  	_ =	shalt  }
0x81: {  	_ =	shalt  }
0x82: {  	_ =	shalt  }
0x83: {  	_ =	shalt  }
0x84: {  	_ =	shalt  }
0x85: {  	_ =	shalt  }
0x86: {  	_ =	shalt  }
0x87: {  	_ =	shalt  }
.Lfunc_end0:
.L_simem_size_0:
called_computation_lowered:
.L_overlay_start_0:
0x88: {  	s2 =	sld [smem:$0x3FD9]  }
0x89: {  	s3 =	sld [smem:$0x3FFE];
	_ =	sdelay $0x1  }
0x8a: {  	s1 =	srdreg.scid  }
0x8b: {  	s0 =	sand.u32 $0x1, s1  }
0x8c: {  	s14 =	sshll.u32 s0, $0xA;
	s2 =	sadd.s32 s3, s2  }
0x8d: {  	s2 =	sadd.s32 s2, s14  }
0x8e: {  	[smem:$0x3FC3] =	sst s2  }
0x8f: {  	_ = 	snop  }
0x90: {  	s2 =	sld [smem:$0x3FD0];
	_ =	sdelay $0x2  }
0x91: {  	s15 =	simm.s32 $0xA;
	s4 =	simm.s32 $0x10  }
0x92: {  	[smem:s4], [sflag:s15] =	dma.local [hbm:s2], $0x1  }
0x93: {  	_ =	swait.eq [sflag:s15], $0x1  }
0x94: {  	[sflag:s15] =	ssyncset.done $0x0  }
0x95: {  	[sflag:s15] =	ssyncadd.s32 $0xFFFFFFFF  }
0x96: {  	s16 =	sld [smem:$0x10];
	(tm) =	ssettm $0x1  }
0x97: {  	s17 =	sld [smem:$0x3FFB];
	_ =	sdelay $0x3  }
0x98: {  	_ =	strace s17  }
0x99: {  	s3 =	sld [smem:$0x3FFC];
	_ =	sdelay $0x3  }
0x9a: {  	_ =	strace s3  }
0x9b: {  	s3 =	sld [smem:$0x3FFD];
	_ =	sdelay $0x3  }
0x9c: {  	_ =	strace s3  }
0x9d: {  	_ =	strace $0x8FFFFFFF  }
0x9e: {  	s18 =	sld [smem:$0x3FDB];
	_ =	sdelay $0x1  }
0x9f: {  	s19 =	simm.s32 $_scs_section_size  }
0xa0: {  	s5 =	simm.s32 $_size__tile_overlayer_lowered;
	s6 =	simm.s32 $_tile_overlayer_lowered  }
0xa1: {  	s22 =	simm.s32 $0x1BFF;
	s21 =	sshll.u32 s6, $0x1;
	s3 =	sadd.s32 s19, s18  }
0xa2: {  	s7 =	simm.s32 $0x0;
	s20 =	sshll.u32 s5, $0x1;
	s5 =	sadd.s32 s21, s3  }
0xa3: {  	[timem:s7], [sflag:s22] =	dma.local [hbm:s5], s20  }
0xa4: {  	_ =	swait.ge [sflag:s22], s20  }
0xa5: {  	s4 =	ssub.s32 $0x0, s20;
	[sflag:s22] =	ssyncset.done $0x0  }
0xa6: {  	[sflag:s22] =	ssyncadd.s32 s4;
	_ =	sdelay $0x1  }
0xa7: {  	s23 =	simm.s32 $0x1B8B  }
0xa8: {  	_ =	swait.ge [sflag:s23], $0x1  }
0xa9: {  	[sflag:s23] =	ssyncset.done $0x0  }
0xaa: {  	s25 =	simm.s32 $0x1B8E;
	s24 =	sld [smem:$0x3FFE];
	[sflag:s23] =	ssyncadd.s32 $0xFFFFFFFF  }
0xab: {  	s26 =	simm.s32 $execute0_lowered;
	[smem:$0x3FD2] =	sst s25  }
0xac: {  	s5 =	sshll.u32 s26, $0x1;
	_ =	strace $0x80000046;
	[dreg:$0x1] =	wrdreg $0xFFFFFFFF  }
0xad: {  	s28 =	simm.s32 $_size_execute0_lowered;
	s3 =	sadd.s32 s3, s5;
	[dreg:$0x0] =	wrdreg $0x0  }
0xae: {  	s5 =	sshll.u32 s28, $0x1;
	[dreg:$0x2] =	wrdreg s3  }
0xaf: {  	[dreg:$0x3] =	wrdreg s5  }
0xb0: {  	[dreg:$0x4] =	wrdreg $0xC0  }
0xb1: {  	_ =	task [dreg:s7], $0x5FFFF  }
0xb2: {  	[dreg:$0x1] =	wrdreg $0xFFFFFFFF  }
0xb3: {  	[dreg:$0x0] =	wrdreg $0x60  }
0xb4: {  	[dreg:$0x2] =	wrdreg s24  }
0xb5: {  	[dreg:$0x3] =	wrdreg s16  }
0xb6: {  	[dreg:$0x4] =	wrdreg $0x9  }
0xb7: {  	_ =	task.clear_ibuf [dreg:s7], $0x5FFFF;
	_ =	strace $0x90000046  }
0xb8: {  	s29 =	simm.s32 $0x9;
	_ =	strace $0x80000048  }
0xb9: {  	_ =	swait.ge [sflag:s29], $0x1  }
0xba: {  	[sflag:s29] =	ssyncadd.s32 $0xFFFFFFFF  }
0xbb: {  	_ =	strace $0x90000048  }
0xbc: {  	_ =	sfence  }
0xbd: {  	s30 =	sld [smem:$0x0];
	_ =	sdelay $0x2  }
0xbe: {  	s31 =	sshll.u32 s1, $0xD;
	s1 =	sshrl.u32 s1, $0x2  }
0xbf: {  	s3 =	sand.u32 $0x4000, s31;
	s1 =	sadd.s32 s1, s30  }
0xc0: {  	s0 =	sor.u32 s3, s0;
	s1 =	sshll.u32 s1, $0x11  }
0xc1: {  	s0 =	sor.u32 s1, s0  }
0xc2: {  	s0 =	sadd.s32 $0x8F2B, s0  }
0xc3: {  	[sflag:s0] =	ssyncadd.remote.s32 $0x1  }
0xc4: {  	_ =	sfence.sel $0xFFFF  }
0xc5: {  	[dreg:$0x0] =	wrdreg $0xFFFFFFFF;
	(pc) =	sbr.abs _section_cstart, $3  }
0xc6: {  	[dreg:$0x1] =	wrdreg $0xFFFFFFFF  }
0xc7: {  	_ =	task.clear_ibuf [dreg:s7], $0x2FFFF;
	_ =	strace $0x9FFFFFFF  }
0xc8: {  	(tm) =	ssettm $0x7FFFFFFF  }
0xc9: {  	_ =	shalt  }
tec
execute0_lowered:
.L_overlay_start_1:
0x0: {  	(tag) =	ssettag $0x1  }
0x1: {  	s3 =	rddreg [dreg:$0x0]  }
0x2: {  	s1 =	srdreg.scid;
	s0 =	stileid.u32  }
0x3: {  	s4 =	rddreg [dreg:$0x1];
	s9 =	simm.s32 $0x400;
	s10 =	simm.s32 $0x0  }
0x4: {  	s5 =	sand.u32 $0x1, s1;
	s2 =	sshll.u32 s0, $0x1;
	s1 =	rddreg [dreg:$0x2]  }
0x5: {  	s7 =	sshrl.u32 s0, $0x2;
	s6 =	sor.u32 s5, s2;
	s2 =	simm.s32 $0x0  }
0x6: {  	s7 =	smul.u32 $0x13C00, s7;
	s5 =	ssub.s32 $0x2, s5;
	s8 =	sshll.u32 s6, $0x7  }
0x7: {  	[smem:$0x7FF] =	sst s2;
	s6 =	smul.u32 $0x4E2, s6;
	s31 =	sshrl.u32 s5, $0x1  }
0x8: {  	s8 =	sand.u32 $0x380, s8;
	_ =	strace $0x80000047;
	s5 =	ssub.s32 s5, s31  }
0x9: {  	s7 =	sor.u32 s7, s8;
	s3 =	sadd.s32 s6, s3;
	s5 =	smax.u32 s5, $0x1  }
0xa: {  	s6 =	simm.s32 $0x1;
	s8 =	simm.s32 $0x80;
	s7 =	sshrl.u32 s7, $0x3  }
0xb: {  	v0 =	vimm.f32 $0.0e+00;
	v1 =	vimm.f32 $1.000000000e+00;
	s3 =	sadd.s32 $0x1A00, s3;
	s4 =	sadd.s32 s4, s7;
	s7 =	simm.s32 $0x2780  }
.LBB2_1:
0xc: {  	[tilespmem:s2], [sflag:$0x1] =	stream.linear.gather [hbm4b:s3+s2], $0x2710, $0x38;
	[tilespmem:$0x4F00] =	vst v63  }
0xd: {  	_ =	swait.ge [sflag:s6], $0x2710  }
0xe: {  	[sflag:s6] =	ssyncset.done $0x0  }
0xf: {  	s11 =	simm.s32 $0x0;
	[sflag:s6] =	ssyncadd.s32 $0xFFFFD8F0  }
.LBB2_2:
0x10: {  	p0 =	sne.s32 s11, $0x9C00  }
.Ltmp0:
0x11: {  	_ = 	snop;
	(pc) =	sbr.rel @p0 .LBB2_2-.Ltmp0, $3  }
0x12: {  	_ =	sdelay $0x1  }
0x13: {  	s12 =	sshra.s32 s11, $0x2  }
0x14: {  	s11 =	sadd.s32 $0x40, s11;
	[tilespmem:s12+$0x2780] =	vst v0  }
0x15: {  	s12 =	simm.s32 $0x0;
	s11 =	simm.s32 $0x40  }
.LBB2_4:
0x16: {  	p0 =	sne.s32 s11, $0x9C00;
	v2 =	vld [tilespmem:s12+$0x0];
	_ =	sdelay $0x3  }
.Ltmp1:
0x17: {  	(pc) =	sbr.rel @p0 .LBB2_4-.Ltmp1, $2  }
0x18: {  	_ =	sdelay $0x2  }
0x19: {  	s12 =	sshra.s32 s11, $0x2;
	s11 =	sadd.s32 $0x40, s11;
	[tilespmem:v2+s7+$0x0] =	vst.idx.add.f32.msk $0xffff, v1  }
0x1a: {  	v2 =	vld [tilespmem:s12+$0x0];
	_ =	sdelay $0x5  }
0x1b: {  	s10 =	sadd.s32 $0x1, s10  }
0x1c: {  	p0 =	sne.s32 s10, s5  }
.Ltmp2:
0x1d: {  	[tilespmem:v2+s7+$0x0] =	vst.idx.add.f32.msk $0xffff, v1;
	(pc) =	sbr.rel @p0 .LBB2_1-.Ltmp2, $4  }
0x1e: {  	[hbm4b:s4+s8] =	stream.strided.scatter [tilespmem:s7], [sflag:$0x1], $0x2780, s9, s8, $0x38;
	[tilespmem:$0x4F00] =	vst v63  }
0x1f: {  	_ =	swait.ge [sflag:s6], $0x2780  }
0x20: {  	[sflag:s6] =	ssyncset.done $0x0  }
0x21: {  	[sflag:s6] =	ssyncadd.s32 $0xFFFFD880  }
0x22: {  	_ =	sfence.sel $0x180000  }
0x23: {  	[bflag:$0x0] =	sbarrier.arrive $0xFFFF  }
0x24: {  	p0 =	sne.s32 s0, $0x0;
	_ =	strace $0x90000047  }
0x25: {  	s0 =	sadd.s32 @!p0 $0x100000, s1;
	[bflag:$0x2] =	sbarrier.arrive $0xFFFF  }
0x26: {  	[sflag:s0] =	ssyncadd.tile.s32 @!p0 $0x1;
	_ =	shalt  }
.Lfunc_end2:
_tile_overlayer_lowered:
.L_overlay_start_2:
0x27: {  	(tag) =	ssettag $0x2  }
0x28: {  	s0 =	rddreg [dreg:$0x0];
	s2 =	stileid.u32  }
0x29: {  	s1 =	rddreg [dreg:$0x1];
	p0 =	sne.s32 s2, $0x0  }
0x2a: {  	s3 =	rddreg [dreg:$0x2];
	[bflag:$0x3] =	sbarrier.arrive $0xFFFF;
	s2 =	simm.s32 @!p0 $0x1C01  }
0x2b: {  	[timem:s3], [sflag:s2] =	dma.local @!p0 [hbm:s0], s1  }
0x2c: {  	s0 =	simm.s32 @!p0 $0x1  }
0x2d: {  	_ =	swait.ge @!p0 [sflag:s0], s1  }
0x2e: {  	s1 =	ssub.s32 @!p0 $0x0, s1;
	[sflag:s0] =	ssyncset.done @!p0 $0x0  }
0x2f: {  	[sflag:s0] =	ssyncadd.s32 @!p0 s1  }
0x30: {  	[bflag:$0x3] =	sbarrier.arrive $0xFFFF  }
0x31: {  	_ =	shalt  }

</sc_bundles>
